<compile_context>
chip_gen: v7x
topology: tpu7x:2x2x1
jax: 0.10.2.dev20260603
libtpu: 0.0.44.dev20260713+nightly
codegen_flags: <defaults>
</compile_context>

<pallas_src>
import functools

import jax
import jax.numpy as jnp
from jax import lax
from jax.experimental import pallas as pl
from jax.experimental.pallas import tpu as pltpu
from jax.experimental.pallas import tpu_sc as plsc

N_NODES = 10000
N_EDGES = 320000
D_IN = 128
D_H = 128
D_OUT = 64

NC = 2
NS = 16
NW = NC * NS
CHUNK1 = 128
CHUNK2 = 512
NFULL = N_NODES // 128
TAIL0 = NFULL * 128
TAILN = N_NODES - TAIL0


def _make_agg(d, chunk, with_deg):
    ksub = chunk // 128
    nch = N_EDGES // chunk
    mesh = plsc.VectorSubcoreMesh(core_axis_name="c", subcore_axis_name="s")
    out_type = [jax.ShapeDtypeStruct((NC, N_NODES, d), jnp.float32)]
    scratch = [
        pltpu.VMEM((ksub, 128), jnp.int32),
        pltpu.VMEM((ksub, 128), jnp.int32),
        pltpu.VMEM((chunk, d), jnp.float32),
        pltpu.VMEM_SHARED((N_NODES, d), jnp.float32),
        pltpu.SemaphoreType.DMA,
    ]
    if with_deg:
        out_type.append(jax.ShapeDtypeStruct((NC, N_NODES, 8), jnp.float32))
        scratch += [
            pltpu.VMEM((128, 8), jnp.float32),
            pltpu.VMEM((128, 8), jnp.float32),
            pltpu.VMEM_SHARED((N_NODES, 8), jnp.float32),
        ]

    @functools.partial(
        pl.kernel, mesh=mesh, out_type=out_type, scratch_types=scratch,
        compiler_params=pltpu.CompilerParams(use_tc_tiling_on_sc=False))
    def k(*refs):
        if with_deg:
            (y_hbm, src_hbm, dst_hbm, z_hbm, z8_hbm, ones_hbm,
             agg_out, deg_out,
             src_v, dst_v, rows_v, acc_sh, sem, ones_v, zd_v, deg_sh) = refs
        else:
            (y_hbm, src_hbm, dst_hbm, z_hbm,
             agg_out,
             src_v, dst_v, rows_v, acc_sh, sem) = refs
        cid = lax.axis_index("c")
        sid = lax.axis_index("s")
        w = cid * NS + sid

        pltpu.sync_copy(z_hbm, rows_v.at[pl.ds(0, 128)])
        if with_deg:
            pltpu.sync_copy(z8_hbm, zd_v)
            pltpu.sync_copy(ones_hbm, ones_v)
        nz = (NFULL - sid + NS - 1) // NS

        def zbody(i, carry):
            t = (sid + i * NS) * 128
            pltpu.sync_copy(rows_v.at[pl.ds(0, 128)],
                            acc_sh.at[pl.ds(t, 128)])
            if with_deg:
                pltpu.sync_copy(zd_v, deg_sh.at[pl.ds(t, 128)])
            return carry

        lax.fori_loop(0, nz, zbody, 0)

        @pl.when(sid == 0)
        def _():
            pltpu.sync_copy(rows_v.at[pl.ds(0, TAILN)],
                            acc_sh.at[pl.ds(TAIL0, TAILN)])
            if with_deg:
                pltpu.sync_copy(zd_v.at[pl.ds(0, TAILN)],
                                deg_sh.at[pl.ds(TAIL0, TAILN)])

        plsc.subcore_barrier()

        n_iter = (nch - w + NW - 1) // NW

        def body(i, carry):
            j = w + i * NW
            pltpu.sync_copy(src_hbm.at[j], src_v)
            pltpu.sync_copy(dst_hbm.at[j], dst_v)
            cps = [
                pltpu.async_copy(y_hbm.at[src_v.at[q]],
                                 rows_v.at[pl.ds(q * 128, 128)], sem)
                for q in range(ksub)
            ]
            for cp in cps:
                cp.wait()
            for q in range(ksub):
                pltpu.sync_copy(rows_v.at[pl.ds(q * 128, 128)],
                                acc_sh.at[dst_v.at[q]], add=True)
                if with_deg:
                    pltpu.sync_copy(ones_v, deg_sh.at[dst_v.at[q]],
                                    add=True)
            return carry

        lax.fori_loop(0, n_iter, body, 0)
        plsc.subcore_barrier()

        def wbody(i, carry):
            t = (sid + i * NS) * 128
            pltpu.sync_copy(acc_sh.at[pl.ds(t, 128)],
                            rows_v.at[pl.ds(0, 128)])
            pltpu.sync_copy(rows_v.at[pl.ds(0, 128)],
                            agg_out.at[cid].at[pl.ds(t, 128)])
            if with_deg:
                pltpu.sync_copy(deg_sh.at[pl.ds(t, 128)], zd_v)
                pltpu.sync_copy(zd_v, deg_out.at[cid].at[pl.ds(t, 128)])
            return carry

        lax.fori_loop(0, nz, wbody, 0)

        @pl.when(sid == 0)
        def _():
            pltpu.sync_copy(acc_sh.at[pl.ds(TAIL0, TAILN)],
                            rows_v.at[pl.ds(0, TAILN)])
            pltpu.sync_copy(rows_v.at[pl.ds(0, TAILN)],
                            agg_out.at[cid].at[pl.ds(TAIL0, TAILN)])
            if with_deg:
                pltpu.sync_copy(deg_sh.at[pl.ds(TAIL0, TAILN)],
                                zd_v.at[pl.ds(0, TAILN)])
                pltpu.sync_copy(zd_v.at[pl.ds(0, TAILN)],
                                deg_out.at[cid].at[pl.ds(TAIL0, TAILN)])

    return k


_agg_deg = _make_agg(D_H, CHUNK1, True)
_agg64 = _make_agg(D_OUT, CHUNK2, False)

_BN = 1000
_GRID = N_NODES // _BN


def _mm_body(x_ref, w_ref, o_ref):
    o_ref[...] = jnp.dot(x_ref[...], w_ref[...],
                         preferred_element_type=jnp.float32)


def _tc_mm(x, w):
    m, k = x.shape
    n = w.shape[1]
    return pl.pallas_call(
        _mm_body,
        grid=(_GRID,),
        in_specs=[
            pl.BlockSpec((_BN, k), lambda i: (i, 0)),
            pl.BlockSpec((k, n), lambda i: (0, 0)),
        ],
        out_specs=pl.BlockSpec((_BN, n), lambda i: (i, 0)),
        out_shape=jax.ShapeDtypeStruct((m, n), jnp.float32),
    )(x, w)


def _layer1_body(agg_ref, deg_ref, x_ref, wr_ref, b_ref, w2l_ref,
                 h_ref, y2_ref):
    agg = agg_ref[0] + agg_ref[1]
    d = deg_ref[...]
    deg = d[0, :, 0] + d[1, :, 0]
    inv = 1.0 / jnp.maximum(deg, 1.0)
    h = agg * inv[:, None] + b_ref[...] + jnp.dot(
        x_ref[...], wr_ref[...], preferred_element_type=jnp.float32)
    h = jnp.maximum(h, 0.0)
    h_ref[...] = h
    y2_ref[...] = jnp.dot(h, w2l_ref[...],
                          preferred_element_type=jnp.float32)


def _tc_layer1(agg, deg, x, w1r, b1, w2l):
    return pl.pallas_call(
        _layer1_body,
        grid=(_GRID,),
        in_specs=[
            pl.BlockSpec((NC, _BN, D_H), lambda i: (0, i, 0)),
            pl.BlockSpec((NC, _BN, 8), lambda i: (0, i, 0)),
            pl.BlockSpec((_BN, D_IN), lambda i: (i, 0)),
            pl.BlockSpec((D_IN, D_H), lambda i: (0, 0)),
            pl.BlockSpec((1, D_H), lambda i: (0, 0)),
            pl.BlockSpec((D_H, D_OUT), lambda i: (0, 0)),
        ],
        out_specs=[
            pl.BlockSpec((_BN, D_H), lambda i: (i, 0)),
            pl.BlockSpec((_BN, D_OUT), lambda i: (i, 0)),
        ],
        out_shape=[
            jax.ShapeDtypeStruct((N_NODES, D_H), jnp.float32),
            jax.ShapeDtypeStruct((N_NODES, D_OUT), jnp.float32),
        ],
    )(agg, deg, x, w1r, b1, w2l)


def _layer2_body(agg_ref, deg_ref, h_ref, wr_ref, b_ref, o_ref):
    agg = agg_ref[0] + agg_ref[1]
    d = deg_ref[...]
    deg = d[0, :, 0] + d[1, :, 0]
    inv = 1.0 / jnp.maximum(deg, 1.0)
    z = agg * inv[:, None] + b_ref[...] + jnp.dot(
        h_ref[...], wr_ref[...], preferred_element_type=jnp.float32)
    m = jnp.max(z, axis=1, keepdims=True)
    lse = jnp.log(jnp.sum(jnp.exp(z - m), axis=1, keepdims=True)) + m
    o_ref[...] = z - lse


def _tc_layer2(agg2, deg, h, w2r, b2):
    return pl.pallas_call(
        _layer2_body,
        grid=(_GRID,),
        in_specs=[
            pl.BlockSpec((NC, _BN, D_OUT), lambda i: (0, i, 0)),
            pl.BlockSpec((NC, _BN, 8), lambda i: (0, i, 0)),
            pl.BlockSpec((_BN, D_H), lambda i: (i, 0)),
            pl.BlockSpec((D_H, D_OUT), lambda i: (0, 0)),
            pl.BlockSpec((1, D_OUT), lambda i: (0, 0)),
        ],
        out_specs=pl.BlockSpec((_BN, D_OUT), lambda i: (i, 0)),
        out_shape=jax.ShapeDtypeStruct((N_NODES, D_OUT), jnp.float32),
    )(agg2, deg, h, w2r, b2)


def kernel(x, edge_index, W1_l, b1_l, W1_r, W2_l, b2_l, W2_r):
    ei = edge_index.astype(jnp.int32)
    src1 = ei[0].reshape(N_EDGES // CHUNK1, CHUNK1 // 128, 128)
    dst1 = ei[1].reshape(N_EDGES // CHUNK1, CHUNK1 // 128, 128)
    src2 = ei[0].reshape(N_EDGES // CHUNK2, CHUNK2 // 128, 128)
    dst2 = ei[1].reshape(N_EDGES // CHUNK2, CHUNK2 // 128, 128)
    z128 = jnp.zeros((128, D_H), jnp.float32)
    z64 = jnp.zeros((128, D_OUT), jnp.float32)
    z8 = jnp.zeros((128, 8), jnp.float32)
    ones8 = jnp.ones((128, 8), jnp.float32)

    y1 = _tc_mm(x, W1_l)
    agg1, deg = _agg_deg(y1, src1, dst1, z128, z8, ones8)
    h, y2 = _tc_layer1(agg1, deg, x, W1_r, b1_l.reshape(1, D_H), W2_l)
    (agg2,) = _agg64(y2, src2, dst2, z64)
    return _tc_layer2(agg2, deg, h, W2_r, b2_l.reshape(1, D_OUT))

# --- scband reference (transcript-rebuilt; emitter-appended) ---
"""Pipeline reference for scband-graph-sage-91276644974851 (READ-ONLY COPY).

The authoritative reference and input builder live on the scoring server;
editing this copy changes nothing except your own understanding.
"""

import jax, jax.numpy as jnp
import numpy as np

N_NODES = 10000
N_EDGES = 320000
D_IN = 128
D_H = 128
D_OUT = 64


def _glorot(key, shape):
    fan_in, fan_out = shape[0], shape[1]
    limit = jnp.sqrt(6.0 / (fan_in + fan_out))
    return jax.random.uniform(key, shape, dtype=jnp.float32, minval=-limit, maxval=limit)


def setup_inputs(seed: int = 0) -> dict:
    key = jax.random.key(seed)
    ks = jax.random.split(key, 8)
    x = jax.random.normal(ks[0], (N_NODES, D_IN), dtype=jnp.float32)
    edge_index = jax.random.randint(ks[1], (2, N_EDGES), 0, N_NODES, dtype=jnp.int64)
    # SAGEConv layer 1: lin_l (applied to aggregated neighbors, with bias), lin_r (root, no bias)
    W1_l = _glorot(ks[2], (D_IN, D_H))
    b1_l = jnp.zeros((D_H,), dtype=jnp.float32)
    W1_r = _glorot(ks[3], (D_IN, D_H))
    # SAGEConv layer 2
    W2_l = _glorot(ks[4], (D_H, D_OUT))
    b2_l = jnp.zeros((D_OUT,), dtype=jnp.float32)
    W2_r = _glorot(ks[5], (D_H, D_OUT))
    return {"x": x, "edge_index": edge_index, "W1_l": W1_l, "b1_l": b1_l, "W1_r": W1_r,
            "W2_l": W2_l, "b2_l": b2_l, "W2_r": W2_r}


def _sage_conv(x, src, dst, W_l, b_l, W_r, num_nodes):
    # mean aggregation of source-node features at destination nodes
    msgs = jnp.take(x, src, axis=0)
    agg = jax.ops.segment_sum(msgs, dst, num_segments=num_nodes)
    cnt = jax.ops.segment_sum(jnp.ones((src.shape[0],), dtype=x.dtype), dst, num_segments=num_nodes)
    mean = agg / jnp.clip(cnt, 1.0)[:, None]
    return mean @ W_l + b_l + x @ W_r


def reference(x, edge_index, W1_l, b1_l, W1_r, W2_l, b2_l, W2_r):
    src = edge_index[0]
    dst = edge_index[1]
    h = _sage_conv(x, src, dst, W1_l, b1_l, W1_r, N_NODES)
    h = jax.nn.relu(h)
    # dropout p=0.5 is identity in eval mode
    h = _sage_conv(h, src, dst, W2_l, b2_l, W2_r, N_NODES)
    return jax.nn.log_softmax(h, axis=1)

if __name__ == "__main__":
    import jax
    _d = setup_inputs()
    print(jax.jit(kernel)(*tuple(_d.values())))

</pallas_src>

<mosaic_0001>
#map = affine_map<(d0, d1) -> (0, 0)>
#map1 = affine_map<(d0, d1) -> (0, 0, 0)>
module attributes {stable_mosaic.version = 14 : i64} {
  func.func @k(%arg0: i32, %arg1: i32, %arg2: memref<10000x64xf32, #tpu.memory_space<hbm>>, %arg3: memref<625x4x128xi32, #tpu.memory_space<hbm>>, %arg4: memref<625x4x128xi32, #tpu.memory_space<hbm>>, %arg5: memref<128x64xf32, #tpu.memory_space<hbm>>, %arg6: memref<2x10000x64xf32, #tpu.memory_space<hbm>>, %arg7: memref<4x128xi32, #tpu.memory_space<vmem>>, %arg8: memref<4x128xi32, #tpu.memory_space<vmem>>, %arg9: memref<512x64xf32, #tpu.memory_space<vmem>>, %arg10: memref<10000x64xf32, #tpu.memory_space<vmem_shared>>, %arg11: memref<!tpu.dma_semaphore, #tpu.memory_space<semaphore_mem>>) attributes {dimension_semantics = [#tpu.dimension_semantics<core_parallel>, #tpu.dimension_semantics<subcore_parallel>], iteration_bounds = array<i64: 2, 16>, scalar_prefetch = 0 : i64, scratch_operands = 5 : i64, tpu.core_type = #tpu.core_type<sc_vector_subcore>, window_params = [{transform_indices = #map}, {transform_indices = #map1}, {transform_indices = #map1}, {transform_indices = #map}, {transform_indices = #map1}]} {
    %mul3A = arith.constant 16 : i32
    %mul3A_0 = arith.muli %arg0, %mul3A : i32
    %add3A = arith.addi %mul3A_0, %arg1 : i32
    "tpu.region"() ({
      %run_scoped3A = tpu.sem_alloc : memref<!tpu.dma_semaphore, #tpu.memory_space<semaphore_mem>>
      %dma_start3A = arith.constant 0 : i32
      %dma_start3A_90 = arith.constant 0 : i32
      %dma_start3A_91 = tpu.memref_slice %arg9[%dma_start3A, %dma_start3A_90] : memref<512x64xf32, #tpu.memory_space<vmem>> -> memref<128x64xf32, #tpu.memory_space<vmem>>
      %dma_start3A_92 = arith.constant 0 : i32
      %dma_start3A_93 = arith.constant 0 : i32
      %dma_start3A_94 = tpu.memref_slice %arg9[%dma_start3A_92, %dma_start3A_93] : memref<512x64xf32, #tpu.memory_space<vmem>> -> memref<128x64xf32, #tpu.memory_space<vmem>>
      tpu.enqueue_dma source(%arg5 : memref<128x64xf32, #tpu.memory_space<hbm>>) target(%dma_start3A_94 : memref<128x64xf32, #tpu.memory_space<vmem>>) target_semaphore(%run_scoped3A : memref<!tpu.dma_semaphore, #tpu.memory_space<semaphore_mem>>)
      %dma_wait3A = arith.constant 0 : i32
      %dma_wait3A_95 = arith.constant 0 : i32
      %dma_wait3A_96 = tpu.memref_slice %arg9[%dma_wait3A, %dma_wait3A_95] : memref<512x64xf32, #tpu.memory_space<vmem>> -> memref<128x64xf32, #tpu.memory_space<vmem>>
      %dma_wait3A_97 = arith.constant 0 : i32
      %dma_wait3A_98 = arith.constant 0 : i32
      %dma_wait3A_99 = tpu.memref_slice %arg9[%dma_wait3A_97, %dma_wait3A_98] : memref<512x64xf32, #tpu.memory_space<vmem>> -> memref<128x64xf32, #tpu.memory_space<vmem>>
      tpu.wait_dma2 semaphore(%run_scoped3A : memref<!tpu.dma_semaphore, #tpu.memory_space<semaphore_mem>>) src(%arg5 : memref<128x64xf32, #tpu.memory_space<hbm>>) dst(%dma_wait3A_99 : memref<128x64xf32, #tpu.memory_space<vmem>>)
      tpu.yield
    }) : () -> ()
    %sub3A = arith.constant 78 : i32
    %sub3A_1 = arith.subi %sub3A, %arg1 : i32
    %add3A_2 = arith.constant 16 : i32
    %add3A_3 = arith.addi %sub3A_1, %add3A_2 : i32
    %sub3A_4 = arith.constant 1 : i32
    %sub3A_5 = arith.subi %add3A_3, %sub3A_4 : i32
    %jit3A = arith.constant 16 : i32
    %div3A = arith.divsi %sub3A_5, %jit3A : i32
    %sign3A = arith.constant 0 : i32
    %sign3A_6 = arith.cmpi sgt, %sub3A_5, %sign3A : i32
    %sign3A_7 = arith.extui %sign3A_6 : i1 to i32
    %sign3A_8 = arith.constant 0 : i32
    %sign3A_9 = arith.cmpi slt, %sub3A_5, %sign3A_8 : i32
    %sign3A_10 = arith.extui %sign3A_9 : i1 to i32
    %sign3A_11 = arith.subi %sign3A_7, %sign3A_10 : i32
    %sign3A_12 = arith.constant 0 : i32
    %sign3A_13 = arith.cmpi sgt, %jit3A, %sign3A_12 : i32
    %sign3A_14 = arith.extui %sign3A_13 : i1 to i32
    %sign3A_15 = arith.constant 0 : i32
    %sign3A_16 = arith.cmpi slt, %jit3A, %sign3A_15 : i32
    %sign3A_17 = arith.extui %sign3A_16 : i1 to i32
    %sign3A_18 = arith.subi %sign3A_14, %sign3A_17 : i32
    %ne3A = arith.cmpi ne, %sign3A_11, %sign3A_18 : i32
    %rem3A = arith.remsi %sub3A_5, %jit3A : i32
    %ne3A_19 = arith.constant 0 : i32
    %ne3A_20 = arith.cmpi ne, %rem3A, %ne3A_19 : i32
    %and3A = arith.andi %ne3A, %ne3A_20 : i1
    %sub3A_21 = arith.constant 1 : i32
    %sub3A_22 = arith.subi %div3A, %sub3A_21 : i32
    %select_n3A = arith.select %and3A, %sub3A_22, %div3A : i32
    %while3A = arith.constant 0 : i32
    %while3A_23 = arith.constant 0 : i32
    %while3A_24 = arith.subi %select_n3A, %while3A_23 : i32
    %while3A_25 = arith.addi %while3A_23, %while3A_24 : i32
    %while3A_26 = arith.constant 1 : i32
    %while3A_27 = arith.divsi %while3A_24, %while3A_26 : i32
    %while3A_28 = arith.muli %while3A_27, %while3A_26 : i32
    %while3A_29 = arith.addi %while3A_23, %while3A_28 : i32
    %while3A_30 = arith.constant 1 : i32
    scf.for %while3A_90 = %while3A_23 to %while3A_29 step %while3A_30  : i32 {
      %mul3A_91 = arith.constant 16 : i32
      %mul3A_92 = arith.muli %while3A_90, %mul3A_91 : i32
      %add3A_93 = arith.addi %arg1, %mul3A_92 : i32
      %mul3A_94 = arith.constant 128 : i32
      %mul3A_95 = arith.muli %add3A_93, %mul3A_94 : i32
      "tpu.region"() ({
        %run_scoped3A = tpu.sem_alloc : memref<!tpu.dma_semaphore, #tpu.memory_space<semaphore_mem>>
        %dma_start3A = arith.constant 0 : i32
        %dma_start3A_96 = arith.constant 0 : i32
        %dma_start3A_97 = tpu.memref_slice %arg9[%dma_start3A, %dma_start3A_96] : memref<512x64xf32, #tpu.memory_space<vmem>> -> memref<128x64xf32, #tpu.memory_space<vmem>>
        %dma_start3A_98 = arith.constant 0 : i32
        %dma_start3A_99 = tpu.memref_slice %arg10[%mul3A_95, %dma_start3A_98] : memref<10000x64xf32, #tpu.memory_space<vmem_shared>> -> memref<128x64xf32, #tpu.memory_space<vmem_shared>>
        %dma_start3A_100 = arith.constant 0 : i32
        %dma_start3A_101 = tpu.memref_slice %arg10[%mul3A_95, %dma_start3A_100] : memref<10000x64xf32, #tpu.memory_space<vmem_shared>> -> memref<128x64xf32, #tpu.memory_space<vmem_shared>>
        %dma_start3A_102 = arith.constant 0 : i32
        %dma_start3A_103 = arith.constant 0 : i32
        %dma_start3A_104 = tpu.memref_slice %arg9[%dma_start3A_102, %dma_start3A_103] : memref<512x64xf32, #tpu.memory_space<vmem>> -> memref<128x64xf32, #tpu.memory_space<vmem>>
        tpu.enqueue_dma source(%dma_start3A_104 : memref<128x64xf32, #tpu.memory_space<vmem>>) target(%dma_start3A_101 : memref<128x64xf32, #tpu.memory_space<vmem_shared>>) target_semaphore(%run_scoped3A : memref<!tpu.dma_semaphore, #tpu.memory_space<semaphore_mem>>)
        %dma_wait3A = arith.constant 0 : i32
        %dma_wait3A_105 = arith.constant 0 : i32
        %dma_wait3A_106 = tpu.memref_slice %arg9[%dma_wait3A, %dma_wait3A_105] : memref<512x64xf32, #tpu.memory_space<vmem>> -> memref<128x64xf32, #tpu.memory_space<vmem>>
        %dma_wait3A_107 = arith.constant 0 : i32
        %dma_wait3A_108 = tpu.memref_slice %arg10[%mul3A_95, %dma_wait3A_107] : memref<10000x64xf32, #tpu.memory_space<vmem_shared>> -> memref<128x64xf32, #tpu.memory_space<vmem_shared>>
        %dma_wait3A_109 = arith.constant 0 : i32
        %dma_wait3A_110 = tpu.memref_slice %arg10[%mul3A_95, %dma_wait3A_109] : memref<10000x64xf32, #tpu.memory_space<vmem_shared>> -> memref<128x64xf32, #tpu.memory_space<vmem_shared>>
        %dma_wait3A_111 = arith.constant 0 : i32
        %dma_wait3A_112 = arith.constant 0 : i32
        %dma_wait3A_113 = tpu.memref_slice %arg9[%dma_wait3A_111, %dma_wait3A_112] : memref<512x64xf32, #tpu.memory_space<vmem>> -> memref<128x64xf32, #tpu.memory_space<vmem>>
        tpu.wait_dma2 semaphore(%run_scoped3A : memref<!tpu.dma_semaphore, #tpu.memory_space<semaphore_mem>>) src(%dma_wait3A_113 : memref<128x64xf32, #tpu.memory_space<vmem>>) dst(%dma_wait3A_110 : memref<128x64xf32, #tpu.memory_space<vmem_shared>>)
        tpu.yield
      }) : () -> ()
    }
    %while3A_31 = arith.constant 1 : i32
    scf.for %while3A_90 = %while3A_29 to %while3A_25 step %while3A_31  : i32 {
      %mul3A_91 = arith.constant 16 : i32
      %mul3A_92 = arith.muli %while3A_90, %mul3A_91 : i32
      %add3A_93 = arith.addi %arg1, %mul3A_92 : i32
      %mul3A_94 = arith.constant 128 : i32
      %mul3A_95 = arith.muli %add3A_93, %mul3A_94 : i32
      "tpu.region"() ({
        %run_scoped3A = tpu.sem_alloc : memref<!tpu.dma_semaphore, #tpu.memory_space<semaphore_mem>>
        %dma_start3A = arith.constant 0 : i32
        %dma_start3A_96 = arith.constant 0 : i32
        %dma_start3A_97 = tpu.memref_slice %arg9[%dma_start3A, %dma_start3A_96] : memref<512x64xf32, #tpu.memory_space<vmem>> -> memref<128x64xf32, #tpu.memory_space<vmem>>
        %dma_start3A_98 = arith.constant 0 : i32
        %dma_start3A_99 = tpu.memref_slice %arg10[%mul3A_95, %dma_start3A_98] : memref<10000x64xf32, #tpu.memory_space<vmem_shared>> -> memref<128x64xf32, #tpu.memory_space<vmem_shared>>
        %dma_start3A_100 = arith.constant 0 : i32
        %dma_start3A_101 = tpu.memref_slice %arg10[%mul3A_95, %dma_start3A_100] : memref<10000x64xf32, #tpu.memory_space<vmem_shared>> -> memref<128x64xf32, #tpu.memory_space<vmem_shared>>
        %dma_start3A_102 = arith.constant 0 : i32
        %dma_start3A_103 = arith.constant 0 : i32
        %dma_start3A_104 = tpu.memref_slice %arg9[%dma_start3A_102, %dma_start3A_103] : memref<512x64xf32, #tpu.memory_space<vmem>> -> memref<128x64xf32, #tpu.memory_space<vmem>>
        tpu.enqueue_dma source(%dma_start3A_104 : memref<128x64xf32, #tpu.memory_space<vmem>>) target(%dma_start3A_101 : memref<128x64xf32, #tpu.memory_space<vmem_shared>>) target_semaphore(%run_scoped3A : memref<!tpu.dma_semaphore, #tpu.memory_space<semaphore_mem>>)
        %dma_wait3A = arith.constant 0 : i32
        %dma_wait3A_105 = arith.constant 0 : i32
        %dma_wait3A_106 = tpu.memref_slice %arg9[%dma_wait3A, %dma_wait3A_105] : memref<512x64xf32, #tpu.memory_space<vmem>> -> memref<128x64xf32, #tpu.memory_space<vmem>>
        %dma_wait3A_107 = arith.constant 0 : i32
        %dma_wait3A_108 = tpu.memref_slice %arg10[%mul3A_95, %dma_wait3A_107] : memref<10000x64xf32, #tpu.memory_space<vmem_shared>> -> memref<128x64xf32, #tpu.memory_space<vmem_shared>>
        %dma_wait3A_109 = arith.constant 0 : i32
        %dma_wait3A_110 = tpu.memref_slice %arg10[%mul3A_95, %dma_wait3A_109] : memref<10000x64xf32, #tpu.memory_space<vmem_shared>> -> memref<128x64xf32, #tpu.memory_space<vmem_shared>>
        %dma_wait3A_111 = arith.constant 0 : i32
        %dma_wait3A_112 = arith.constant 0 : i32
        %dma_wait3A_113 = tpu.memref_slice %arg9[%dma_wait3A_111, %dma_wait3A_112] : memref<512x64xf32, #tpu.memory_space<vmem>> -> memref<128x64xf32, #tpu.memory_space<vmem>>
        tpu.wait_dma2 semaphore(%run_scoped3A : memref<!tpu.dma_semaphore, #tpu.memory_space<semaphore_mem>>) src(%dma_wait3A_113 : memref<128x64xf32, #tpu.memory_space<vmem>>) dst(%dma_wait3A_110 : memref<128x64xf32, #tpu.memory_space<vmem_shared>>)
        tpu.yield
      }) : () -> ()
    }
    %eq3A = arith.constant 0 : i32
    %eq3A_32 = arith.cmpi eq, %arg1, %eq3A : i32
    %convert_element_type3A = arith.extui %eq3A_32 : i1 to i32
    %cond3A = arith.constant 0 : i32
    %cond3A_33 = arith.cmpi ne, %convert_element_type3A, %cond3A : i32
    scf.if %cond3A_33 {
      "tpu.region"() ({
        %run_scoped3A = tpu.sem_alloc : memref<!tpu.dma_semaphore, #tpu.memory_space<semaphore_mem>>
        %dma_start3A = arith.constant 0 : i32
        %dma_start3A_90 = arith.constant 0 : i32
        %dma_start3A_91 = tpu.memref_slice %arg9[%dma_start3A, %dma_start3A_90] : memref<512x64xf32, #tpu.memory_space<vmem>> -> memref<16x64xf32, #tpu.memory_space<vmem>>
        %dma_start3A_92 = arith.constant 9984 : i32
        %dma_start3A_93 = arith.constant 0 : i32
        %dma_start3A_94 = tpu.memref_slice %arg10[%dma_start3A_92, %dma_start3A_93] : memref<10000x64xf32, #tpu.memory_space<vmem_shared>> -> memref<16x64xf32, #tpu.memory_space<vmem_shared>>
        %dma_start3A_95 = arith.constant 9984 : i32
        %dma_start3A_96 = arith.constant 0 : i32
        %dma_start3A_97 = tpu.memref_slice %arg10[%dma_start3A_95, %dma_start3A_96] : memref<10000x64xf32, #tpu.memory_space<vmem_shared>> -> memref<16x64xf32, #tpu.memory_space<vmem_shared>>
        %dma_start3A_98 = arith.constant 0 : i32
        %dma_start3A_99 = arith.constant 0 : i32
        %dma_start3A_100 = tpu.memref_slice %arg9[%dma_start3A_98, %dma_start3A_99] : memref<512x64xf32, #tpu.memory_space<vmem>> -> memref<16x64xf32, #tpu.memory_space<vmem>>
        tpu.enqueue_dma source(%dma_start3A_100 : memref<16x64xf32, #tpu.memory_space<vmem>>) target(%dma_start3A_97 : memref<16x64xf32, #tpu.memory_space<vmem_shared>>) target_semaphore(%run_scoped3A : memref<!tpu.dma_semaphore, #tpu.memory_space<semaphore_mem>>)
        %dma_wait3A = arith.constant 0 : i32
        %dma_wait3A_101 = arith.constant 0 : i32
        %dma_wait3A_102 = tpu.memref_slice %arg9[%dma_wait3A, %dma_wait3A_101] : memref<512x64xf32, #tpu.memory_space<vmem>> -> memref<16x64xf32, #tpu.memory_space<vmem>>
        %dma_wait3A_103 = arith.constant 9984 : i32
        %dma_wait3A_104 = arith.constant 0 : i32
        %dma_wait3A_105 = tpu.memref_slice %arg10[%dma_wait3A_103, %dma_wait3A_104] : memref<10000x64xf32, #tpu.memory_space<vmem_shared>> -> memref<16x64xf32, #tpu.memory_space<vmem_shared>>
        %dma_wait3A_106 = arith.constant 9984 : i32
        %dma_wait3A_107 = arith.constant 0 : i32
        %dma_wait3A_108 = tpu.memref_slice %arg10[%dma_wait3A_106, %dma_wait3A_107] : memref<10000x64xf32, #tpu.memory_space<vmem_shared>> -> memref<16x64xf32, #tpu.memory_space<vmem_shared>>
        %dma_wait3A_109 = arith.constant 0 : i32
        %dma_wait3A_110 = arith.constant 0 : i32
        %dma_wait3A_111 = tpu.memref_slice %arg9[%dma_wait3A_109, %dma_wait3A_110] : memref<512x64xf32, #tpu.memory_space<vmem>> -> memref<16x64xf32, #tpu.memory_space<vmem>>
        tpu.wait_dma2 semaphore(%run_scoped3A : memref<!tpu.dma_semaphore, #tpu.memory_space<semaphore_mem>>) src(%dma_wait3A_111 : memref<16x64xf32, #tpu.memory_space<vmem>>) dst(%dma_wait3A_108 : memref<16x64xf32, #tpu.memory_space<vmem_shared>>)
        tpu.yield
      }) : () -> ()
    } else {
    }
    %barrier3A = arith.constant 0 : index
    tpu.barrier barrier_id(%barrier3A)
    %sub3A_34 = arith.constant 625 : i32
    %sub3A_35 = arith.subi %sub3A_34, %add3A : i32
    %add3A_36 = arith.constant 32 : i32
    %add3A_37 = arith.addi %sub3A_35, %add3A_36 : i32
    %sub3A_38 = arith.constant 1 : i32
    %sub3A_39 = arith.subi %add3A_37, %sub3A_38 : i32
    %jit3A_40 = arith.constant 32 : i32
    %div3A_41 = arith.divsi %sub3A_39, %jit3A_40 : i32
    %sign3A_42 = arith.constant 0 : i32
    %sign3A_43 = arith.cmpi sgt, %sub3A_39, %sign3A_42 : i32
    %sign3A_44 = arith.extui %sign3A_43 : i1 to i32
    %sign3A_45 = arith.constant 0 : i32
    %sign3A_46 = arith.cmpi slt, %sub3A_39, %sign3A_45 : i32
    %sign3A_47 = arith.extui %sign3A_46 : i1 to i32
    %sign3A_48 = arith.subi %sign3A_44, %sign3A_47 : i32
    %sign3A_49 = arith.constant 0 : i32
    %sign3A_50 = arith.cmpi sgt, %jit3A_40, %sign3A_49 : i32
    %sign3A_51 = arith.extui %sign3A_50 : i1 to i32
    %sign3A_52 = arith.constant 0 : i32
    %sign3A_53 = arith.cmpi slt, %jit3A_40, %sign3A_52 : i32
    %sign3A_54 = arith.extui %sign3A_53 : i1 to i32
    %sign3A_55 = arith.subi %sign3A_51, %sign3A_54 : i32
    %ne3A_56 = arith.cmpi ne, %sign3A_48, %sign3A_55 : i32
    %rem3A_57 = arith.remsi %sub3A_39, %jit3A_40 : i32
    %ne3A_58 = arith.constant 0 : i32
    %ne3A_59 = arith.cmpi ne, %rem3A_57, %ne3A_58 : i32
    %and3A_60 = arith.andi %ne3A_56, %ne3A_59 : i1
    %sub3A_61 = arith.constant 1 : i32
    %sub3A_62 = arith.subi %div3A_41, %sub3A_61 : i32
    %select_n3A_63 = arith.select %and3A_60, %sub3A_62, %div3A_41 : i32
    %while3A_64 = arith.constant 0 : i32
    %while3A_65 = arith.constant 0 : i32
    %while3A_66 = arith.subi %select_n3A_63, %while3A_65 : i32
    %while3A_67 = arith.addi %while3A_65, %while3A_66 : i32
    %while3A_68 = arith.constant 1 : i32
    %while3A_69 = arith.divsi %while3A_66, %while3A_68 : i32
    %while3A_70 = arith.muli %while3A_69, %while3A_68 : i32
    %while3A_71 = arith.addi %while3A_65, %while3A_70 : i32
    %while3A_72 = arith.constant 1 : i32
    scf.for %while3A_90 = %while3A_65 to %while3A_71 step %while3A_72  : i32 {
      %mul3A_91 = arith.constant 32 : i32
      %mul3A_92 = arith.muli %while3A_90, %mul3A_91 : i32
      %add3A_93 = arith.addi %add3A, %mul3A_92 : i32
      "tpu.region"() ({
        %run_scoped3A_175 = tpu.sem_alloc : memref<!tpu.dma_semaphore, #tpu.memory_space<semaphore_mem>>
        %dma_start3A_176 = arith.constant 0 : i32
        %dma_start3A_177 = arith.constant 0 : i32
        %dma_start3A_178 = tpu.memref_slice %arg3[%add3A_93, %dma_start3A_176, %dma_start3A_177] : memref<625x4x128xi32, #tpu.memory_space<hbm>> -> memref<1x4x128xi32, #tpu.memory_space<hbm>>
        %dma_start3A_179 = tpu.memref_squeeze %dma_start3A_178 : memref<1x4x128xi32, #tpu.memory_space<hbm>> -> memref<4x128xi32, #tpu.memory_space<hbm>>
        %dma_start3A_180 = arith.constant 0 : i32
        %dma_start3A_181 = arith.constant 0 : i32
        %dma_start3A_182 = tpu.memref_slice %arg3[%add3A_93, %dma_start3A_180, %dma_start3A_181] : memref<625x4x128xi32, #tpu.memory_space<hbm>> -> memref<1x4x128xi32, #tpu.memory_space<hbm>>
        %dma_start3A_183 = tpu.memref_squeeze %dma_start3A_182 : memref<1x4x128xi32, #tpu.memory_space<hbm>> -> memref<4x128xi32, #tpu.memory_space<hbm>>
        tpu.enqueue_dma source(%dma_start3A_183 : memref<4x128xi32, #tpu.memory_space<hbm>>) target(%arg7 : memref<4x128xi32, #tpu.memory_space<vmem>>) target_semaphore(%run_scoped3A_175 : memref<!tpu.dma_semaphore, #tpu.memory_space<semaphore_mem>>)
        %dma_wait3A_184 = arith.constant 0 : i32
        %dma_wait3A_185 = arith.constant 0 : i32
        %dma_wait3A_186 = tpu.memref_slice %arg3[%add3A_93, %dma_wait3A_184, %dma_wait3A_185] : memref<625x4x128xi32, #tpu.memory_space<hbm>> -> memref<1x4x128xi32, #tpu.memory_space<hbm>>
        %dma_wait3A_187 = tpu.memref_squeeze %dma_wait3A_186 : memref<1x4x128xi32, #tpu.memory_space<hbm>> -> memref<4x128xi32, #tpu.memory_space<hbm>>
        %dma_wait3A_188 = arith.constant 0 : i32
        %dma_wait3A_189 = arith.constant 0 : i32
        %dma_wait3A_190 = tpu.memref_slice %arg3[%add3A_93, %dma_wait3A_188, %dma_wait3A_189] : memref<625x4x128xi32, #tpu.memory_space<hbm>> -> memref<1x4x128xi32, #tpu.memory_space<hbm>>
        %dma_wait3A_191 = tpu.memref_squeeze %dma_wait3A_190 : memref<1x4x128xi32, #tpu.memory_space<hbm>> -> memref<4x128xi32, #tpu.memory_space<hbm>>
        tpu.wait_dma2 semaphore(%run_scoped3A_175 : memref<!tpu.dma_semaphore, #tpu.memory_space<semaphore_mem>>) src(%dma_wait3A_191 : memref<4x128xi32, #tpu.memory_space<hbm>>) dst(%arg7 : memref<4x128xi32, #tpu.memory_space<vmem>>)
        tpu.yield
      }) : () -> ()
      "tpu.region"() ({
        %run_scoped3A_175 = tpu.sem_alloc : memref<!tpu.dma_semaphore, #tpu.memory_space<semaphore_mem>>
        %dma_start3A_176 = arith.constant 0 : i32
        %dma_start3A_177 = arith.constant 0 : i32
        %dma_start3A_178 = tpu.memref_slice %arg4[%add3A_93, %dma_start3A_176, %dma_start3A_177] : memref<625x4x128xi32, #tpu.memory_space<hbm>> -> memref<1x4x128xi32, #tpu.memory_space<hbm>>
        %dma_start3A_179 = tpu.memref_squeeze %dma_start3A_178 : memref<1x4x128xi32, #tpu.memory_space<hbm>> -> memref<4x128xi32, #tpu.memory_space<hbm>>
        %dma_start3A_180 = arith.constant 0 : i32
        %dma_start3A_181 = arith.constant 0 : i32
        %dma_start3A_182 = tpu.memref_slice %arg4[%add3A_93, %dma_start3A_180, %dma_start3A_181] : memref<625x4x128xi32, #tpu.memory_space<hbm>> -> memref<1x4x128xi32, #tpu.memory_space<hbm>>
        %dma_start3A_183 = tpu.memref_squeeze %dma_start3A_182 : memref<1x4x128xi32, #tpu.memory_space<hbm>> -> memref<4x128xi32, #tpu.memory_space<hbm>>
        tpu.enqueue_dma source(%dma_start3A_183 : memref<4x128xi32, #tpu.memory_space<hbm>>) target(%arg8 : memref<4x128xi32, #tpu.memory_space<vmem>>) target_semaphore(%run_scoped3A_175 : memref<!tpu.dma_semaphore, #tpu.memory_space<semaphore_mem>>)
        %dma_wait3A_184 = arith.constant 0 : i32
        %dma_wait3A_185 = arith.constant 0 : i32
        %dma_wait3A_186 = tpu.memref_slice %arg4[%add3A_93, %dma_wait3A_184, %dma_wait3A_185] : memref<625x4x128xi32, #tpu.memory_space<hbm>> -> memref<1x4x128xi32, #tpu.memory_space<hbm>>
        %dma_wait3A_187 = tpu.memref_squeeze %dma_wait3A_186 : memref<1x4x128xi32, #tpu.memory_space<hbm>> -> memref<4x128xi32, #tpu.memory_space<hbm>>
        %dma_wait3A_188 = arith.constant 0 : i32
        %dma_wait3A_189 = arith.constant 0 : i32
        %dma_wait3A_190 = tpu.memref_slice %arg4[%add3A_93, %dma_wait3A_188, %dma_wait3A_189] : memref<625x4x128xi32, #tpu.memory_space<hbm>> -> memref<1x4x128xi32, #tpu.memory_space<hbm>>
        %dma_wait3A_191 = tpu.memref_squeeze %dma_wait3A_190 : memref<1x4x128xi32, #tpu.memory_space<hbm>> -> memref<4x128xi32, #tpu.memory_space<hbm>>
        tpu.wait_dma2 semaphore(%run_scoped3A_175 : memref<!tpu.dma_semaphore, #tpu.memory_space<semaphore_mem>>) src(%dma_wait3A_191 : memref<4x128xi32, #tpu.memory_space<hbm>>) dst(%arg8 : memref<4x128xi32, #tpu.memory_space<vmem>>)
        tpu.yield
      }) : () -> ()
      %dma_start3A = arith.constant 0 : i32
      %dma_start3A_94 = arith.constant 0 : i32
      %dma_start3A_95 = arith.constant 0 : i32
      %dma_start3A_96 = tpu.memref_slice %arg9[%dma_start3A_94, %dma_start3A_95] : memref<512x64xf32, #tpu.memory_space<vmem>> -> memref<128x64xf32, #tpu.memory_space<vmem>>
      %dma_start3A_97 = arith.constant 0 : i32
      %dma_start3A_98 = tpu.memref_slice %arg7[%dma_start3A, %dma_start3A_97] : memref<4x128xi32, #tpu.memory_space<vmem>> -> memref<1x128xi32, #tpu.memory_space<vmem>>
      %dma_start3A_99 = tpu.memref_squeeze %dma_start3A_98 : memref<1x128xi32, #tpu.memory_space<vmem>> -> memref<128xi32, #tpu.memory_space<vmem>>
      %dma_start3A_100 = arith.constant 0 : i32
      %dma_start3A_101 = arith.constant 0 : i32
      %dma_start3A_102 = tpu.memref_slice %arg2[%dma_start3A_100, %dma_start3A_101] : memref<10000x64xf32, #tpu.memory_space<hbm>> -> memref<10000x64xf32, #tpu.memory_space<hbm>>
      tpu.enqueue_indirect_dma source(%dma_start3A_102 : memref<10000x64xf32, #tpu.memory_space<hbm>>) target(%dma_start3A_96 : memref<128x64xf32, #tpu.memory_space<vmem>>) offsets(%dma_start3A_99 : memref<128xi32, #tpu.memory_space<vmem>>) semaphore(%arg11 : memref<!tpu.dma_semaphore, #tpu.memory_space<semaphore_mem>>)
      %dma_start3A_103 = arith.constant 1 : i32
      %dma_start3A_104 = arith.constant 128 : i32
      %dma_start3A_105 = arith.constant 0 : i32
      %dma_start3A_106 = tpu.memref_slice %arg9[%dma_start3A_104, %dma_start3A_105] : memref<512x64xf32, #tpu.memory_space<vmem>> -> memref<128x64xf32, #tpu.memory_space<vmem>>
      %dma_start3A_107 = arith.constant 0 : i32
      %dma_start3A_108 = tpu.memref_slice %arg7[%dma_start3A_103, %dma_start3A_107] : memref<4x128xi32, #tpu.memory_space<vmem>> -> memref<1x128xi32, #tpu.memory_space<vmem>>
      %dma_start3A_109 = tpu.memref_squeeze %dma_start3A_108 : memref<1x128xi32, #tpu.memory_space<vmem>> -> memref<128xi32, #tpu.memory_space<vmem>>
      %dma_start3A_110 = arith.constant 0 : i32
      %dma_start3A_111 = arith.constant 0 : i32
      %dma_start3A_112 = tpu.memref_slice %arg2[%dma_start3A_110, %dma_start3A_111] : memref<10000x64xf32, #tpu.memory_space<hbm>> -> memref<10000x64xf32, #tpu.memory_space<hbm>>
      tpu.enqueue_indirect_dma source(%dma_start3A_112 : memref<10000x64xf32, #tpu.memory_space<hbm>>) target(%dma_start3A_106 : memref<128x64xf32, #tpu.memory_space<vmem>>) offsets(%dma_start3A_109 : memref<128xi32, #tpu.memory_space<vmem>>) semaphore(%arg11 : memref<!tpu.dma_semaphore, #tpu.memory_space<semaphore_mem>>)
      %dma_start3A_113 = arith.constant 2 : i32
      %dma_start3A_114 = arith.constant 256 : i32
      %dma_start3A_115 = arith.constant 0 : i32
      %dma_start3A_116 = tpu.memref_slice %arg9[%dma_start3A_114, %dma_start3A_115] : memref<512x64xf32, #tpu.memory_space<vmem>> -> memref<128x64xf32, #tpu.memory_space<vmem>>
      %dma_start3A_117 = arith.constant 0 : i32
      %dma_start3A_118 = tpu.memref_slice %arg7[%dma_start3A_113, %dma_start3A_117] : memref<4x128xi32, #tpu.memory_space<vmem>> -> memref<1x128xi32, #tpu.memory_space<vmem>>
      %dma_start3A_119 = tpu.memref_squeeze %dma_start3A_118 : memref<1x128xi32, #tpu.memory_space<vmem>> -> memref<128xi32, #tpu.memory_space<vmem>>
      %dma_start3A_120 = arith.constant 0 : i32
      %dma_start3A_121 = arith.constant 0 : i32
      %dma_start3A_122 = tpu.memref_slice %arg2[%dma_start3A_120, %dma_start3A_121] : memref<10000x64xf32, #tpu.memory_space<hbm>> -> memref<10000x64xf32, #tpu.memory_space<hbm>>
      tpu.enqueue_indirect_dma source(%dma_start3A_122 : memref<10000x64xf32, #tpu.memory_space<hbm>>) target(%dma_start3A_116 : memref<128x64xf32, #tpu.memory_space<vmem>>) offsets(%dma_start3A_119 : memref<128xi32, #tpu.memory_space<vmem>>) semaphore(%arg11 : memref<!tpu.dma_semaphore, #tpu.memory_space<semaphore_mem>>)
      %dma_start3A_123 = arith.constant 3 : i32
      %dma_start3A_124 = arith.constant 384 : i32
      %dma_start3A_125 = arith.constant 0 : i32
      %dma_start3A_126 = tpu.memref_slice %arg9[%dma_start3A_124, %dma_start3A_125] : memref<512x64xf32, #tpu.memory_space<vmem>> -> memref<128x64xf32, #tpu.memory_space<vmem>>
      %dma_start3A_127 = arith.constant 0 : i32
      %dma_start3A_128 = tpu.memref_slice %arg7[%dma_start3A_123, %dma_start3A_127] : memref<4x128xi32, #tpu.memory_space<vmem>> -> memref<1x128xi32, #tpu.memory_space<vmem>>
      %dma_start3A_129 = tpu.memref_squeeze %dma_start3A_128 : memref<1x128xi32, #tpu.memory_space<vmem>> -> memref<128xi32, #tpu.memory_space<vmem>>
      %dma_start3A_130 = arith.constant 0 : i32
      %dma_start3A_131 = arith.constant 0 : i32
      %dma_start3A_132 = tpu.memref_slice %arg2[%dma_start3A_130, %dma_start3A_131] : memref<10000x64xf32, #tpu.memory_space<hbm>> -> memref<10000x64xf32, #tpu.memory_space<hbm>>
      tpu.enqueue_indirect_dma source(%dma_start3A_132 : memref<10000x64xf32, #tpu.memory_space<hbm>>) target(%dma_start3A_126 : memref<128x64xf32, #tpu.memory_space<vmem>>) offsets(%dma_start3A_129 : memref<128xi32, #tpu.memory_space<vmem>>) semaphore(%arg11 : memref<!tpu.dma_semaphore, #tpu.memory_space<semaphore_mem>>)
      %dma_wait3A = arith.constant 0 : i32
      %dma_wait3A_133 = arith.constant 0 : i32
      %dma_wait3A_134 = arith.constant 0 : i32
      %dma_wait3A_135 = tpu.memref_slice %arg9[%dma_wait3A_133, %dma_wait3A_134] : memref<512x64xf32, #tpu.memory_space<vmem>> -> memref<128x64xf32, #tpu.memory_space<vmem>>
      %dma_wait3A_136 = arith.constant 0 : i32
      %dma_wait3A_137 = tpu.memref_slice %arg7[%dma_wait3A, %dma_wait3A_136] : memref<4x128xi32, #tpu.memory_space<vmem>> -> memref<1x128xi32, #tpu.memory_space<vmem>>
      %dma_wait3A_138 = tpu.memref_squeeze %dma_wait3A_137 : memref<1x128xi32, #tpu.memory_space<vmem>> -> memref<128xi32, #tpu.memory_space<vmem>>
      %dma_wait3A_139 = arith.constant 0 : i32
      %dma_wait3A_140 = arith.constant 0 : i32
      %dma_wait3A_141 = tpu.memref_slice %arg2[%dma_wait3A_139, %dma_wait3A_140] : memref<10000x64xf32, #tpu.memory_space<hbm>> -> memref<10000x64xf32, #tpu.memory_space<hbm>>
      tpu.wait_indirect_dma semaphore(%arg11 : memref<!tpu.dma_semaphore, #tpu.memory_space<semaphore_mem>>) src(%dma_wait3A_141 : memref<10000x64xf32, #tpu.memory_space<hbm>>) dst(%dma_wait3A_135 : memref<128x64xf32, #tpu.memory_space<vmem>>)
      %dma_wait3A_142 = arith.constant 1 : i32
      %dma_wait3A_143 = arith.constant 128 : i32
      %dma_wait3A_144 = arith.constant 0 : i32
      %dma_wait3A_145 = tpu.memref_slice %arg9[%dma_wait3A_143, %dma_wait3A_144] : memref<512x64xf32, #tpu.memory_space<vmem>> -> memref<128x64xf32, #tpu.memory_space<vmem>>
      %dma_wait3A_146 = arith.constant 0 : i32
      %dma_wait3A_147 = tpu.memref_slice %arg7[%dma_wait3A_142, %dma_wait3A_146] : memref<4x128xi32, #tpu.memory_space<vmem>> -> memref<1x128xi32, #tpu.memory_space<vmem>>
      %dma_wait3A_148 = tpu.memref_squeeze %dma_wait3A_147 : memref<1x128xi32, #tpu.memory_space<vmem>> -> memref<128xi32, #tpu.memory_space<vmem>>
      %dma_wait3A_149 = arith.constant 0 : i32
      %dma_wait3A_150 = arith.constant 0 : i32
      %dma_wait3A_151 = tpu.memref_slice %arg2[%dma_wait3A_149, %dma_wait3A_150] : memref<10000x64xf32, #tpu.memory_space<hbm>> -> memref<10000x64xf32, #tpu.memory_space<hbm>>
      tpu.wait_indirect_dma semaphore(%arg11 : memref<!tpu.dma_semaphore, #tpu.memory_space<semaphore_mem>>) src(%dma_wait3A_151 : memref<10000x64xf32, #tpu.memory_space<hbm>>) dst(%dma_wait3A_145 : memref<128x64xf32, #tpu.memory_space<vmem>>)
      %dma_wait3A_152 = arith.constant 2 : i32
      %dma_wait3A_153 = arith.constant 256 : i32
      %dma_wait3A_154 = arith.constant 0 : i32
      %dma_wait3A_155 = tpu.memref_slice %arg9[%dma_wait3A_153, %dma_wait3A_154] : memref<512x64xf32, #tpu.memory_space<vmem>> -> memref<128x64xf32, #tpu.memory_space<vmem>>
      %dma_wait3A_156 = arith.constant 0 : i32
      %dma_wait3A_157 = tpu.memref_slice %arg7[%dma_wait3A_152, %dma_wait3A_156] : memref<4x128xi32, #tpu.memory_space<vmem>> -> memref<1x128xi32, #tpu.memory_space<vmem>>
      %dma_wait3A_158 = tpu.memref_squeeze %dma_wait3A_157 : memref<1x128xi32, #tpu.memory_space<vmem>> -> memref<128xi32, #tpu.memory_space<vmem>>
      %dma_wait3A_159 = arith.constant 0 : i32
      %dma_wait3A_160 = arith.constant 0 : i32
      %dma_wait3A_161 = tpu.memref_slice %arg2[%dma_wait3A_159, %dma_wait3A_160] : memref<10000x64xf32, #tpu.memory_space<hbm>> -> memref<10000x64xf32, #tpu.memory_space<hbm>>
      tpu.wait_indirect_dma semaphore(%arg11 : memref<!tpu.dma_semaphore, #tpu.memory_space<semaphore_mem>>) src(%dma_wait3A_161 : memref<10000x64xf32, #tpu.memory_space<hbm>>) dst(%dma_wait3A_155 : memref<128x64xf32, #tpu.memory_space<vmem>>)
      %dma_wait3A_162 = arith.constant 3 : i32
      %dma_wait3A_163 = arith.constant 384 : i32
      %dma_wait3A_164 = arith.constant 0 : i32
      %dma_wait3A_165 = tpu.memref_slice %arg9[%dma_wait3A_163, %dma_wait3A_164] : memref<512x64xf32, #tpu.memory_space<vmem>> -> memref<128x64xf32, #tpu.memory_space<vmem>>
      %dma_wait3A_166 = arith.constant 0 : i32
      %dma_wait3A_167 = tpu.memref_slice %arg7[%dma_wait3A_162, %dma_wait3A_166] : memref<4x128xi32, #tpu.memory_space<vmem>> -> memref<1x128xi32, #tpu.memory_space<vmem>>
      %dma_wait3A_168 = tpu.memref_squeeze %dma_wait3A_167 : memref<1x128xi32, #tpu.memory_space<vmem>> -> memref<128xi32, #tpu.memory_space<vmem>>
      %dma_wait3A_169 = arith.constant 0 : i32
      %dma_wait3A_170 = arith.constant 0 : i32
      %dma_wait3A_171 = tpu.memref_slice %arg2[%dma_wait3A_169, %dma_wait3A_170] : memref<10000x64xf32, #tpu.memory_space<hbm>> -> memref<10000x64xf32, #tpu.memory_space<hbm>>
      tpu.wait_indirect_dma semaphore(%arg11 : memref<!tpu.dma_semaphore, #tpu.memory_space<semaphore_mem>>) src(%dma_wait3A_171 : memref<10000x64xf32, #tpu.memory_space<hbm>>) dst(%dma_wait3A_165 : memref<128x64xf32, #tpu.memory_space<vmem>>)
      %run_scoped3A = arith.constant 0 : i32
      "tpu.region"() ({
        %run_scoped3A_175 = tpu.sem_alloc : memref<!tpu.dma_semaphore, #tpu.memory_space<semaphore_mem>>
        %dma_start3A_176 = arith.constant 0 : i32
        %dma_start3A_177 = arith.constant 0 : i32
        %dma_start3A_178 = tpu.memref_slice %arg9[%dma_start3A_176, %dma_start3A_177] : memref<512x64xf32, #tpu.memory_space<vmem>> -> memref<128x64xf32, #tpu.memory_space<vmem>>
        %dma_start3A_179 = arith.constant 0 : i32
        %dma_start3A_180 = tpu.memref_slice %arg8[%run_scoped3A, %dma_start3A_179] : memref<4x128xi32, #tpu.memory_space<vmem>> -> memref<1x128xi32, #tpu.memory_space<vmem>>
        %dma_start3A_181 = tpu.memref_squeeze %dma_start3A_180 : memref<1x128xi32, #tpu.memory_space<vmem>> -> memref<128xi32, #tpu.memory_space<vmem>>
        %dma_start3A_182 = arith.constant 0 : i32
        %dma_start3A_183 = arith.constant 0 : i32
        %dma_start3A_184 = tpu.memref_slice %arg10[%dma_start3A_182, %dma_start3A_183] : memref<10000x64xf32, #tpu.memory_space<vmem_shared>> -> memref<10000x64xf32, #tpu.memory_space<vmem_shared>>
        tpu.enqueue_indirect_dma source(%dma_start3A_178 : memref<128x64xf32, #tpu.memory_space<vmem>>) target(%dma_start3A_184 : memref<10000x64xf32, #tpu.memory_space<vmem_shared>>) offsets(%dma_start3A_181 : memref<128xi32, #tpu.memory_space<vmem>>) semaphore(%run_scoped3A_175 : memref<!tpu.dma_semaphore, #tpu.memory_space<semaphore_mem>>) {add = true}
        %dma_wait3A_185 = arith.constant 0 : i32
        %dma_wait3A_186 = arith.constant 0 : i32
        %dma_wait3A_187 = tpu.memref_slice %arg9[%dma_wait3A_185, %dma_wait3A_186] : memref<512x64xf32, #tpu.memory_space<vmem>> -> memref<128x64xf32, #tpu.memory_space<vmem>>
        %dma_wait3A_188 = arith.constant 0 : i32
        %dma_wait3A_189 = tpu.memref_slice %arg8[%run_scoped3A, %dma_wait3A_188] : memref<4x128xi32, #tpu.memory_space<vmem>> -> memref<1x128xi32, #tpu.memory_space<vmem>>
        %dma_wait3A_190 = tpu.memref_squeeze %dma_wait3A_189 : memref<1x128xi32, #tpu.memory_space<vmem>> -> memref<128xi32, #tpu.memory_space<vmem>>
        %dma_wait3A_191 = arith.constant 0 : i32
        %dma_wait3A_192 = arith.constant 0 : i32
        %dma_wait3A_193 = tpu.memref_slice %arg10[%dma_wait3A_191, %dma_wait3A_192] : memref<10000x64xf32, #tpu.memory_space<vmem_shared>> -> memref<10000x64xf32, #tpu.memory_space<vmem_shared>>
        tpu.wait_indirect_dma semaphore(%run_scoped3A_175 : memref<!tpu.dma_semaphore, #tpu.memory_space<semaphore_mem>>) src(%dma_wait3A_187 : memref<128x64xf32, #tpu.memory_space<vmem>>) dst(%dma_wait3A_193 : memref<10000x64xf32, #tpu.memory_space<vmem_shared>>)
        tpu.yield
      }) : () -> ()
      %run_scoped3A_172 = arith.constant 1 : i32
      "tpu.region"() ({
        %run_scoped3A_175 = tpu.sem_alloc : memref<!tpu.dma_semaphore, #tpu.memory_space<semaphore_mem>>
        %dma_start3A_176 = arith.constant 128 : i32
        %dma_start3A_177 = arith.constant 0 : i32
        %dma_start3A_178 = tpu.memref_slice %arg9[%dma_start3A_176, %dma_start3A_177] : memref<512x64xf32, #tpu.memory_space<vmem>> -> memref<128x64xf32, #tpu.memory_space<vmem>>
        %dma_start3A_179 = arith.constant 0 : i32
        %dma_start3A_180 = tpu.memref_slice %arg8[%run_scoped3A_172, %dma_start3A_179] : memref<4x128xi32, #tpu.memory_space<vmem>> -> memref<1x128xi32, #tpu.memory_space<vmem>>
        %dma_start3A_181 = tpu.memref_squeeze %dma_start3A_180 : memref<1x128xi32, #tpu.memory_space<vmem>> -> memref<128xi32, #tpu.memory_space<vmem>>
        %dma_start3A_182 = arith.constant 0 : i32
        %dma_start3A_183 = arith.constant 0 : i32
        %dma_start3A_184 = tpu.memref_slice %arg10[%dma_start3A_182, %dma_start3A_183] : memref<10000x64xf32, #tpu.memory_space<vmem_shared>> -> memref<10000x64xf32, #tpu.memory_space<vmem_shared>>
        tpu.enqueue_indirect_dma source(%dma_start3A_178 : memref<128x64xf32, #tpu.memory_space<vmem>>) target(%dma_start3A_184 : memref<10000x64xf32, #tpu.memory_space<vmem_shared>>) offsets(%dma_start3A_181 : memref<128xi32, #tpu.memory_space<vmem>>) semaphore(%run_scoped3A_175 : memref<!tpu.dma_semaphore, #tpu.memory_space<semaphore_mem>>) {add = true}
        %dma_wait3A_185 = arith.constant 128 : i32
        %dma_wait3A_186 = arith.constant 0 : i32
        %dma_wait3A_187 = tpu.memref_slice %arg9[%dma_wait3A_185, %dma_wait3A_186] : memref<512x64xf32, #tpu.memory_space<vmem>> -> memref<128x64xf32, #tpu.memory_space<vmem>>
        %dma_wait3A_188 = arith.constant 0 : i32
        %dma_wait3A_189 = tpu.memref_slice %arg8[%run_scoped3A_172, %dma_wait3A_188] : memref<4x128xi32, #tpu.memory_space<vmem>> -> memref<1x128xi32, #tpu.memory_space<vmem>>
        %dma_wait3A_190 = tpu.memref_squeeze %dma_wait3A_189 : memref<1x128xi32, #tpu.memory_space<vmem>> -> memref<128xi32, #tpu.memory_space<vmem>>
        %dma_wait3A_191 = arith.constant 0 : i32
        %dma_wait3A_192 = arith.constant 0 : i32
        %dma_wait3A_193 = tpu.memref_slice %arg10[%dma_wait3A_191, %dma_wait3A_192] : memref<10000x64xf32, #tpu.memory_space<vmem_shared>> -> memref<10000x64xf32, #tpu.memory_space<vmem_shared>>
        tpu.wait_indirect_dma semaphore(%run_scoped3A_175 : memref<!tpu.dma_semaphore, #tpu.memory_space<semaphore_mem>>) src(%dma_wait3A_187 : memref<128x64xf32, #tpu.memory_space<vmem>>) dst(%dma_wait3A_193 : memref<10000x64xf32, #tpu.memory_space<vmem_shared>>)
        tpu.yield
      }) : () -> ()
      %run_scoped3A_173 = arith.constant 2 : i32
      "tpu.region"() ({
        %run_scoped3A_175 = tpu.sem_alloc : memref<!tpu.dma_semaphore, #tpu.memory_space<semaphore_mem>>
        %dma_start3A_176 = arith.constant 256 : i32
        %dma_start3A_177 = arith.constant 0 : i32
        %dma_start3A_178 = tpu.memref_slice %arg9[%dma_start3A_176, %dma_start3A_177] : memref<512x64xf32, #tpu.memory_space<vmem>> -> memref<128x64xf32, #tpu.memory_space<vmem>>
        %dma_start3A_179 = arith.constant 0 : i32
        %dma_start3A_180 = tpu.memref_slice %arg8[%run_scoped3A_173, %dma_start3A_179] : memref<4x128xi32, #tpu.memory_space<vmem>> -> memref<1x128xi32, #tpu.memory_space<vmem>>
        %dma_start3A_181 = tpu.memref_squeeze %dma_start3A_180 : memref<1x128xi32, #tpu.memory_space<vmem>> -> memref<128xi32, #tpu.memory_space<vmem>>
        %dma_start3A_182 = arith.constant 0 : i32
        %dma_start3A_183 = arith.constant 0 : i32
        %dma_start3A_184 = tpu.memref_slice %arg10[%dma_start3A_182, %dma_start3A_183] : memref<10000x64xf32, #tpu.memory_space<vmem_shared>> -> memref<10000x64xf32, #tpu.memory_space<vmem_shared>>
        tpu.enqueue_indirect_dma source(%dma_start3A_178 : memref<128x64xf32, #tpu.memory_space<vmem>>) target(%dma_start3A_184 : memref<10000x64xf32, #tpu.memory_space<vmem_shared>>) offsets(%dma_start3A_181 : memref<128xi32, #tpu.memory_space<vmem>>) semaphore(%run_scoped3A_175 : memref<!tpu.dma_semaphore, #tpu.memory_space<semaphore_mem>>) {add = true}
        %dma_wait3A_185 = arith.constant 256 : i32
        %dma_wait3A_186 = arith.constant 0 : i32
        %dma_wait3A_187 = tpu.memref_slice %arg9[%dma_wait3A_185, %dma_wait3A_186] : memref<512x64xf32, #tpu.memory_space<vmem>> -> memref<128x64xf32, #tpu.memory_space<vmem>>
        %dma_wait3A_188 = arith.constant 0 : i32
        %dma_wait3A_189 = tpu.memref_slice %arg8[%run_scoped3A_173, %dma_wait3A_188] : memref<4x128xi32, #tpu.memory_space<vmem>> -> memref<1x128xi32, #tpu.memory_space<vmem>>
        %dma_wait3A_190 = tpu.memref_squeeze %dma_wait3A_189 : memref<1x128xi32, #tpu.memory_space<vmem>> -> memref<128xi32, #tpu.memory_space<vmem>>
        %dma_wait3A_191 = arith.constant 0 : i32
        %dma_wait3A_192 = arith.constant 0 : i32
        %dma_wait3A_193 = tpu.memref_slice %arg10[%dma_wait3A_191, %dma_wait3A_192] : memref<10000x64xf32, #tpu.memory_space<vmem_shared>> -> memref<10000x64xf32, #tpu.memory_space<vmem_shared>>
        tpu.wait_indirect_dma semaphore(%run_scoped3A_175 : memref<!tpu.dma_semaphore, #tpu.memory_space<semaphore_mem>>) src(%dma_wait3A_187 : memref<128x64xf32, #tpu.memory_space<vmem>>) dst(%dma_wait3A_193 : memref<10000x64xf32, #tpu.memory_space<vmem_shared>>)
        tpu.yield
      }) : () -> ()
      %run_scoped3A_174 = arith.constant 3 : i32
      "tpu.region"() ({
        %run_scoped3A_175 = tpu.sem_alloc : memref<!tpu.dma_semaphore, #tpu.memory_space<semaphore_mem>>
        %dma_start3A_176 = arith.constant 384 : i32
        %dma_start3A_177 = arith.constant 0 : i32
        %dma_start3A_178 = tpu.memref_slice %arg9[%dma_start3A_176, %dma_start3A_177] : memref<512x64xf32, #tpu.memory_space<vmem>> -> memref<128x64xf32, #tpu.memory_space<vmem>>
        %dma_start3A_179 = arith.constant 0 : i32
        %dma_start3A_180 = tpu.memref_slice %arg8[%run_scoped3A_174, %dma_start3A_179] : memref<4x128xi32, #tpu.memory_space<vmem>> -> memref<1x128xi32, #tpu.memory_space<vmem>>
        %dma_start3A_181 = tpu.memref_squeeze %dma_start3A_180 : memref<1x128xi32, #tpu.memory_space<vmem>> -> memref<128xi32, #tpu.memory_space<vmem>>
        %dma_start3A_182 = arith.constant 0 : i32
        %dma_start3A_183 = arith.constant 0 : i32
        %dma_start3A_184 = tpu.memref_slice %arg10[%dma_start3A_182, %dma_start3A_183] : memref<10000x64xf32, #tpu.memory_space<vmem_shared>> -> memref<10000x64xf32, #tpu.memory_space<vmem_shared>>
        tpu.enqueue_indirect_dma source(%dma_start3A_178 : memref<128x64xf32, #tpu.memory_space<vmem>>) target(%dma_start3A_184 : memref<10000x64xf32, #tpu.memory_space<vmem_shared>>) offsets(%dma_start3A_181 : memref<128xi32, #tpu.memory_space<vmem>>) semaphore(%run_scoped3A_175 : memref<!tpu.dma_semaphore, #tpu.memory_space<semaphore_mem>>) {add = true}
        %dma_wait3A_185 = arith.constant 384 : i32
        %dma_wait3A_186 = arith.constant 0 : i32
        %dma_wait3A_187 = tpu.memref_slice %arg9[%dma_wait3A_185, %dma_wait3A_186] : memref<512x64xf32, #tpu.memory_space<vmem>> -> memref<128x64xf32, #tpu.memory_space<vmem>>
        %dma_wait3A_188 = arith.constant 0 : i32
        %dma_wait3A_189 = tpu.memref_slice %arg8[%run_scoped3A_174, %dma_wait3A_188] : memref<4x128xi32, #tpu.memory_space<vmem>> -> memref<1x128xi32, #tpu.memory_space<vmem>>
        %dma_wait3A_190 = tpu.memref_squeeze %dma_wait3A_189 : memref<1x128xi32, #tpu.memory_space<vmem>> -> memref<128xi32, #tpu.memory_space<vmem>>
        %dma_wait3A_191 = arith.constant 0 : i32
        %dma_wait3A_192 = arith.constant 0 : i32
        %dma_wait3A_193 = tpu.memref_slice %arg10[%dma_wait3A_191, %dma_wait3A_192] : memref<10000x64xf32, #tpu.memory_space<vmem_shared>> -> memref<10000x64xf32, #tpu.memory_space<vmem_shared>>
        tpu.wait_indirect_dma semaphore(%run_scoped3A_175 : memref<!tpu.dma_semaphore, #tpu.memory_space<semaphore_mem>>) src(%dma_wait3A_187 : memref<128x64xf32, #tpu.memory_space<vmem>>) dst(%dma_wait3A_193 : memref<10000x64xf32, #tpu.memory_space<vmem_shared>>)
        tpu.yield
      }) : () -> ()
    }
    %while3A_73 = arith.constant 1 : i32
    scf.for %while3A_90 = %while3A_71 to %while3A_67 step %while3A_73  : i32 {
      %mul3A_91 = arith.constant 32 : i32
      %mul3A_92 = arith.muli %while3A_90, %mul3A_91 : i32
      %add3A_93 = arith.addi %add3A, %mul3A_92 : i32
      "tpu.region"() ({
        %run_scoped3A_175 = tpu.sem_alloc : memref<!tpu.dma_semaphore, #tpu.memory_space<semaphore_mem>>
        %dma_start3A_176 = arith.constant 0 : i32
        %dma_start3A_177 = arith.constant 0 : i32
        %dma_start3A_178 = tpu.memref_slice %arg3[%add3A_93, %dma_start3A_176, %dma_start3A_177] : memref<625x4x128xi32, #tpu.memory_space<hbm>> -> memref<1x4x128xi32, #tpu.memory_space<hbm>>
        %dma_start3A_179 = tpu.memref_squeeze %dma_start3A_178 : memref<1x4x128xi32, #tpu.memory_space<hbm>> -> memref<4x128xi32, #tpu.memory_space<hbm>>
        %dma_start3A_180 = arith.constant 0 : i32
        %dma_start3A_181 = arith.constant 0 : i32
        %dma_start3A_182 = tpu.memref_slice %arg3[%add3A_93, %dma_start3A_180, %dma_start3A_181] : memref<625x4x128xi32, #tpu.memory_space<hbm>> -> memref<1x4x128xi32, #tpu.memory_space<hbm>>
        %dma_start3A_183 = tpu.memref_squeeze %dma_start3A_182 : memref<1x4x128xi32, #tpu.memory_space<hbm>> -> memref<4x128xi32, #tpu.memory_space<hbm>>
        tpu.enqueue_dma source(%dma_start3A_183 : memref<4x128xi32, #tpu.memory_space<hbm>>) target(%arg7 : memref<4x128xi32, #tpu.memory_space<vmem>>) target_semaphore(%run_scoped3A_175 : memref<!tpu.dma_semaphore, #tpu.memory_space<semaphore_mem>>)
        %dma_wait3A_184 = arith.constant 0 : i32
        %dma_wait3A_185 = arith.constant 0 : i32
        %dma_wait3A_186 = tpu.memref_slice %arg3[%add3A_93, %dma_wait3A_184, %dma_wait3A_185] : memref<625x4x128xi32, #tpu.memory_space<hbm>> -> memref<1x4x128xi32, #tpu.memory_space<hbm>>
        %dma_wait3A_187 = tpu.memref_squeeze %dma_wait3A_186 : memref<1x4x128xi32, #tpu.memory_space<hbm>> -> memref<4x128xi32, #tpu.memory_space<hbm>>
        %dma_wait3A_188 = arith.constant 0 : i32
        %dma_wait3A_189 = arith.constant 0 : i32
        %dma_wait3A_190 = tpu.memref_slice %arg3[%add3A_93, %dma_wait3A_188, %dma_wait3A_189] : memref<625x4x128xi32, #tpu.memory_space<hbm>> -> memref<1x4x128xi32, #tpu.memory_space<hbm>>
        %dma_wait3A_191 = tpu.memref_squeeze %dma_wait3A_190 : memref<1x4x128xi32, #tpu.memory_space<hbm>> -> memref<4x128xi32, #tpu.memory_space<hbm>>
        tpu.wait_dma2 semaphore(%run_scoped3A_175 : memref<!tpu.dma_semaphore, #tpu.memory_space<semaphore_mem>>) src(%dma_wait3A_191 : memref<4x128xi32, #tpu.memory_space<hbm>>) dst(%arg7 : memref<4x128xi32, #tpu.memory_space<vmem>>)
        tpu.yield
      }) : () -> ()
      "tpu.region"() ({
        %run_scoped3A_175 = tpu.sem_alloc : memref<!tpu.dma_semaphore, #tpu.memory_space<semaphore_mem>>
        %dma_start3A_176 = arith.constant 0 : i32
        %dma_start3A_177 = arith.constant 0 : i32
        %dma_start3A_178 = tpu.memref_slice %arg4[%add3A_93, %dma_start3A_176, %dma_start3A_177] : memref<625x4x128xi32, #tpu.memory_space<hbm>> -> memref<1x4x128xi32, #tpu.memory_space<hbm>>
        %dma_start3A_179 = tpu.memref_squeeze %dma_start3A_178 : memref<1x4x128xi32, #tpu.memory_space<hbm>> -> memref<4x128xi32, #tpu.memory_space<hbm>>
        %dma_start3A_180 = arith.constant 0 : i32
        %dma_start3A_181 = arith.constant 0 : i32
        %dma_start3A_182 = tpu.memref_slice %arg4[%add3A_93, %dma_start3A_180, %dma_start3A_181] : memref<625x4x128xi32, #tpu.memory_space<hbm>> -> memref<1x4x128xi32, #tpu.memory_space<hbm>>
        %dma_start3A_183 = tpu.memref_squeeze %dma_start3A_182 : memref<1x4x128xi32, #tpu.memory_space<hbm>> -> memref<4x128xi32, #tpu.memory_space<hbm>>
        tpu.enqueue_dma source(%dma_start3A_183 : memref<4x128xi32, #tpu.memory_space<hbm>>) target(%arg8 : memref<4x128xi32, #tpu.memory_space<vmem>>) target_semaphore(%run_scoped3A_175 : memref<!tpu.dma_semaphore, #tpu.memory_space<semaphore_mem>>)
        %dma_wait3A_184 = arith.constant 0 : i32
        %dma_wait3A_185 = arith.constant 0 : i32
        %dma_wait3A_186 = tpu.memref_slice %arg4[%add3A_93, %dma_wait3A_184, %dma_wait3A_185] : memref<625x4x128xi32, #tpu.memory_space<hbm>> -> memref<1x4x128xi32, #tpu.memory_space<hbm>>
        %dma_wait3A_187 = tpu.memref_squeeze %dma_wait3A_186 : memref<1x4x128xi32, #tpu.memory_space<hbm>> -> memref<4x128xi32, #tpu.memory_space<hbm>>
        %dma_wait3A_188 = arith.constant 0 : i32
        %dma_wait3A_189 = arith.constant 0 : i32
        %dma_wait3A_190 = tpu.memref_slice %arg4[%add3A_93, %dma_wait3A_188, %dma_wait3A_189] : memref<625x4x128xi32, #tpu.memory_space<hbm>> -> memref<1x4x128xi32, #tpu.memory_space<hbm>>
        %dma_wait3A_191 = tpu.memref_squeeze %dma_wait3A_190 : memref<1x4x128xi32, #tpu.memory_space<hbm>> -> memref<4x128xi32, #tpu.memory_space<hbm>>
        tpu.wait_dma2 semaphore(%run_scoped3A_175 : memref<!tpu.dma_semaphore, #tpu.memory_space<semaphore_mem>>) src(%dma_wait3A_191 : memref<4x128xi32, #tpu.memory_space<hbm>>) dst(%arg8 : memref<4x128xi32, #tpu.memory_space<vmem>>)
        tpu.yield
      }) : () -> ()
      %dma_start3A = arith.constant 0 : i32
      %dma_start3A_94 = arith.constant 0 : i32
      %dma_start3A_95 = arith.constant 0 : i32
      %dma_start3A_96 = tpu.memref_slice %arg9[%dma_start3A_94, %dma_start3A_95] : memref<512x64xf32, #tpu.memory_space<vmem>> -> memref<128x64xf32, #tpu.memory_space<vmem>>
      %dma_start3A_97 = arith.constant 0 : i32
      %dma_start3A_98 = tpu.memref_slice %arg7[%dma_start3A, %dma_start3A_97] : memref<4x128xi32, #tpu.memory_space<vmem>> -> memref<1x128xi32, #tpu.memory_space<vmem>>
      %dma_start3A_99 = tpu.memref_squeeze %dma_start3A_98 : memref<1x128xi32, #tpu.memory_space<vmem>> -> memref<128xi32, #tpu.memory_space<vmem>>
      %dma_start3A_100 = arith.constant 0 : i32
      %dma_start3A_101 = arith.constant 0 : i32
      %dma_start3A_102 = tpu.memref_slice %arg2[%dma_start3A_100, %dma_start3A_101] : memref<10000x64xf32, #tpu.memory_space<hbm>> -> memref<10000x64xf32, #tpu.memory_space<hbm>>
      tpu.enqueue_indirect_dma source(%dma_start3A_102 : memref<10000x64xf32, #tpu.memory_space<hbm>>) target(%dma_start3A_96 : memref<128x64xf32, #tpu.memory_space<vmem>>) offsets(%dma_start3A_99 : memref<128xi32, #tpu.memory_space<vmem>>) semaphore(%arg11 : memref<!tpu.dma_semaphore, #tpu.memory_space<semaphore_mem>>)
      %dma_start3A_103 = arith.constant 1 : i32
      %dma_start3A_104 = arith.constant 128 : i32
      %dma_start3A_105 = arith.constant 0 : i32
      %dma_start3A_106 = tpu.memref_slice %arg9[%dma_start3A_104, %dma_start3A_105] : memref<512x64xf32, #tpu.memory_space<vmem>> -> memref<128x64xf32, #tpu.memory_space<vmem>>
      %dma_start3A_107 = arith.constant 0 : i32
      %dma_start3A_108 = tpu.memref_slice %arg7[%dma_start3A_103, %dma_start3A_107] : memref<4x128xi32, #tpu.memory_space<vmem>> -> memref<1x128xi32, #tpu.memory_space<vmem>>
      %dma_start3A_109 = tpu.memref_squeeze %dma_start3A_108 : memref<1x128xi32, #tpu.memory_space<vmem>> -> memref<128xi32, #tpu.memory_space<vmem>>
      %dma_start3A_110 = arith.constant 0 : i32
      %dma_start3A_111 = arith.constant 0 : i32
      %dma_start3A_112 = tpu.memref_slice %arg2[%dma_start3A_110, %dma_start3A_111] : memref<10000x64xf32, #tpu.memory_space<hbm>> -> memref<10000x64xf32, #tpu.memory_space<hbm>>
      tpu.enqueue_indirect_dma source(%dma_start3A_112 : memref<10000x64xf32, #tpu.memory_space<hbm>>) target(%dma_start3A_106 : memref<128x64xf32, #tpu.memory_space<vmem>>) offsets(%dma_start3A_109 : memref<128xi32, #tpu.memory_space<vmem>>) semaphore(%arg11 : memref<!tpu.dma_semaphore, #tpu.memory_space<semaphore_mem>>)
      %dma_start3A_113 = arith.constant 2 : i32
      %dma_start3A_114 = arith.constant 256 : i32
      %dma_start3A_115 = arith.constant 0 : i32
      %dma_start3A_116 = tpu.memref_slice %arg9[%dma_start3A_114, %dma_start3A_115] : memref<512x64xf32, #tpu.memory_space<vmem>> -> memref<128x64xf32, #tpu.memory_space<vmem>>
      %dma_start3A_117 = arith.constant 0 : i32
      %dma_start3A_118 = tpu.memref_slice %arg7[%dma_start3A_113, %dma_start3A_117] : memref<4x128xi32, #tpu.memory_space<vmem>> -> memref<1x128xi32, #tpu.memory_space<vmem>>
      %dma_start3A_119 = tpu.memref_squeeze %dma_start3A_118 : memref<1x128xi32, #tpu.memory_space<vmem>> -> memref<128xi32, #tpu.memory_space<vmem>>
      %dma_start3A_120 = arith.constant 0 : i32
      %dma_start3A_121 = arith.constant 0 : i32
      %dma_start3A_122 = tpu.memref_slice %arg2[%dma_start3A_120, %dma_start3A_121] : memref<10000x64xf32, #tpu.memory_space<hbm>> -> memref<10000x64xf32, #tpu.memory_space<hbm>>
      tpu.enqueue_indirect_dma source(%dma_start3A_122 : memref<10000x64xf32, #tpu.memory_space<hbm>>) target(%dma_start3A_116 : memref<128x64xf32, #tpu.memory_space<vmem>>) offsets(%dma_start3A_119 : memref<128xi32, #tpu.memory_space<vmem>>) semaphore(%arg11 : memref<!tpu.dma_semaphore, #tpu.memory_space<semaphore_mem>>)
      %dma_start3A_123 = arith.constant 3 : i32
      %dma_start3A_124 = arith.constant 384 : i32
      %dma_start3A_125 = arith.constant 0 : i32
      %dma_start3A_126 = tpu.memref_slice %arg9[%dma_start3A_124, %dma_start3A_125] : memref<512x64xf32, #tpu.memory_space<vmem>> -> memref<128x64xf32, #tpu.memory_space<vmem>>
      %dma_start3A_127 = arith.constant 0 : i32
      %dma_start3A_128 = tpu.memref_slice %arg7[%dma_start3A_123, %dma_start3A_127] : memref<4x128xi32, #tpu.memory_space<vmem>> -> memref<1x128xi32, #tpu.memory_space<vmem>>
      %dma_start3A_129 = tpu.memref_squeeze %dma_start3A_128 : memref<1x128xi32, #tpu.memory_space<vmem>> -> memref<128xi32, #tpu.memory_space<vmem>>
      %dma_start3A_130 = arith.constant 0 : i32
      %dma_start3A_131 = arith.constant 0 : i32
      %dma_start3A_132 = tpu.memref_slice %arg2[%dma_start3A_130, %dma_start3A_131] : memref<10000x64xf32, #tpu.memory_space<hbm>> -> memref<10000x64xf32, #tpu.memory_space<hbm>>
      tpu.enqueue_indirect_dma source(%dma_start3A_132 : memref<10000x64xf32, #tpu.memory_space<hbm>>) target(%dma_start3A_126 : memref<128x64xf32, #tpu.memory_space<vmem>>) offsets(%dma_start3A_129 : memref<128xi32, #tpu.memory_space<vmem>>) semaphore(%arg11 : memref<!tpu.dma_semaphore, #tpu.memory_space<semaphore_mem>>)
      %dma_wait3A = arith.constant 0 : i32
      %dma_wait3A_133 = arith.constant 0 : i32
      %dma_wait3A_134 = arith.constant 0 : i32
      %dma_wait3A_135 = tpu.memref_slice %arg9[%dma_wait3A_133, %dma_wait3A_134] : memref<512x64xf32, #tpu.memory_space<vmem>> -> memref<128x64xf32, #tpu.memory_space<vmem>>
      %dma_wait3A_136 = arith.constant 0 : i32
      %dma_wait3A_137 = tpu.memref_slice %arg7[%dma_wait3A, %dma_wait3A_136] : memref<4x128xi32, #tpu.memory_space<vmem>> -> memref<1x128xi32, #tpu.memory_space<vmem>>
      %dma_wait3A_138 = tpu.memref_squeeze %dma_wait3A_137 : memref<1x128xi32, #tpu.memory_space<vmem>> -> memref<128xi32, #tpu.memory_space<vmem>>
      %dma_wait3A_139 = arith.constant 0 : i32
      %dma_wait3A_140 = arith.constant 0 : i32
      %dma_wait3A_141 = tpu.memref_slice %arg2[%dma_wait3A_139, %dma_wait3A_140] : memref<10000x64xf32, #tpu.memory_space<hbm>> -> memref<10000x64xf32, #tpu.memory_space<hbm>>
      tpu.wait_indirect_dma semaphore(%arg11 : memref<!tpu.dma_semaphore, #tpu.memory_space<semaphore_mem>>) src(%dma_wait3A_141 : memref<10000x64xf32, #tpu.memory_space<hbm>>) dst(%dma_wait3A_135 : memref<128x64xf32, #tpu.memory_space<vmem>>)
      %dma_wait3A_142 = arith.constant 1 : i32
      %dma_wait3A_143 = arith.constant 128 : i32
      %dma_wait3A_144 = arith.constant 0 : i32
      %dma_wait3A_145 = tpu.memref_slice %arg9[%dma_wait3A_143, %dma_wait3A_144] : memref<512x64xf32, #tpu.memory_space<vmem>> -> memref<128x64xf32, #tpu.memory_space<vmem>>
      %dma_wait3A_146 = arith.constant 0 : i32
      %dma_wait3A_147 = tpu.memref_slice %arg7[%dma_wait3A_142, %dma_wait3A_146] : memref<4x128xi32, #tpu.memory_space<vmem>> -> memref<1x128xi32, #tpu.memory_space<vmem>>
      %dma_wait3A_148 = tpu.memref_squeeze %dma_wait3A_147 : memref<1x128xi32, #tpu.memory_space<vmem>> -> memref<128xi32, #tpu.memory_space<vmem>>
      %dma_wait3A_149 = arith.constant 0 : i32
      %dma_wait3A_150 = arith.constant 0 : i32
      %dma_wait3A_151 = tpu.memref_slice %arg2[%dma_wait3A_149, %dma_wait3A_150] : memref<10000x64xf32, #tpu.memory_space<hbm>> -> memref<10000x64xf32, #tpu.memory_space<hbm>>
      tpu.wait_indirect_dma semaphore(%arg11 : memref<!tpu.dma_semaphore, #tpu.memory_space<semaphore_mem>>) src(%dma_wait3A_151 : memref<10000x64xf32, #tpu.memory_space<hbm>>) dst(%dma_wait3A_145 : memref<128x64xf32, #tpu.memory_space<vmem>>)
      %dma_wait3A_152 = arith.constant 2 : i32
      %dma_wait3A_153 = arith.constant 256 : i32
      %dma_wait3A_154 = arith.constant 0 : i32
      %dma_wait3A_155 = tpu.memref_slice %arg9[%dma_wait3A_153, %dma_wait3A_154] : memref<512x64xf32, #tpu.memory_space<vmem>> -> memref<128x64xf32, #tpu.memory_space<vmem>>
      %dma_wait3A_156 = arith.constant 0 : i32
      %dma_wait3A_157 = tpu.memref_slice %arg7[%dma_wait3A_152, %dma_wait3A_156] : memref<4x128xi32, #tpu.memory_space<vmem>> -> memref<1x128xi32, #tpu.memory_space<vmem>>
      %dma_wait3A_158 = tpu.memref_squeeze %dma_wait3A_157 : memref<1x128xi32, #tpu.memory_space<vmem>> -> memref<128xi32, #tpu.memory_space<vmem>>
      %dma_wait3A_159 = arith.constant 0 : i32
      %dma_wait3A_160 = arith.constant 0 : i32
      %dma_wait3A_161 = tpu.memref_slice %arg2[%dma_wait3A_159, %dma_wait3A_160] : memref<10000x64xf32, #tpu.memory_space<hbm>> -> memref<10000x64xf32, #tpu.memory_space<hbm>>
      tpu.wait_indirect_dma semaphore(%arg11 : memref<!tpu.dma_semaphore, #tpu.memory_space<semaphore_mem>>) src(%dma_wait3A_161 : memref<10000x64xf32, #tpu.memory_space<hbm>>) dst(%dma_wait3A_155 : memref<128x64xf32, #tpu.memory_space<vmem>>)
      %dma_wait3A_162 = arith.constant 3 : i32
      %dma_wait3A_163 = arith.constant 384 : i32
      %dma_wait3A_164 = arith.constant 0 : i32
      %dma_wait3A_165 = tpu.memref_slice %arg9[%dma_wait3A_163, %dma_wait3A_164] : memref<512x64xf32, #tpu.memory_space<vmem>> -> memref<128x64xf32, #tpu.memory_space<vmem>>
      %dma_wait3A_166 = arith.constant 0 : i32
      %dma_wait3A_167 = tpu.memref_slice %arg7[%dma_wait3A_162, %dma_wait3A_166] : memref<4x128xi32, #tpu.memory_space<vmem>> -> memref<1x128xi32, #tpu.memory_space<vmem>>
      %dma_wait3A_168 = tpu.memref_squeeze %dma_wait3A_167 : memref<1x128xi32, #tpu.memory_space<vmem>> -> memref<128xi32, #tpu.memory_space<vmem>>
      %dma_wait3A_169 = arith.constant 0 : i32
      %dma_wait3A_170 = arith.constant 0 : i32
      %dma_wait3A_171 = tpu.memref_slice %arg2[%dma_wait3A_169, %dma_wait3A_170] : memref<10000x64xf32, #tpu.memory_space<hbm>> -> memref<10000x64xf32, #tpu.memory_space<hbm>>
      tpu.wait_indirect_dma semaphore(%arg11 : memref<!tpu.dma_semaphore, #tpu.memory_space<semaphore_mem>>) src(%dma_wait3A_171 : memref<10000x64xf32, #tpu.memory_space<hbm>>) dst(%dma_wait3A_165 : memref<128x64xf32, #tpu.memory_space<vmem>>)
      %run_scoped3A = arith.constant 0 : i32
      "tpu.region"() ({
        %run_scoped3A_175 = tpu.sem_alloc : memref<!tpu.dma_semaphore, #tpu.memory_space<semaphore_mem>>
        %dma_start3A_176 = arith.constant 0 : i32
        %dma_start3A_177 = arith.constant 0 : i32
        %dma_start3A_178 = tpu.memref_slice %arg9[%dma_start3A_176, %dma_start3A_177] : memref<512x64xf32, #tpu.memory_space<vmem>> -> memref<128x64xf32, #tpu.memory_space<vmem>>
        %dma_start3A_179 = arith.constant 0 : i32
        %dma_start3A_180 = tpu.memref_slice %arg8[%run_scoped3A, %dma_start3A_179] : memref<4x128xi32, #tpu.memory_space<vmem>> -> memref<1x128xi32, #tpu.memory_space<vmem>>
        %dma_start3A_181 = tpu.memref_squeeze %dma_start3A_180 : memref<1x128xi32, #tpu.memory_space<vmem>> -> memref<128xi32, #tpu.memory_space<vmem>>
        %dma_start3A_182 = arith.constant 0 : i32
        %dma_start3A_183 = arith.constant 0 : i32
        %dma_start3A_184 = tpu.memref_slice %arg10[%dma_start3A_182, %dma_start3A_183] : memref<10000x64xf32, #tpu.memory_space<vmem_shared>> -> memref<10000x64xf32, #tpu.memory_space<vmem_shared>>
        tpu.enqueue_indirect_dma source(%dma_start3A_178 : memref<128x64xf32, #tpu.memory_space<vmem>>) target(%dma_start3A_184 : memref<10000x64xf32, #tpu.memory_space<vmem_shared>>) offsets(%dma_start3A_181 : memref<128xi32, #tpu.memory_space<vmem>>) semaphore(%run_scoped3A_175 : memref<!tpu.dma_semaphore, #tpu.memory_space<semaphore_mem>>) {add = true}
        %dma_wait3A_185 = arith.constant 0 : i32
        %dma_wait3A_186 = arith.constant 0 : i32
        %dma_wait3A_187 = tpu.memref_slice %arg9[%dma_wait3A_185, %dma_wait3A_186] : memref<512x64xf32, #tpu.memory_space<vmem>> -> memref<128x64xf32, #tpu.memory_space<vmem>>
        %dma_wait3A_188 = arith.constant 0 : i32
        %dma_wait3A_189 = tpu.memref_slice %arg8[%run_scoped3A, %dma_wait3A_188] : memref<4x128xi32, #tpu.memory_space<vmem>> -> memref<1x128xi32, #tpu.memory_space<vmem>>
        %dma_wait3A_190 = tpu.memref_squeeze %dma_wait3A_189 : memref<1x128xi32, #tpu.memory_space<vmem>> -> memref<128xi32, #tpu.memory_space<vmem>>
        %dma_wait3A_191 = arith.constant 0 : i32
        %dma_wait3A_192 = arith.constant 0 : i32
        %dma_wait3A_193 = tpu.memref_slice %arg10[%dma_wait3A_191, %dma_wait3A_192] : memref<10000x64xf32, #tpu.memory_space<vmem_shared>> -> memref<10000x64xf32, #tpu.memory_space<vmem_shared>>
        tpu.wait_indirect_dma semaphore(%run_scoped3A_175 : memref<!tpu.dma_semaphore, #tpu.memory_space<semaphore_mem>>) src(%dma_wait3A_187 : memref<128x64xf32, #tpu.memory_space<vmem>>) dst(%dma_wait3A_193 : memref<10000x64xf32, #tpu.memory_space<vmem_shared>>)
        tpu.yield
      }) : () -> ()
      %run_scoped3A_172 = arith.constant 1 : i32
      "tpu.region"() ({
        %run_scoped3A_175 = tpu.sem_alloc : memref<!tpu.dma_semaphore, #tpu.memory_space<semaphore_mem>>
        %dma_start3A_176 = arith.constant 128 : i32
        %dma_start3A_177 = arith.constant 0 : i32
        %dma_start3A_178 = tpu.memref_slice %arg9[%dma_start3A_176, %dma_start3A_177] : memref<512x64xf32, #tpu.memory_space<vmem>> -> memref<128x64xf32, #tpu.memory_space<vmem>>
        %dma_start3A_179 = arith.constant 0 : i32
        %dma_start3A_180 = tpu.memref_slice %arg8[%run_scoped3A_172, %dma_start3A_179] : memref<4x128xi32, #tpu.memory_space<vmem>> -> memref<1x128xi32, #tpu.memory_space<vmem>>
        %dma_start3A_181 = tpu.memref_squeeze %dma_start3A_180 : memref<1x128xi32, #tpu.memory_space<vmem>> -> memref<128xi32, #tpu.memory_space<vmem>>
        %dma_start3A_182 = arith.constant 0 : i32
        %dma_start3A_183 = arith.constant 0 : i32
        %dma_start3A_184 = tpu.memref_slice %arg10[%dma_start3A_182, %dma_start3A_183] : memref<10000x64xf32, #tpu.memory_space<vmem_shared>> -> memref<10000x64xf32, #tpu.memory_space<vmem_shared>>
        tpu.enqueue_indirect_dma source(%dma_start3A_178 : memref<128x64xf32, #tpu.memory_space<vmem>>) target(%dma_start3A_184 : memref<10000x64xf32, #tpu.memory_space<vmem_shared>>) offsets(%dma_start3A_181 : memref<128xi32, #tpu.memory_space<vmem>>) semaphore(%run_scoped3A_175 : memref<!tpu.dma_semaphore, #tpu.memory_space<semaphore_mem>>) {add = true}
        %dma_wait3A_185 = arith.constant 128 : i32
        %dma_wait3A_186 = arith.constant 0 : i32
        %dma_wait3A_187 = tpu.memref_slice %arg9[%dma_wait3A_185, %dma_wait3A_186] : memref<512x64xf32, #tpu.memory_space<vmem>> -> memref<128x64xf32, #tpu.memory_space<vmem>>
        %dma_wait3A_188 = arith.constant 0 : i32
        %dma_wait3A_189 = tpu.memref_slice %arg8[%run_scoped3A_172, %dma_wait3A_188] : memref<4x128xi32, #tpu.memory_space<vmem>> -> memref<1x128xi32, #tpu.memory_space<vmem>>
        %dma_wait3A_190 = tpu.memref_squeeze %dma_wait3A_189 : memref<1x128xi32, #tpu.memory_space<vmem>> -> memref<128xi32, #tpu.memory_space<vmem>>
        %dma_wait3A_191 = arith.constant 0 : i32
        %dma_wait3A_192 = arith.constant 0 : i32
        %dma_wait3A_193 = tpu.memref_slice %arg10[%dma_wait3A_191, %dma_wait3A_192] : memref<10000x64xf32, #tpu.memory_space<vmem_shared>> -> memref<10000x64xf32, #tpu.memory_space<vmem_shared>>
        tpu.wait_indirect_dma semaphore(%run_scoped3A_175 : memref<!tpu.dma_semaphore, #tpu.memory_space<semaphore_mem>>) src(%dma_wait3A_187 : memref<128x64xf32, #tpu.memory_space<vmem>>) dst(%dma_wait3A_193 : memref<10000x64xf32, #tpu.memory_space<vmem_shared>>)
        tpu.yield
      }) : () -> ()
      %run_scoped3A_173 = arith.constant 2 : i32
      "tpu.region"() ({
        %run_scoped3A_175 = tpu.sem_alloc : memref<!tpu.dma_semaphore, #tpu.memory_space<semaphore_mem>>
        %dma_start3A_176 = arith.constant 256 : i32
        %dma_start3A_177 = arith.constant 0 : i32
        %dma_start3A_178 = tpu.memref_slice %arg9[%dma_start3A_176, %dma_start3A_177] : memref<512x64xf32, #tpu.memory_space<vmem>> -> memref<128x64xf32, #tpu.memory_space<vmem>>
        %dma_start3A_179 = arith.constant 0 : i32
        %dma_start3A_180 = tpu.memref_slice %arg8[%run_scoped3A_173, %dma_start3A_179] : memref<4x128xi32, #tpu.memory_space<vmem>> -> memref<1x128xi32, #tpu.memory_space<vmem>>
        %dma_start3A_181 = tpu.memref_squeeze %dma_start3A_180 : memref<1x128xi32, #tpu.memory_space<vmem>> -> memref<128xi32, #tpu.memory_space<vmem>>
        %dma_start3A_182 = arith.constant 0 : i32
        %dma_start3A_183 = arith.constant 0 : i32
        %dma_start3A_184 = tpu.memref_slice %arg10[%dma_start3A_182, %dma_start3A_183] : memref<10000x64xf32, #tpu.memory_space<vmem_shared>> -> memref<10000x64xf32, #tpu.memory_space<vmem_shared>>
        tpu.enqueue_indirect_dma source(%dma_start3A_178 : memref<128x64xf32, #tpu.memory_space<vmem>>) target(%dma_start3A_184 : memref<10000x64xf32, #tpu.memory_space<vmem_shared>>) offsets(%dma_start3A_181 : memref<128xi32, #tpu.memory_space<vmem>>) semaphore(%run_scoped3A_175 : memref<!tpu.dma_semaphore, #tpu.memory_space<semaphore_mem>>) {add = true}
        %dma_wait3A_185 = arith.constant 256 : i32
        %dma_wait3A_186 = arith.constant 0 : i32
        %dma_wait3A_187 = tpu.memref_slice %arg9[%dma_wait3A_185, %dma_wait3A_186] : memref<512x64xf32, #tpu.memory_space<vmem>> -> memref<128x64xf32, #tpu.memory_space<vmem>>
        %dma_wait3A_188 = arith.constant 0 : i32
        %dma_wait3A_189 = tpu.memref_slice %arg8[%run_scoped3A_173, %dma_wait3A_188] : memref<4x128xi32, #tpu.memory_space<vmem>> -> memref<1x128xi32, #tpu.memory_space<vmem>>
        %dma_wait3A_190 = tpu.memref_squeeze %dma_wait3A_189 : memref<1x128xi32, #tpu.memory_space<vmem>> -> memref<128xi32, #tpu.memory_space<vmem>>
        %dma_wait3A_191 = arith.constant 0 : i32
        %dma_wait3A_192 = arith.constant 0 : i32
        %dma_wait3A_193 = tpu.memref_slice %arg10[%dma_wait3A_191, %dma_wait3A_192] : memref<10000x64xf32, #tpu.memory_space<vmem_shared>> -> memref<10000x64xf32, #tpu.memory_space<vmem_shared>>
        tpu.wait_indirect_dma semaphore(%run_scoped3A_175 : memref<!tpu.dma_semaphore, #tpu.memory_space<semaphore_mem>>) src(%dma_wait3A_187 : memref<128x64xf32, #tpu.memory_space<vmem>>) dst(%dma_wait3A_193 : memref<10000x64xf32, #tpu.memory_space<vmem_shared>>)
        tpu.yield
      }) : () -> ()
      %run_scoped3A_174 = arith.constant 3 : i32
      "tpu.region"() ({
        %run_scoped3A_175 = tpu.sem_alloc : memref<!tpu.dma_semaphore, #tpu.memory_space<semaphore_mem>>
        %dma_start3A_176 = arith.constant 384 : i32
        %dma_start3A_177 = arith.constant 0 : i32
        %dma_start3A_178 = tpu.memref_slice %arg9[%dma_start3A_176, %dma_start3A_177] : memref<512x64xf32, #tpu.memory_space<vmem>> -> memref<128x64xf32, #tpu.memory_space<vmem>>
        %dma_start3A_179 = arith.constant 0 : i32
        %dma_start3A_180 = tpu.memref_slice %arg8[%run_scoped3A_174, %dma_start3A_179] : memref<4x128xi32, #tpu.memory_space<vmem>> -> memref<1x128xi32, #tpu.memory_space<vmem>>
        %dma_start3A_181 = tpu.memref_squeeze %dma_start3A_180 : memref<1x128xi32, #tpu.memory_space<vmem>> -> memref<128xi32, #tpu.memory_space<vmem>>
        %dma_start3A_182 = arith.constant 0 : i32
        %dma_start3A_183 = arith.constant 0 : i32
        %dma_start3A_184 = tpu.memref_slice %arg10[%dma_start3A_182, %dma_start3A_183] : memref<10000x64xf32, #tpu.memory_space<vmem_shared>> -> memref<10000x64xf32, #tpu.memory_space<vmem_shared>>
        tpu.enqueue_indirect_dma source(%dma_start3A_178 : memref<128x64xf32, #tpu.memory_space<vmem>>) target(%dma_start3A_184 : memref<10000x64xf32, #tpu.memory_space<vmem_shared>>) offsets(%dma_start3A_181 : memref<128xi32, #tpu.memory_space<vmem>>) semaphore(%run_scoped3A_175 : memref<!tpu.dma_semaphore, #tpu.memory_space<semaphore_mem>>) {add = true}
        %dma_wait3A_185 = arith.constant 384 : i32
        %dma_wait3A_186 = arith.constant 0 : i32
        %dma_wait3A_187 = tpu.memref_slice %arg9[%dma_wait3A_185, %dma_wait3A_186] : memref<512x64xf32, #tpu.memory_space<vmem>> -> memref<128x64xf32, #tpu.memory_space<vmem>>
        %dma_wait3A_188 = arith.constant 0 : i32
        %dma_wait3A_189 = tpu.memref_slice %arg8[%run_scoped3A_174, %dma_wait3A_188] : memref<4x128xi32, #tpu.memory_space<vmem>> -> memref<1x128xi32, #tpu.memory_space<vmem>>
        %dma_wait3A_190 = tpu.memref_squeeze %dma_wait3A_189 : memref<1x128xi32, #tpu.memory_space<vmem>> -> memref<128xi32, #tpu.memory_space<vmem>>
        %dma_wait3A_191 = arith.constant 0 : i32
        %dma_wait3A_192 = arith.constant 0 : i32
        %dma_wait3A_193 = tpu.memref_slice %arg10[%dma_wait3A_191, %dma_wait3A_192] : memref<10000x64xf32, #tpu.memory_space<vmem_shared>> -> memref<10000x64xf32, #tpu.memory_space<vmem_shared>>
        tpu.wait_indirect_dma semaphore(%run_scoped3A_175 : memref<!tpu.dma_semaphore, #tpu.memory_space<semaphore_mem>>) src(%dma_wait3A_187 : memref<128x64xf32, #tpu.memory_space<vmem>>) dst(%dma_wait3A_193 : memref<10000x64xf32, #tpu.memory_space<vmem_shared>>)
        tpu.yield
      }) : () -> ()
    }
    %barrier3A_74 = arith.constant 0 : index
    tpu.barrier barrier_id(%barrier3A_74)
    %while3A_75 = arith.constant 0 : i32
    %while3A_76 = arith.constant 0 : i32
    %while3A_77 = arith.subi %select_n3A, %while3A_76 : i32
    %while3A_78 = arith.addi %while3A_76, %while3A_77 : i32
    %while3A_79 = arith.constant 1 : i32
    %while3A_80 = arith.divsi %while3A_77, %while3A_79 : i32
    %while3A_81 = arith.muli %while3A_80, %while3A_79 : i32
    %while3A_82 = arith.addi %while3A_76, %while3A_81 : i32
    %while3A_83 = arith.constant 1 : i32
    scf.for %while3A_90 = %while3A_76 to %while3A_82 step %while3A_83  : i32 {
      %mul3A_91 = arith.constant 16 : i32
      %mul3A_92 = arith.muli %while3A_90, %mul3A_91 : i32
      %add3A_93 = arith.addi %arg1, %mul3A_92 : i32
      %mul3A_94 = arith.constant 128 : i32
      %mul3A_95 = arith.muli %add3A_93, %mul3A_94 : i32
      "tpu.region"() ({
        %run_scoped3A = tpu.sem_alloc : memref<!tpu.dma_semaphore, #tpu.memory_space<semaphore_mem>>
        %dma_start3A = arith.constant 0 : i32
        %dma_start3A_96 = arith.constant 0 : i32
        %dma_start3A_97 = tpu.memref_slice %arg9[%dma_start3A, %dma_start3A_96] : memref<512x64xf32, #tpu.memory_space<vmem>> -> memref<128x64xf32, #tpu.memory_space<vmem>>
        %dma_start3A_98 = arith.constant 0 : i32
        %dma_start3A_99 = tpu.memref_slice %arg10[%mul3A_95, %dma_start3A_98] : memref<10000x64xf32, #tpu.memory_space<vmem_shared>> -> memref<128x64xf32, #tpu.memory_space<vmem_shared>>
        %dma_start3A_100 = arith.constant 0 : i32
        %dma_start3A_101 = arith.constant 0 : i32
        %dma_start3A_102 = tpu.memref_slice %arg9[%dma_start3A_100, %dma_start3A_101] : memref<512x64xf32, #tpu.memory_space<vmem>> -> memref<128x64xf32, #tpu.memory_space<vmem>>
        %dma_start3A_103 = arith.constant 0 : i32
        %dma_start3A_104 = tpu.memref_slice %arg10[%mul3A_95, %dma_start3A_103] : memref<10000x64xf32, #tpu.memory_space<vmem_shared>> -> memref<128x64xf32, #tpu.memory_space<vmem_shared>>
        tpu.enqueue_dma source(%dma_start3A_104 : memref<128x64xf32, #tpu.memory_space<vmem_shared>>) target(%dma_start3A_102 : memref<128x64xf32, #tpu.memory_space<vmem>>) target_semaphore(%run_scoped3A : memref<!tpu.dma_semaphore, #tpu.memory_space<semaphore_mem>>)
        %dma_wait3A = arith.constant 0 : i32
        %dma_wait3A_105 = arith.constant 0 : i32
        %dma_wait3A_106 = tpu.memref_slice %arg9[%dma_wait3A, %dma_wait3A_105] : memref<512x64xf32, #tpu.memory_space<vmem>> -> memref<128x64xf32, #tpu.memory_space<vmem>>
        %dma_wait3A_107 = arith.constant 0 : i32
        %dma_wait3A_108 = tpu.memref_slice %arg10[%mul3A_95, %dma_wait3A_107] : memref<10000x64xf32, #tpu.memory_space<vmem_shared>> -> memref<128x64xf32, #tpu.memory_space<vmem_shared>>
        %dma_wait3A_109 = arith.constant 0 : i32
        %dma_wait3A_110 = arith.constant 0 : i32
        %dma_wait3A_111 = tpu.memref_slice %arg9[%dma_wait3A_109, %dma_wait3A_110] : memref<512x64xf32, #tpu.memory_space<vmem>> -> memref<128x64xf32, #tpu.memory_space<vmem>>
        %dma_wait3A_112 = arith.constant 0 : i32
        %dma_wait3A_113 = tpu.memref_slice %arg10[%mul3A_95, %dma_wait3A_112] : memref<10000x64xf32, #tpu.memory_space<vmem_shared>> -> memref<128x64xf32, #tpu.memory_space<vmem_shared>>
        tpu.wait_dma2 semaphore(%run_scoped3A : memref<!tpu.dma_semaphore, #tpu.memory_space<semaphore_mem>>) src(%dma_wait3A_113 : memref<128x64xf32, #tpu.memory_space<vmem_shared>>) dst(%dma_wait3A_111 : memref<128x64xf32, #tpu.memory_space<vmem>>)
        tpu.yield
      }) : () -> ()
      "tpu.region"() ({
        %run_scoped3A = tpu.sem_alloc : memref<!tpu.dma_semaphore, #tpu.memory_space<semaphore_mem>>
        %dma_start3A = arith.constant 0 : i32
        %dma_start3A_96 = arith.constant 0 : i32
        %dma_start3A_97 = tpu.memref_slice %arg9[%dma_start3A, %dma_start3A_96] : memref<512x64xf32, #tpu.memory_space<vmem>> -> memref<128x64xf32, #tpu.memory_space<vmem>>
        %dma_start3A_98 = arith.constant 0 : i32
        %dma_start3A_99 = arith.constant 0 : i32
        %dma_start3A_100 = tpu.memref_slice %arg6[%arg0, %dma_start3A_98, %dma_start3A_99] : memref<2x10000x64xf32, #tpu.memory_space<hbm>> -> memref<1x10000x64xf32, #tpu.memory_space<hbm>>
        %dma_start3A_101 = tpu.memref_squeeze %dma_start3A_100 : memref<1x10000x64xf32, #tpu.memory_space<hbm>> -> memref<10000x64xf32, #tpu.memory_space<hbm>>
        %dma_start3A_102 = arith.constant 0 : i32
        %dma_start3A_103 = tpu.memref_slice %dma_start3A_101[%mul3A_95, %dma_start3A_102] : memref<10000x64xf32, #tpu.memory_space<hbm>> -> memref<128x64xf32, #tpu.memory_space<hbm>>
        %dma_start3A_104 = arith.constant 0 : i32
        %dma_start3A_105 = arith.constant 0 : i32
        %dma_start3A_106 = tpu.memref_slice %arg6[%arg0, %dma_start3A_104, %dma_start3A_105] : memref<2x10000x64xf32, #tpu.memory_space<hbm>> -> memref<1x10000x64xf32, #tpu.memory_space<hbm>>
        %dma_start3A_107 = tpu.memref_squeeze %dma_start3A_106 : memref<1x10000x64xf32, #tpu.memory_space<hbm>> -> memref<10000x64xf32, #tpu.memory_space<hbm>>
        %dma_start3A_108 = arith.constant 0 : i32
        %dma_start3A_109 = tpu.memref_slice %dma_start3A_107[%mul3A_95, %dma_start3A_108] : memref<10000x64xf32, #tpu.memory_space<hbm>> -> memref<128x64xf32, #tpu.memory_space<hbm>>
        %dma_start3A_110 = arith.constant 0 : i32
        %dma_start3A_111 = arith.constant 0 : i32
        %dma_start3A_112 = tpu.memref_slice %arg9[%dma_start3A_110, %dma_start3A_111] : memref<512x64xf32, #tpu.memory_space<vmem>> -> memref<128x64xf32, #tpu.memory_space<vmem>>
        tpu.enqueue_dma source(%dma_start3A_112 : memref<128x64xf32, #tpu.memory_space<vmem>>) target(%dma_start3A_109 : memref<128x64xf32, #tpu.memory_space<hbm>>) target_semaphore(%run_scoped3A : memref<!tpu.dma_semaphore, #tpu.memory_space<semaphore_mem>>)
        %dma_wait3A = arith.constant 0 : i32
        %dma_wait3A_113 = arith.constant 0 : i32
        %dma_wait3A_114 = tpu.memref_slice %arg9[%dma_wait3A, %dma_wait3A_113] : memref<512x64xf32, #tpu.memory_space<vmem>> -> memref<128x64xf32, #tpu.memory_space<vmem>>
        %dma_wait3A_115 = arith.constant 0 : i32
        %dma_wait3A_116 = arith.constant 0 : i32
        %dma_wait3A_117 = tpu.memref_slice %arg6[%arg0, %dma_wait3A_115, %dma_wait3A_116] : memref<2x10000x64xf32, #tpu.memory_space<hbm>> -> memref<1x10000x64xf32, #tpu.memory_space<hbm>>
        %dma_wait3A_118 = tpu.memref_squeeze %dma_wait3A_117 : memref<1x10000x64xf32, #tpu.memory_space<hbm>> -> memref<10000x64xf32, #tpu.memory_space<hbm>>
        %dma_wait3A_119 = arith.constant 0 : i32
        %dma_wait3A_120 = tpu.memref_slice %dma_wait3A_118[%mul3A_95, %dma_wait3A_119] : memref<10000x64xf32, #tpu.memory_space<hbm>> -> memref<128x64xf32, #tpu.memory_space<hbm>>
        %dma_wait3A_121 = arith.constant 0 : i32
        %dma_wait3A_122 = arith.constant 0 : i32
        %dma_wait3A_123 = tpu.memref_slice %arg6[%arg0, %dma_wait3A_121, %dma_wait3A_122] : memref<2x10000x64xf32, #tpu.memory_space<hbm>> -> memref<1x10000x64xf32, #tpu.memory_space<hbm>>
        %dma_wait3A_124 = tpu.memref_squeeze %dma_wait3A_123 : memref<1x10000x64xf32, #tpu.memory_space<hbm>> -> memref<10000x64xf32, #tpu.memory_space<hbm>>
        %dma_wait3A_125 = arith.constant 0 : i32
        %dma_wait3A_126 = tpu.memref_slice %dma_wait3A_124[%mul3A_95, %dma_wait3A_125] : memref<10000x64xf32, #tpu.memory_space<hbm>> -> memref<128x64xf32, #tpu.memory_space<hbm>>
        %dma_wait3A_127 = arith.constant 0 : i32
        %dma_wait3A_128 = arith.constant 0 : i32
        %dma_wait3A_129 = tpu.memref_slice %arg9[%dma_wait3A_127, %dma_wait3A_128] : memref<512x64xf32, #tpu.memory_space<vmem>> -> memref<128x64xf32, #tpu.memory_space<vmem>>
        tpu.wait_dma2 semaphore(%run_scoped3A : memref<!tpu.dma_semaphore, #tpu.memory_space<semaphore_mem>>) src(%dma_wait3A_129 : memref<128x64xf32, #tpu.memory_space<vmem>>) dst(%dma_wait3A_126 : memref<128x64xf32, #tpu.memory_space<hbm>>)
        tpu.yield
      }) : () -> ()
    }
    %while3A_84 = arith.constant 1 : i32
    scf.for %while3A_90 = %while3A_82 to %while3A_78 step %while3A_84  : i32 {
      %mul3A_91 = arith.constant 16 : i32
      %mul3A_92 = arith.muli %while3A_90, %mul3A_91 : i32
      %add3A_93 = arith.addi %arg1, %mul3A_92 : i32
      %mul3A_94 = arith.constant 128 : i32
      %mul3A_95 = arith.muli %add3A_93, %mul3A_94 : i32
      "tpu.region"() ({
        %run_scoped3A = tpu.sem_alloc : memref<!tpu.dma_semaphore, #tpu.memory_space<semaphore_mem>>
        %dma_start3A = arith.constant 0 : i32
        %dma_start3A_96 = arith.constant 0 : i32
        %dma_start3A_97 = tpu.memref_slice %arg9[%dma_start3A, %dma_start3A_96] : memref<512x64xf32, #tpu.memory_space<vmem>> -> memref<128x64xf32, #tpu.memory_space<vmem>>
        %dma_start3A_98 = arith.constant 0 : i32
        %dma_start3A_99 = tpu.memref_slice %arg10[%mul3A_95, %dma_start3A_98] : memref<10000x64xf32, #tpu.memory_space<vmem_shared>> -> memref<128x64xf32, #tpu.memory_space<vmem_shared>>
        %dma_start3A_100 = arith.constant 0 : i32
        %dma_start3A_101 = arith.constant 0 : i32
        %dma_start3A_102 = tpu.memref_slice %arg9[%dma_start3A_100, %dma_start3A_101] : memref<512x64xf32, #tpu.memory_space<vmem>> -> memref<128x64xf32, #tpu.memory_space<vmem>>
        %dma_start3A_103 = arith.constant 0 : i32
        %dma_start3A_104 = tpu.memref_slice %arg10[%mul3A_95, %dma_start3A_103] : memref<10000x64xf32, #tpu.memory_space<vmem_shared>> -> memref<128x64xf32, #tpu.memory_space<vmem_shared>>
        tpu.enqueue_dma source(%dma_start3A_104 : memref<128x64xf32, #tpu.memory_space<vmem_shared>>) target(%dma_start3A_102 : memref<128x64xf32, #tpu.memory_space<vmem>>) target_semaphore(%run_scoped3A : memref<!tpu.dma_semaphore, #tpu.memory_space<semaphore_mem>>)
        %dma_wait3A = arith.constant 0 : i32
        %dma_wait3A_105 = arith.constant 0 : i32
        %dma_wait3A_106 = tpu.memref_slice %arg9[%dma_wait3A, %dma_wait3A_105] : memref<512x64xf32, #tpu.memory_space<vmem>> -> memref<128x64xf32, #tpu.memory_space<vmem>>
        %dma_wait3A_107 = arith.constant 0 : i32
        %dma_wait3A_108 = tpu.memref_slice %arg10[%mul3A_95, %dma_wait3A_107] : memref<10000x64xf32, #tpu.memory_space<vmem_shared>> -> memref<128x64xf32, #tpu.memory_space<vmem_shared>>
        %dma_wait3A_109 = arith.constant 0 : i32
        %dma_wait3A_110 = arith.constant 0 : i32
        %dma_wait3A_111 = tpu.memref_slice %arg9[%dma_wait3A_109, %dma_wait3A_110] : memref<512x64xf32, #tpu.memory_space<vmem>> -> memref<128x64xf32, #tpu.memory_space<vmem>>
        %dma_wait3A_112 = arith.constant 0 : i32
        %dma_wait3A_113 = tpu.memref_slice %arg10[%mul3A_95, %dma_wait3A_112] : memref<10000x64xf32, #tpu.memory_space<vmem_shared>> -> memref<128x64xf32, #tpu.memory_space<vmem_shared>>
        tpu.wait_dma2 semaphore(%run_scoped3A : memref<!tpu.dma_semaphore, #tpu.memory_space<semaphore_mem>>) src(%dma_wait3A_113 : memref<128x64xf32, #tpu.memory_space<vmem_shared>>) dst(%dma_wait3A_111 : memref<128x64xf32, #tpu.memory_space<vmem>>)
        tpu.yield
      }) : () -> ()
      "tpu.region"() ({
        %run_scoped3A = tpu.sem_alloc : memref<!tpu.dma_semaphore, #tpu.memory_space<semaphore_mem>>
        %dma_start3A = arith.constant 0 : i32
        %dma_start3A_96 = arith.constant 0 : i32
        %dma_start3A_97 = tpu.memref_slice %arg9[%dma_start3A, %dma_start3A_96] : memref<512x64xf32, #tpu.memory_space<vmem>> -> memref<128x64xf32, #tpu.memory_space<vmem>>
        %dma_start3A_98 = arith.constant 0 : i32
        %dma_start3A_99 = arith.constant 0 : i32
        %dma_start3A_100 = tpu.memref_slice %arg6[%arg0, %dma_start3A_98, %dma_start3A_99] : memref<2x10000x64xf32, #tpu.memory_space<hbm>> -> memref<1x10000x64xf32, #tpu.memory_space<hbm>>
        %dma_start3A_101 = tpu.memref_squeeze %dma_start3A_100 : memref<1x10000x64xf32, #tpu.memory_space<hbm>> -> memref<10000x64xf32, #tpu.memory_space<hbm>>
        %dma_start3A_102 = arith.constant 0 : i32
        %dma_start3A_103 = tpu.memref_slice %dma_start3A_101[%mul3A_95, %dma_start3A_102] : memref<10000x64xf32, #tpu.memory_space<hbm>> -> memref<128x64xf32, #tpu.memory_space<hbm>>
        %dma_start3A_104 = arith.constant 0 : i32
        %dma_start3A_105 = arith.constant 0 : i32
        %dma_start3A_106 = tpu.memref_slice %arg6[%arg0, %dma_start3A_104, %dma_start3A_105] : memref<2x10000x64xf32, #tpu.memory_space<hbm>> -> memref<1x10000x64xf32, #tpu.memory_space<hbm>>
        %dma_start3A_107 = tpu.memref_squeeze %dma_start3A_106 : memref<1x10000x64xf32, #tpu.memory_space<hbm>> -> memref<10000x64xf32, #tpu.memory_space<hbm>>
        %dma_start3A_108 = arith.constant 0 : i32
        %dma_start3A_109 = tpu.memref_slice %dma_start3A_107[%mul3A_95, %dma_start3A_108] : memref<10000x64xf32, #tpu.memory_space<hbm>> -> memref<128x64xf32, #tpu.memory_space<hbm>>
        %dma_start3A_110 = arith.constant 0 : i32
        %dma_start3A_111 = arith.constant 0 : i32
        %dma_start3A_112 = tpu.memref_slice %arg9[%dma_start3A_110, %dma_start3A_111] : memref<512x64xf32, #tpu.memory_space<vmem>> -> memref<128x64xf32, #tpu.memory_space<vmem>>
        tpu.enqueue_dma source(%dma_start3A_112 : memref<128x64xf32, #tpu.memory_space<vmem>>) target(%dma_start3A_109 : memref<128x64xf32, #tpu.memory_space<hbm>>) target_semaphore(%run_scoped3A : memref<!tpu.dma_semaphore, #tpu.memory_space<semaphore_mem>>)
        %dma_wait3A = arith.constant 0 : i32
        %dma_wait3A_113 = arith.constant 0 : i32
        %dma_wait3A_114 = tpu.memref_slice %arg9[%dma_wait3A, %dma_wait3A_113] : memref<512x64xf32, #tpu.memory_space<vmem>> -> memref<128x64xf32, #tpu.memory_space<vmem>>
        %dma_wait3A_115 = arith.constant 0 : i32
        %dma_wait3A_116 = arith.constant 0 : i32
        %dma_wait3A_117 = tpu.memref_slice %arg6[%arg0, %dma_wait3A_115, %dma_wait3A_116] : memref<2x10000x64xf32, #tpu.memory_space<hbm>> -> memref<1x10000x64xf32, #tpu.memory_space<hbm>>
        %dma_wait3A_118 = tpu.memref_squeeze %dma_wait3A_117 : memref<1x10000x64xf32, #tpu.memory_space<hbm>> -> memref<10000x64xf32, #tpu.memory_space<hbm>>
        %dma_wait3A_119 = arith.constant 0 : i32
        %dma_wait3A_120 = tpu.memref_slice %dma_wait3A_118[%mul3A_95, %dma_wait3A_119] : memref<10000x64xf32, #tpu.memory_space<hbm>> -> memref<128x64xf32, #tpu.memory_space<hbm>>
        %dma_wait3A_121 = arith.constant 0 : i32
        %dma_wait3A_122 = arith.constant 0 : i32
        %dma_wait3A_123 = tpu.memref_slice %arg6[%arg0, %dma_wait3A_121, %dma_wait3A_122] : memref<2x10000x64xf32, #tpu.memory_space<hbm>> -> memref<1x10000x64xf32, #tpu.memory_space<hbm>>
        %dma_wait3A_124 = tpu.memref_squeeze %dma_wait3A_123 : memref<1x10000x64xf32, #tpu.memory_space<hbm>> -> memref<10000x64xf32, #tpu.memory_space<hbm>>
        %dma_wait3A_125 = arith.constant 0 : i32
        %dma_wait3A_126 = tpu.memref_slice %dma_wait3A_124[%mul3A_95, %dma_wait3A_125] : memref<10000x64xf32, #tpu.memory_space<hbm>> -> memref<128x64xf32, #tpu.memory_space<hbm>>
        %dma_wait3A_127 = arith.constant 0 : i32
        %dma_wait3A_128 = arith.constant 0 : i32
        %dma_wait3A_129 = tpu.memref_slice %arg9[%dma_wait3A_127, %dma_wait3A_128] : memref<512x64xf32, #tpu.memory_space<vmem>> -> memref<128x64xf32, #tpu.memory_space<vmem>>
        tpu.wait_dma2 semaphore(%run_scoped3A : memref<!tpu.dma_semaphore, #tpu.memory_space<semaphore_mem>>) src(%dma_wait3A_129 : memref<128x64xf32, #tpu.memory_space<vmem>>) dst(%dma_wait3A_126 : memref<128x64xf32, #tpu.memory_space<hbm>>)
        tpu.yield
      }) : () -> ()
    }
    %eq3A_85 = arith.constant 0 : i32
    %eq3A_86 = arith.cmpi eq, %arg1, %eq3A_85 : i32
    %convert_element_type3A_87 = arith.extui %eq3A_86 : i1 to i32
    %cond3A_88 = arith.constant 0 : i32
    %cond3A_89 = arith.cmpi ne, %convert_element_type3A_87, %cond3A_88 : i32
    scf.if %cond3A_89 {
      "tpu.region"() ({
        %run_scoped3A = tpu.sem_alloc : memref<!tpu.dma_semaphore, #tpu.memory_space<semaphore_mem>>
        %dma_start3A = arith.constant 0 : i32
        %dma_start3A_90 = arith.constant 0 : i32
        %dma_start3A_91 = tpu.memref_slice %arg9[%dma_start3A, %dma_start3A_90] : memref<512x64xf32, #tpu.memory_space<vmem>> -> memref<16x64xf32, #tpu.memory_space<vmem>>
        %dma_start3A_92 = arith.constant 9984 : i32
        %dma_start3A_93 = arith.constant 0 : i32
        %dma_start3A_94 = tpu.memref_slice %arg10[%dma_start3A_92, %dma_start3A_93] : memref<10000x64xf32, #tpu.memory_space<vmem_shared>> -> memref<16x64xf32, #tpu.memory_space<vmem_shared>>
        %dma_start3A_95 = arith.constant 0 : i32
        %dma_start3A_96 = arith.constant 0 : i32
        %dma_start3A_97 = tpu.memref_slice %arg9[%dma_start3A_95, %dma_start3A_96] : memref<512x64xf32, #tpu.memory_space<vmem>> -> memref<16x64xf32, #tpu.memory_space<vmem>>
        %dma_start3A_98 = arith.constant 9984 : i32
        %dma_start3A_99 = arith.constant 0 : i32
        %dma_start3A_100 = tpu.memref_slice %arg10[%dma_start3A_98, %dma_start3A_99] : memref<10000x64xf32, #tpu.memory_space<vmem_shared>> -> memref<16x64xf32, #tpu.memory_space<vmem_shared>>
        tpu.enqueue_dma source(%dma_start3A_100 : memref<16x64xf32, #tpu.memory_space<vmem_shared>>) target(%dma_start3A_97 : memref<16x64xf32, #tpu.memory_space<vmem>>) target_semaphore(%run_scoped3A : memref<!tpu.dma_semaphore, #tpu.memory_space<semaphore_mem>>)
        %dma_wait3A = arith.constant 0 : i32
        %dma_wait3A_101 = arith.constant 0 : i32
        %dma_wait3A_102 = tpu.memref_slice %arg9[%dma_wait3A, %dma_wait3A_101] : memref<512x64xf32, #tpu.memory_space<vmem>> -> memref<16x64xf32, #tpu.memory_space<vmem>>
        %dma_wait3A_103 = arith.constant 9984 : i32
        %dma_wait3A_104 = arith.constant 0 : i32
        %dma_wait3A_105 = tpu.memref_slice %arg10[%dma_wait3A_103, %dma_wait3A_104] : memref<10000x64xf32, #tpu.memory_space<vmem_shared>> -> memref<16x64xf32, #tpu.memory_space<vmem_shared>>
        %dma_wait3A_106 = arith.constant 0 : i32
        %dma_wait3A_107 = arith.constant 0 : i32
        %dma_wait3A_108 = tpu.memref_slice %arg9[%dma_wait3A_106, %dma_wait3A_107] : memref<512x64xf32, #tpu.memory_space<vmem>> -> memref<16x64xf32, #tpu.memory_space<vmem>>
        %dma_wait3A_109 = arith.constant 9984 : i32
        %dma_wait3A_110 = arith.constant 0 : i32
        %dma_wait3A_111 = tpu.memref_slice %arg10[%dma_wait3A_109, %dma_wait3A_110] : memref<10000x64xf32, #tpu.memory_space<vmem_shared>> -> memref<16x64xf32, #tpu.memory_space<vmem_shared>>
        tpu.wait_dma2 semaphore(%run_scoped3A : memref<!tpu.dma_semaphore, #tpu.memory_space<semaphore_mem>>) src(%dma_wait3A_111 : memref<16x64xf32, #tpu.memory_space<vmem_shared>>) dst(%dma_wait3A_108 : memref<16x64xf32, #tpu.memory_space<vmem>>)
        tpu.yield
      }) : () -> ()
      "tpu.region"() ({
        %run_scoped3A = tpu.sem_alloc : memref<!tpu.dma_semaphore, #tpu.memory_space<semaphore_mem>>
        %dma_start3A = arith.constant 0 : i32
        %dma_start3A_90 = arith.constant 0 : i32
        %dma_start3A_91 = tpu.memref_slice %arg9[%dma_start3A, %dma_start3A_90] : memref<512x64xf32, #tpu.memory_space<vmem>> -> memref<16x64xf32, #tpu.memory_space<vmem>>
        %dma_start3A_92 = arith.constant 0 : i32
        %dma_start3A_93 = arith.constant 0 : i32
        %dma_start3A_94 = tpu.memref_slice %arg6[%arg0, %dma_start3A_92, %dma_start3A_93] : memref<2x10000x64xf32, #tpu.memory_space<hbm>> -> memref<1x10000x64xf32, #tpu.memory_space<hbm>>
        %dma_start3A_95 = tpu.memref_squeeze %dma_start3A_94 : memref<1x10000x64xf32, #tpu.memory_space<hbm>> -> memref<10000x64xf32, #tpu.memory_space<hbm>>
        %dma_start3A_96 = arith.constant 9984 : i32
        %dma_start3A_97 = arith.constant 0 : i32
        %dma_start3A_98 = tpu.memref_slice %dma_start3A_95[%dma_start3A_96, %dma_start3A_97] : memref<10000x64xf32, #tpu.memory_space<hbm>> -> memref<16x64xf32, #tpu.memory_space<hbm>>
        %dma_start3A_99 = arith.constant 0 : i32
        %dma_start3A_100 = arith.constant 0 : i32
        %dma_start3A_101 = tpu.memref_slice %arg6[%arg0, %dma_start3A_99, %dma_start3A_100] : memref<2x10000x64xf32, #tpu.memory_space<hbm>> -> memref<1x10000x64xf32, #tpu.memory_space<hbm>>
        %dma_start3A_102 = tpu.memref_squeeze %dma_start3A_101 : memref<1x10000x64xf32, #tpu.memory_space<hbm>> -> memref<10000x64xf32, #tpu.memory_space<hbm>>
        %dma_start3A_103 = arith.constant 9984 : i32
        %dma_start3A_104 = arith.constant 0 : i32
        %dma_start3A_105 = tpu.memref_slice %dma_start3A_102[%dma_start3A_103, %dma_start3A_104] : memref<10000x64xf32, #tpu.memory_space<hbm>> -> memref<16x64xf32, #tpu.memory_space<hbm>>
        %dma_start3A_106 = arith.constant 0 : i32
        %dma_start3A_107 = arith.constant 0 : i32
        %dma_start3A_108 = tpu.memref_slice %arg9[%dma_start3A_106, %dma_start3A_107] : memref<512x64xf32, #tpu.memory_space<vmem>> -> memref<16x64xf32, #tpu.memory_space<vmem>>
        tpu.enqueue_dma source(%dma_start3A_108 : memref<16x64xf32, #tpu.memory_space<vmem>>) target(%dma_start3A_105 : memref<16x64xf32, #tpu.memory_space<hbm>>) target_semaphore(%run_scoped3A : memref<!tpu.dma_semaphore, #tpu.memory_space<semaphore_mem>>)
        %dma_wait3A = arith.constant 0 : i32
        %dma_wait3A_109 = arith.constant 0 : i32
        %dma_wait3A_110 = tpu.memref_slice %arg9[%dma_wait3A, %dma_wait3A_109] : memref<512x64xf32, #tpu.memory_space<vmem>> -> memref<16x64xf32, #tpu.memory_space<vmem>>
        %dma_wait3A_111 = arith.constant 0 : i32
        %dma_wait3A_112 = arith.constant 0 : i32
        %dma_wait3A_113 = tpu.memref_slice %arg6[%arg0, %dma_wait3A_111, %dma_wait3A_112] : memref<2x10000x64xf32, #tpu.memory_space<hbm>> -> memref<1x10000x64xf32, #tpu.memory_space<hbm>>
        %dma_wait3A_114 = tpu.memref_squeeze %dma_wait3A_113 : memref<1x10000x64xf32, #tpu.memory_space<hbm>> -> memref<10000x64xf32, #tpu.memory_space<hbm>>
        %dma_wait3A_115 = arith.constant 9984 : i32
        %dma_wait3A_116 = arith.constant 0 : i32
        %dma_wait3A_117 = tpu.memref_slice %dma_wait3A_114[%dma_wait3A_115, %dma_wait3A_116] : memref<10000x64xf32, #tpu.memory_space<hbm>> -> memref<16x64xf32, #tpu.memory_space<hbm>>
        %dma_wait3A_118 = arith.constant 0 : i32
        %dma_wait3A_119 = arith.constant 0 : i32
        %dma_wait3A_120 = tpu.memref_slice %arg6[%arg0, %dma_wait3A_118, %dma_wait3A_119] : memref<2x10000x64xf32, #tpu.memory_space<hbm>> -> memref<1x10000x64xf32, #tpu.memory_space<hbm>>
        %dma_wait3A_121 = tpu.memref_squeeze %dma_wait3A_120 : memref<1x10000x64xf32, #tpu.memory_space<hbm>> -> memref<10000x64xf32, #tpu.memory_space<hbm>>
        %dma_wait3A_122 = arith.constant 9984 : i32
        %dma_wait3A_123 = arith.constant 0 : i32
        %dma_wait3A_124 = tpu.memref_slice %dma_wait3A_121[%dma_wait3A_122, %dma_wait3A_123] : memref<10000x64xf32, #tpu.memory_space<hbm>> -> memref<16x64xf32, #tpu.memory_space<hbm>>
        %dma_wait3A_125 = arith.constant 0 : i32
        %dma_wait3A_126 = arith.constant 0 : i32
        %dma_wait3A_127 = tpu.memref_slice %arg9[%dma_wait3A_125, %dma_wait3A_126] : memref<512x64xf32, #tpu.memory_space<vmem>> -> memref<16x64xf32, #tpu.memory_space<vmem>>
        tpu.wait_dma2 semaphore(%run_scoped3A : memref<!tpu.dma_semaphore, #tpu.memory_space<semaphore_mem>>) src(%dma_wait3A_127 : memref<16x64xf32, #tpu.memory_space<vmem>>) dst(%dma_wait3A_124 : memref<16x64xf32, #tpu.memory_space<hbm>>)
        tpu.yield
      }) : () -> ()
    } else {
    }
    return
  }
}

#map = affine_map<(d0, d1) -> (0, 0)>
#map1 = affine_map<(d0, d1) -> (0, 0, 0)>
module attributes {stable_mosaic.version = 14 : i64} {
  func.func @k(%arg0: i32, %arg1: i32, %arg2: memref<10000x128xf32, #tpu.memory_space<hbm>>, %arg3: memref<2500x1x128xi32, #tpu.memory_space<hbm>>, %arg4: memref<2500x1x128xi32, #tpu.memory_space<hbm>>, %arg5: memref<128x128xf32, #tpu.memory_space<hbm>>, %arg6: memref<128x8xf32, #tpu.memory_space<hbm>>, %arg7: memref<128x8xf32, #tpu.memory_space<hbm>>, %arg8: memref<2x10000x128xf32, #tpu.memory_space<hbm>>, %arg9: memref<2x10000x8xf32, #tpu.memory_space<hbm>>, %arg10: memref<1x128xi32, #tpu.memory_space<vmem>>, %arg11: memref<1x128xi32, #tpu.memory_space<vmem>>, %arg12: memref<128x128xf32, #tpu.memory_space<vmem>>, %arg13: memref<10000x128xf32, #tpu.memory_space<vmem_shared>>, %arg14: memref<!tpu.dma_semaphore, #tpu.memory_space<semaphore_mem>>, %arg15: memref<128x8xf32, #tpu.memory_space<vmem>>, %arg16: memref<128x8xf32, #tpu.memory_space<vmem>>, %arg17: memref<10000x8xf32, #tpu.memory_space<vmem_shared>>) attributes {dimension_semantics = [#tpu.dimension_semantics<core_parallel>, #tpu.dimension_semantics<subcore_parallel>], iteration_bounds = array<i64: 2, 16>, scalar_prefetch = 0 : i64, scratch_operands = 8 : i64, tpu.core_type = #tpu.core_type<sc_vector_subcore>, window_params = [{transform_indices = #map}, {transform_indices = #map1}, {transform_indices = #map1}, {transform_indices = #map}, {transform_indices = #map}, {transform_indices = #map}, {transform_indices = #map1}, {transform_indices = #map1}]} {
    %mul3A = arith.constant 16 : i32
    %mul3A_0 = arith.muli %arg0, %mul3A : i32
    %add3A = arith.addi %mul3A_0, %arg1 : i32
    "tpu.region"() ({
      %run_scoped3A = tpu.sem_alloc : memref<!tpu.dma_semaphore, #tpu.memory_space<semaphore_mem>>
      %dma_start3A = arith.constant 0 : i32
      %dma_start3A_90 = arith.constant 0 : i32
      %dma_start3A_91 = tpu.memref_slice %arg12[%dma_start3A, %dma_start3A_90] : memref<128x128xf32, #tpu.memory_space<vmem>> -> memref<128x128xf32, #tpu.memory_space<vmem>>
      %dma_start3A_92 = arith.constant 0 : i32
      %dma_start3A_93 = arith.constant 0 : i32
      %dma_start3A_94 = tpu.memref_slice %arg12[%dma_start3A_92, %dma_start3A_93] : memref<128x128xf32, #tpu.memory_space<vmem>> -> memref<128x128xf32, #tpu.memory_space<vmem>>
      tpu.enqueue_dma source(%arg5 : memref<128x128xf32, #tpu.memory_space<hbm>>) target(%dma_start3A_94 : memref<128x128xf32, #tpu.memory_space<vmem>>) target_semaphore(%run_scoped3A : memref<!tpu.dma_semaphore, #tpu.memory_space<semaphore_mem>>)
      %dma_wait3A = arith.constant 0 : i32
      %dma_wait3A_95 = arith.constant 0 : i32
      %dma_wait3A_96 = tpu.memref_slice %arg12[%dma_wait3A, %dma_wait3A_95] : memref<128x128xf32, #tpu.memory_space<vmem>> -> memref<128x128xf32, #tpu.memory_space<vmem>>
      %dma_wait3A_97 = arith.constant 0 : i32
      %dma_wait3A_98 = arith.constant 0 : i32
      %dma_wait3A_99 = tpu.memref_slice %arg12[%dma_wait3A_97, %dma_wait3A_98] : memref<128x128xf32, #tpu.memory_space<vmem>> -> memref<128x128xf32, #tpu.memory_space<vmem>>
      tpu.wait_dma2 semaphore(%run_scoped3A : memref<!tpu.dma_semaphore, #tpu.memory_space<semaphore_mem>>) src(%arg5 : memref<128x128xf32, #tpu.memory_space<hbm>>) dst(%dma_wait3A_99 : memref<128x128xf32, #tpu.memory_space<vmem>>)
      tpu.yield
    }) : () -> ()
    "tpu.region"() ({
      %run_scoped3A = tpu.sem_alloc : memref<!tpu.dma_semaphore, #tpu.memory_space<semaphore_mem>>
      tpu.enqueue_dma source(%arg6 : memref<128x8xf32, #tpu.memory_space<hbm>>) target(%arg16 : memref<128x8xf32, #tpu.memory_space<vmem>>) target_semaphore(%run_scoped3A : memref<!tpu.dma_semaphore, #tpu.memory_space<semaphore_mem>>)
      tpu.wait_dma2 semaphore(%run_scoped3A : memref<!tpu.dma_semaphore, #tpu.memory_space<semaphore_mem>>) src(%arg6 : memref<128x8xf32, #tpu.memory_space<hbm>>) dst(%arg16 : memref<128x8xf32, #tpu.memory_space<vmem>>)
      tpu.yield
    }) : () -> ()
    "tpu.region"() ({
      %run_scoped3A = tpu.sem_alloc : memref<!tpu.dma_semaphore, #tpu.memory_space<semaphore_mem>>
      tpu.enqueue_dma source(%arg7 : memref<128x8xf32, #tpu.memory_space<hbm>>) target(%arg15 : memref<128x8xf32, #tpu.memory_space<vmem>>) target_semaphore(%run_scoped3A : memref<!tpu.dma_semaphore, #tpu.memory_space<semaphore_mem>>)
      tpu.wait_dma2 semaphore(%run_scoped3A : memref<!tpu.dma_semaphore, #tpu.memory_space<semaphore_mem>>) src(%arg7 : memref<128x8xf32, #tpu.memory_space<hbm>>) dst(%arg15 : memref<128x8xf32, #tpu.memory_space<vmem>>)
      tpu.yield
    }) : () -> ()
    %sub3A = arith.constant 78 : i32
    %sub3A_1 = arith.subi %sub3A, %arg1 : i32
    %add3A_2 = arith.constant 16 : i32
    %add3A_3 = arith.addi %sub3A_1, %add3A_2 : i32
    %sub3A_4 = arith.constant 1 : i32
    %sub3A_5 = arith.subi %add3A_3, %sub3A_4 : i32
    %jit3A = arith.constant 16 : i32
    %div3A = arith.divsi %sub3A_5, %jit3A : i32
    %sign3A = arith.constant 0 : i32
    %sign3A_6 = arith.cmpi sgt, %sub3A_5, %sign3A : i32
    %sign3A_7 = arith.extui %sign3A_6 : i1 to i32
    %sign3A_8 = arith.constant 0 : i32
    %sign3A_9 = arith.cmpi slt, %sub3A_5, %sign3A_8 : i32
    %sign3A_10 = arith.extui %sign3A_9 : i1 to i32
    %sign3A_11 = arith.subi %sign3A_7, %sign3A_10 : i32
    %sign3A_12 = arith.constant 0 : i32
    %sign3A_13 = arith.cmpi sgt, %jit3A, %sign3A_12 : i32
    %sign3A_14 = arith.extui %sign3A_13 : i1 to i32
    %sign3A_15 = arith.constant 0 : i32
    %sign3A_16 = arith.cmpi slt, %jit3A, %sign3A_15 : i32
    %sign3A_17 = arith.extui %sign3A_16 : i1 to i32
    %sign3A_18 = arith.subi %sign3A_14, %sign3A_17 : i32
    %ne3A = arith.cmpi ne, %sign3A_11, %sign3A_18 : i32
    %rem3A = arith.remsi %sub3A_5, %jit3A : i32
    %ne3A_19 = arith.constant 0 : i32
    %ne3A_20 = arith.cmpi ne, %rem3A, %ne3A_19 : i32
    %and3A = arith.andi %ne3A, %ne3A_20 : i1
    %sub3A_21 = arith.constant 1 : i32
    %sub3A_22 = arith.subi %div3A, %sub3A_21 : i32
    %select_n3A = arith.select %and3A, %sub3A_22, %div3A : i32
    %while3A = arith.constant 0 : i32
    %while3A_23 = arith.constant 0 : i32
    %while3A_24 = arith.subi %select_n3A, %while3A_23 : i32
    %while3A_25 = arith.addi %while3A_23, %while3A_24 : i32
    %while3A_26 = arith.constant 1 : i32
    %while3A_27 = arith.divsi %while3A_24, %while3A_26 : i32
    %while3A_28 = arith.muli %while3A_27, %while3A_26 : i32
    %while3A_29 = arith.addi %while3A_23, %while3A_28 : i32
    %while3A_30 = arith.constant 1 : i32
    scf.for %while3A_90 = %while3A_23 to %while3A_29 step %while3A_30  : i32 {
      %mul3A_91 = arith.constant 16 : i32
      %mul3A_92 = arith.muli %while3A_90, %mul3A_91 : i32
      %add3A_93 = arith.addi %arg1, %mul3A_92 : i32
      %mul3A_94 = arith.constant 128 : i32
      %mul3A_95 = arith.muli %add3A_93, %mul3A_94 : i32
      "tpu.region"() ({
        %run_scoped3A = tpu.sem_alloc : memref<!tpu.dma_semaphore, #tpu.memory_space<semaphore_mem>>
        %dma_start3A = arith.constant 0 : i32
        %dma_start3A_96 = arith.constant 0 : i32
        %dma_start3A_97 = tpu.memref_slice %arg12[%dma_start3A, %dma_start3A_96] : memref<128x128xf32, #tpu.memory_space<vmem>> -> memref<128x128xf32, #tpu.memory_space<vmem>>
        %dma_start3A_98 = arith.constant 0 : i32
        %dma_start3A_99 = tpu.memref_slice %arg13[%mul3A_95, %dma_start3A_98] : memref<10000x128xf32, #tpu.memory_space<vmem_shared>> -> memref<128x128xf32, #tpu.memory_space<vmem_shared>>
        %dma_start3A_100 = arith.constant 0 : i32
        %dma_start3A_101 = tpu.memref_slice %arg13[%mul3A_95, %dma_start3A_100] : memref<10000x128xf32, #tpu.memory_space<vmem_shared>> -> memref<128x128xf32, #tpu.memory_space<vmem_shared>>
        %dma_start3A_102 = arith.constant 0 : i32
        %dma_start3A_103 = arith.constant 0 : i32
        %dma_start3A_104 = tpu.memref_slice %arg12[%dma_start3A_102, %dma_start3A_103] : memref<128x128xf32, #tpu.memory_space<vmem>> -> memref<128x128xf32, #tpu.memory_space<vmem>>
        tpu.enqueue_dma source(%dma_start3A_104 : memref<128x128xf32, #tpu.memory_space<vmem>>) target(%dma_start3A_101 : memref<128x128xf32, #tpu.memory_space<vmem_shared>>) target_semaphore(%run_scoped3A : memref<!tpu.dma_semaphore, #tpu.memory_space<semaphore_mem>>)
        %dma_wait3A = arith.constant 0 : i32
        %dma_wait3A_105 = arith.constant 0 : i32
        %dma_wait3A_106 = tpu.memref_slice %arg12[%dma_wait3A, %dma_wait3A_105] : memref<128x128xf32, #tpu.memory_space<vmem>> -> memref<128x128xf32, #tpu.memory_space<vmem>>
        %dma_wait3A_107 = arith.constant 0 : i32
        %dma_wait3A_108 = tpu.memref_slice %arg13[%mul3A_95, %dma_wait3A_107] : memref<10000x128xf32, #tpu.memory_space<vmem_shared>> -> memref<128x128xf32, #tpu.memory_space<vmem_shared>>
        %dma_wait3A_109 = arith.constant 0 : i32
        %dma_wait3A_110 = tpu.memref_slice %arg13[%mul3A_95, %dma_wait3A_109] : memref<10000x128xf32, #tpu.memory_space<vmem_shared>> -> memref<128x128xf32, #tpu.memory_space<vmem_shared>>
        %dma_wait3A_111 = arith.constant 0 : i32
        %dma_wait3A_112 = arith.constant 0 : i32
        %dma_wait3A_113 = tpu.memref_slice %arg12[%dma_wait3A_111, %dma_wait3A_112] : memref<128x128xf32, #tpu.memory_space<vmem>> -> memref<128x128xf32, #tpu.memory_space<vmem>>
        tpu.wait_dma2 semaphore(%run_scoped3A : memref<!tpu.dma_semaphore, #tpu.memory_space<semaphore_mem>>) src(%dma_wait3A_113 : memref<128x128xf32, #tpu.memory_space<vmem>>) dst(%dma_wait3A_110 : memref<128x128xf32, #tpu.memory_space<vmem_shared>>)
        tpu.yield
      }) : () -> ()
      "tpu.region"() ({
        %run_scoped3A = tpu.sem_alloc : memref<!tpu.dma_semaphore, #tpu.memory_space<semaphore_mem>>
        %dma_start3A = arith.constant 0 : i32
        %dma_start3A_96 = tpu.memref_slice %arg17[%mul3A_95, %dma_start3A] : memref<10000x8xf32, #tpu.memory_space<vmem_shared>> -> memref<128x8xf32, #tpu.memory_space<vmem_shared>>
        %dma_start3A_97 = arith.constant 0 : i32
        %dma_start3A_98 = tpu.memref_slice %arg17[%mul3A_95, %dma_start3A_97] : memref<10000x8xf32, #tpu.memory_space<vmem_shared>> -> memref<128x8xf32, #tpu.memory_space<vmem_shared>>
        tpu.enqueue_dma source(%arg16 : memref<128x8xf32, #tpu.memory_space<vmem>>) target(%dma_start3A_98 : memref<128x8xf32, #tpu.memory_space<vmem_shared>>) target_semaphore(%run_scoped3A : memref<!tpu.dma_semaphore, #tpu.memory_space<semaphore_mem>>)
        %dma_wait3A = arith.constant 0 : i32
        %dma_wait3A_99 = tpu.memref_slice %arg17[%mul3A_95, %dma_wait3A] : memref<10000x8xf32, #tpu.memory_space<vmem_shared>> -> memref<128x8xf32, #tpu.memory_space<vmem_shared>>
        %dma_wait3A_100 = arith.constant 0 : i32
        %dma_wait3A_101 = tpu.memref_slice %arg17[%mul3A_95, %dma_wait3A_100] : memref<10000x8xf32, #tpu.memory_space<vmem_shared>> -> memref<128x8xf32, #tpu.memory_space<vmem_shared>>
        tpu.wait_dma2 semaphore(%run_scoped3A : memref<!tpu.dma_semaphore, #tpu.memory_space<semaphore_mem>>) src(%arg16 : memref<128x8xf32, #tpu.memory_space<vmem>>) dst(%dma_wait3A_101 : memref<128x8xf32, #tpu.memory_space<vmem_shared>>)
        tpu.yield
      }) : () -> ()
    }
    %while3A_31 = arith.constant 1 : i32
    scf.for %while3A_90 = %while3A_29 to %while3A_25 step %while3A_31  : i32 {
      %mul3A_91 = arith.constant 16 : i32
      %mul3A_92 = arith.muli %while3A_90, %mul3A_91 : i32
      %add3A_93 = arith.addi %arg1, %mul3A_92 : i32
      %mul3A_94 = arith.constant 128 : i32
      %mul3A_95 = arith.muli %add3A_93, %mul3A_94 : i32
      "tpu.region"() ({
        %run_scoped3A = tpu.sem_alloc : memref<!tpu.dma_semaphore, #tpu.memory_space<semaphore_mem>>
        %dma_start3A = arith.constant 0 : i32
        %dma_start3A_96 = arith.constant 0 : i32
        %dma_start3A_97 = tpu.memref_slice %arg12[%dma_start3A, %dma_start3A_96] : memref<128x128xf32, #tpu.memory_space<vmem>> -> memref<128x128xf32, #tpu.memory_space<vmem>>
        %dma_start3A_98 = arith.constant 0 : i32
        %dma_start3A_99 = tpu.memref_slice %arg13[%mul3A_95, %dma_start3A_98] : memref<10000x128xf32, #tpu.memory_space<vmem_shared>> -> memref<128x128xf32, #tpu.memory_space<vmem_shared>>
        %dma_start3A_100 = arith.constant 0 : i32
        %dma_start3A_101 = tpu.memref_slice %arg13[%mul3A_95, %dma_start3A_100] : memref<10000x128xf32, #tpu.memory_space<vmem_shared>> -> memref<128x128xf32, #tpu.memory_space<vmem_shared>>
        %dma_start3A_102 = arith.constant 0 : i32
        %dma_start3A_103 = arith.constant 0 : i32
        %dma_start3A_104 = tpu.memref_slice %arg12[%dma_start3A_102, %dma_start3A_103] : memref<128x128xf32, #tpu.memory_space<vmem>> -> memref<128x128xf32, #tpu.memory_space<vmem>>
        tpu.enqueue_dma source(%dma_start3A_104 : memref<128x128xf32, #tpu.memory_space<vmem>>) target(%dma_start3A_101 : memref<128x128xf32, #tpu.memory_space<vmem_shared>>) target_semaphore(%run_scoped3A : memref<!tpu.dma_semaphore, #tpu.memory_space<semaphore_mem>>)
        %dma_wait3A = arith.constant 0 : i32
        %dma_wait3A_105 = arith.constant 0 : i32
        %dma_wait3A_106 = tpu.memref_slice %arg12[%dma_wait3A, %dma_wait3A_105] : memref<128x128xf32, #tpu.memory_space<vmem>> -> memref<128x128xf32, #tpu.memory_space<vmem>>
        %dma_wait3A_107 = arith.constant 0 : i32
        %dma_wait3A_108 = tpu.memref_slice %arg13[%mul3A_95, %dma_wait3A_107] : memref<10000x128xf32, #tpu.memory_space<vmem_shared>> -> memref<128x128xf32, #tpu.memory_space<vmem_shared>>
        %dma_wait3A_109 = arith.constant 0 : i32
        %dma_wait3A_110 = tpu.memref_slice %arg13[%mul3A_95, %dma_wait3A_109] : memref<10000x128xf32, #tpu.memory_space<vmem_shared>> -> memref<128x128xf32, #tpu.memory_space<vmem_shared>>
        %dma_wait3A_111 = arith.constant 0 : i32
        %dma_wait3A_112 = arith.constant 0 : i32
        %dma_wait3A_113 = tpu.memref_slice %arg12[%dma_wait3A_111, %dma_wait3A_112] : memref<128x128xf32, #tpu.memory_space<vmem>> -> memref<128x128xf32, #tpu.memory_space<vmem>>
        tpu.wait_dma2 semaphore(%run_scoped3A : memref<!tpu.dma_semaphore, #tpu.memory_space<semaphore_mem>>) src(%dma_wait3A_113 : memref<128x128xf32, #tpu.memory_space<vmem>>) dst(%dma_wait3A_110 : memref<128x128xf32, #tpu.memory_space<vmem_shared>>)
        tpu.yield
      }) : () -> ()
      "tpu.region"() ({
        %run_scoped3A = tpu.sem_alloc : memref<!tpu.dma_semaphore, #tpu.memory_space<semaphore_mem>>
        %dma_start3A = arith.constant 0 : i32
        %dma_start3A_96 = tpu.memref_slice %arg17[%mul3A_95, %dma_start3A] : memref<10000x8xf32, #tpu.memory_space<vmem_shared>> -> memref<128x8xf32, #tpu.memory_space<vmem_shared>>
        %dma_start3A_97 = arith.constant 0 : i32
        %dma_start3A_98 = tpu.memref_slice %arg17[%mul3A_95, %dma_start3A_97] : memref<10000x8xf32, #tpu.memory_space<vmem_shared>> -> memref<128x8xf32, #tpu.memory_space<vmem_shared>>
        tpu.enqueue_dma source(%arg16 : memref<128x8xf32, #tpu.memory_space<vmem>>) target(%dma_start3A_98 : memref<128x8xf32, #tpu.memory_space<vmem_shared>>) target_semaphore(%run_scoped3A : memref<!tpu.dma_semaphore, #tpu.memory_space<semaphore_mem>>)
        %dma_wait3A = arith.constant 0 : i32
        %dma_wait3A_99 = tpu.memref_slice %arg17[%mul3A_95, %dma_wait3A] : memref<10000x8xf32, #tpu.memory_space<vmem_shared>> -> memref<128x8xf32, #tpu.memory_space<vmem_shared>>
        %dma_wait3A_100 = arith.constant 0 : i32
        %dma_wait3A_101 = tpu.memref_slice %arg17[%mul3A_95, %dma_wait3A_100] : memref<10000x8xf32, #tpu.memory_space<vmem_shared>> -> memref<128x8xf32, #tpu.memory_space<vmem_shared>>
        tpu.wait_dma2 semaphore(%run_scoped3A : memref<!tpu.dma_semaphore, #tpu.memory_space<semaphore_mem>>) src(%arg16 : memref<128x8xf32, #tpu.memory_space<vmem>>) dst(%dma_wait3A_101 : memref<128x8xf32, #tpu.memory_space<vmem_shared>>)
        tpu.yield
      }) : () -> ()
    }
    %eq3A = arith.constant 0 : i32
    %eq3A_32 = arith.cmpi eq, %arg1, %eq3A : i32
    %convert_element_type3A = arith.extui %eq3A_32 : i1 to i32
    %cond3A = arith.constant 0 : i32
    %cond3A_33 = arith.cmpi ne, %convert_element_type3A, %cond3A : i32
    scf.if %cond3A_33 {
      "tpu.region"() ({
        %run_scoped3A = tpu.sem_alloc : memref<!tpu.dma_semaphore, #tpu.memory_space<semaphore_mem>>
        %dma_start3A = arith.constant 0 : i32
        %dma_start3A_90 = arith.constant 0 : i32
        %dma_start3A_91 = tpu.memref_slice %arg12[%dma_start3A, %dma_start3A_90] : memref<128x128xf32, #tpu.memory_space<vmem>> -> memref<16x128xf32, #tpu.memory_space<vmem>>
        %dma_start3A_92 = arith.constant 9984 : i32
        %dma_start3A_93 = arith.constant 0 : i32
        %dma_start3A_94 = tpu.memref_slice %arg13[%dma_start3A_92, %dma_start3A_93] : memref<10000x128xf32, #tpu.memory_space<vmem_shared>> -> memref<16x128xf32, #tpu.memory_space<vmem_shared>>
        %dma_start3A_95 = arith.constant 9984 : i32
        %dma_start3A_96 = arith.constant 0 : i32
        %dma_start3A_97 = tpu.memref_slice %arg13[%dma_start3A_95, %dma_start3A_96] : memref<10000x128xf32, #tpu.memory_space<vmem_shared>> -> memref<16x128xf32, #tpu.memory_space<vmem_shared>>
        %dma_start3A_98 = arith.constant 0 : i32
        %dma_start3A_99 = arith.constant 0 : i32
        %dma_start3A_100 = tpu.memref_slice %arg12[%dma_start3A_98, %dma_start3A_99] : memref<128x128xf32, #tpu.memory_space<vmem>> -> memref<16x128xf32, #tpu.memory_space<vmem>>
        tpu.enqueue_dma source(%dma_start3A_100 : memref<16x128xf32, #tpu.memory_space<vmem>>) target(%dma_start3A_97 : memref<16x128xf32, #tpu.memory_space<vmem_shared>>) target_semaphore(%run_scoped3A : memref<!tpu.dma_semaphore, #tpu.memory_space<semaphore_mem>>)
        %dma_wait3A = arith.constant 0 : i32
        %dma_wait3A_101 = arith.constant 0 : i32
        %dma_wait3A_102 = tpu.memref_slice %arg12[%dma_wait3A, %dma_wait3A_101] : memref<128x128xf32, #tpu.memory_space<vmem>> -> memref<16x128xf32, #tpu.memory_space<vmem>>
        %dma_wait3A_103 = arith.constant 9984 : i32
        %dma_wait3A_104 = arith.constant 0 : i32
        %dma_wait3A_105 = tpu.memref_slice %arg13[%dma_wait3A_103, %dma_wait3A_104] : memref<10000x128xf32, #tpu.memory_space<vmem_shared>> -> memref<16x128xf32, #tpu.memory_space<vmem_shared>>
        %dma_wait3A_106 = arith.constant 9984 : i32
        %dma_wait3A_107 = arith.constant 0 : i32
        %dma_wait3A_108 = tpu.memref_slice %arg13[%dma_wait3A_106, %dma_wait3A_107] : memref<10000x128xf32, #tpu.memory_space<vmem_shared>> -> memref<16x128xf32, #tpu.memory_space<vmem_shared>>
        %dma_wait3A_109 = arith.constant 0 : i32
        %dma_wait3A_110 = arith.constant 0 : i32
        %dma_wait3A_111 = tpu.memref_slice %arg12[%dma_wait3A_109, %dma_wait3A_110] : memref<128x128xf32, #tpu.memory_space<vmem>> -> memref<16x128xf32, #tpu.memory_space<vmem>>
        tpu.wait_dma2 semaphore(%run_scoped3A : memref<!tpu.dma_semaphore, #tpu.memory_space<semaphore_mem>>) src(%dma_wait3A_111 : memref<16x128xf32, #tpu.memory_space<vmem>>) dst(%dma_wait3A_108 : memref<16x128xf32, #tpu.memory_space<vmem_shared>>)
        tpu.yield
      }) : () -> ()
      "tpu.region"() ({
        %run_scoped3A = tpu.sem_alloc : memref<!tpu.dma_semaphore, #tpu.memory_space<semaphore_mem>>
        %dma_start3A = arith.constant 0 : i32
        %dma_start3A_90 = arith.constant 0 : i32
        %dma_start3A_91 = tpu.memref_slice %arg16[%dma_start3A, %dma_start3A_90] : memref<128x8xf32, #tpu.memory_space<vmem>> -> memref<16x8xf32, #tpu.memory_space<vmem>>
        %dma_start3A_92 = arith.constant 9984 : i32
        %dma_start3A_93 = arith.constant 0 : i32
        %dma_start3A_94 = tpu.memref_slice %arg17[%dma_start3A_92, %dma_start3A_93] : memref<10000x8xf32, #tpu.memory_space<vmem_shared>> -> memref<16x8xf32, #tpu.memory_space<vmem_shared>>
        %dma_start3A_95 = arith.constant 9984 : i32
        %dma_start3A_96 = arith.constant 0 : i32
        %dma_start3A_97 = tpu.memref_slice %arg17[%dma_start3A_95, %dma_start3A_96] : memref<10000x8xf32, #tpu.memory_space<vmem_shared>> -> memref<16x8xf32, #tpu.memory_space<vmem_shared>>
        %dma_start3A_98 = arith.constant 0 : i32
        %dma_start3A_99 = arith.constant 0 : i32
        %dma_start3A_100 = tpu.memref_slice %arg16[%dma_start3A_98, %dma_start3A_99] : memref<128x8xf32, #tpu.memory_space<vmem>> -> memref<16x8xf32, #tpu.memory_space<vmem>>
        tpu.enqueue_dma source(%dma_start3A_100 : memref<16x8xf32, #tpu.memory_space<vmem>>) target(%dma_start3A_97 : memref<16x8xf32, #tpu.memory_space<vmem_shared>>) target_semaphore(%run_scoped3A : memref<!tpu.dma_semaphore, #tpu.memory_space<semaphore_mem>>)
        %dma_wait3A = arith.constant 0 : i32
        %dma_wait3A_101 = arith.constant 0 : i32
        %dma_wait3A_102 = tpu.memref_slice %arg16[%dma_wait3A, %dma_wait3A_101] : memref<128x8xf32, #tpu.memory_space<vmem>> -> memref<16x8xf32, #tpu.memory_space<vmem>>
        %dma_wait3A_103 = arith.constant 9984 : i32
        %dma_wait3A_104 = arith.constant 0 : i32
        %dma_wait3A_105 = tpu.memref_slice %arg17[%dma_wait3A_103, %dma_wait3A_104] : memref<10000x8xf32, #tpu.memory_space<vmem_shared>> -> memref<16x8xf32, #tpu.memory_space<vmem_shared>>
        %dma_wait3A_106 = arith.constant 9984 : i32
        %dma_wait3A_107 = arith.constant 0 : i32
        %dma_wait3A_108 = tpu.memref_slice %arg17[%dma_wait3A_106, %dma_wait3A_107] : memref<10000x8xf32, #tpu.memory_space<vmem_shared>> -> memref<16x8xf32, #tpu.memory_space<vmem_shared>>
        %dma_wait3A_109 = arith.constant 0 : i32
        %dma_wait3A_110 = arith.constant 0 : i32
        %dma_wait3A_111 = tpu.memref_slice %arg16[%dma_wait3A_109, %dma_wait3A_110] : memref<128x8xf32, #tpu.memory_space<vmem>> -> memref<16x8xf32, #tpu.memory_space<vmem>>
        tpu.wait_dma2 semaphore(%run_scoped3A : memref<!tpu.dma_semaphore, #tpu.memory_space<semaphore_mem>>) src(%dma_wait3A_111 : memref<16x8xf32, #tpu.memory_space<vmem>>) dst(%dma_wait3A_108 : memref<16x8xf32, #tpu.memory_space<vmem_shared>>)
        tpu.yield
      }) : () -> ()
    } else {
    }
    %barrier3A = arith.constant 0 : index
    tpu.barrier barrier_id(%barrier3A)
    %sub3A_34 = arith.constant 2500 : i32
    %sub3A_35 = arith.subi %sub3A_34, %add3A : i32
    %add3A_36 = arith.constant 32 : i32
    %add3A_37 = arith.addi %sub3A_35, %add3A_36 : i32
    %sub3A_38 = arith.constant 1 : i32
    %sub3A_39 = arith.subi %add3A_37, %sub3A_38 : i32
    %jit3A_40 = arith.constant 32 : i32
    %div3A_41 = arith.divsi %sub3A_39, %jit3A_40 : i32
    %sign3A_42 = arith.constant 0 : i32
    %sign3A_43 = arith.cmpi sgt, %sub3A_39, %sign3A_42 : i32
    %sign3A_44 = arith.extui %sign3A_43 : i1 to i32
    %sign3A_45 = arith.constant 0 : i32
    %sign3A_46 = arith.cmpi slt, %sub3A_39, %sign3A_45 : i32
    %sign3A_47 = arith.extui %sign3A_46 : i1 to i32
    %sign3A_48 = arith.subi %sign3A_44, %sign3A_47 : i32
    %sign3A_49 = arith.constant 0 : i32
    %sign3A_50 = arith.cmpi sgt, %jit3A_40, %sign3A_49 : i32
    %sign3A_51 = arith.extui %sign3A_50 : i1 to i32
    %sign3A_52 = arith.constant 0 : i32
    %sign3A_53 = arith.cmpi slt, %jit3A_40, %sign3A_52 : i32
    %sign3A_54 = arith.extui %sign3A_53 : i1 to i32
    %sign3A_55 = arith.subi %sign3A_51, %sign3A_54 : i32
    %ne3A_56 = arith.cmpi ne, %sign3A_48, %sign3A_55 : i32
    %rem3A_57 = arith.remsi %sub3A_39, %jit3A_40 : i32
    %ne3A_58 = arith.constant 0 : i32
    %ne3A_59 = arith.cmpi ne, %rem3A_57, %ne3A_58 : i32
    %and3A_60 = arith.andi %ne3A_56, %ne3A_59 : i1
    %sub3A_61 = arith.constant 1 : i32
    %sub3A_62 = arith.subi %div3A_41, %sub3A_61 : i32
    %select_n3A_63 = arith.select %and3A_60, %sub3A_62, %div3A_41 : i32
    %while3A_64 = arith.constant 0 : i32
    %while3A_65 = arith.constant 0 : i32
    %while3A_66 = arith.subi %select_n3A_63, %while3A_65 : i32
    %while3A_67 = arith.addi %while3A_65, %while3A_66 : i32
    %while3A_68 = arith.constant 1 : i32
    %while3A_69 = arith.divsi %while3A_66, %while3A_68 : i32
    %while3A_70 = arith.muli %while3A_69, %while3A_68 : i32
    %while3A_71 = arith.addi %while3A_65, %while3A_70 : i32
    %while3A_72 = arith.constant 1 : i32
    scf.for %while3A_90 = %while3A_65 to %while3A_71 step %while3A_72  : i32 {
      %mul3A_91 = arith.constant 32 : i32
      %mul3A_92 = arith.muli %while3A_90, %mul3A_91 : i32
      %add3A_93 = arith.addi %add3A, %mul3A_92 : i32
      "tpu.region"() ({
        %run_scoped3A_113 = tpu.sem_alloc : memref<!tpu.dma_semaphore, #tpu.memory_space<semaphore_mem>>
        %dma_start3A_114 = arith.constant 0 : i32
        %dma_start3A_115 = arith.constant 0 : i32
        %dma_start3A_116 = tpu.memref_slice %arg3[%add3A_93, %dma_start3A_114, %dma_start3A_115] : memref<2500x1x128xi32, #tpu.memory_space<hbm>> -> memref<1x1x128xi32, #tpu.memory_space<hbm>>
        %dma_start3A_117 = tpu.memref_squeeze %dma_start3A_116 : memref<1x1x128xi32, #tpu.memory_space<hbm>> -> memref<1x128xi32, #tpu.memory_space<hbm>>
        %dma_start3A_118 = arith.constant 0 : i32
        %dma_start3A_119 = arith.constant 0 : i32
        %dma_start3A_120 = tpu.memref_slice %arg3[%add3A_93, %dma_start3A_118, %dma_start3A_119] : memref<2500x1x128xi32, #tpu.memory_space<hbm>> -> memref<1x1x128xi32, #tpu.memory_space<hbm>>
        %dma_start3A_121 = tpu.memref_squeeze %dma_start3A_120 : memref<1x1x128xi32, #tpu.memory_space<hbm>> -> memref<1x128xi32, #tpu.memory_space<hbm>>
        tpu.enqueue_dma source(%dma_start3A_121 : memref<1x128xi32, #tpu.memory_space<hbm>>) target(%arg10 : memref<1x128xi32, #tpu.memory_space<vmem>>) target_semaphore(%run_scoped3A_113 : memref<!tpu.dma_semaphore, #tpu.memory_space<semaphore_mem>>)
        %dma_wait3A_122 = arith.constant 0 : i32
        %dma_wait3A_123 = arith.constant 0 : i32
        %dma_wait3A_124 = tpu.memref_slice %arg3[%add3A_93, %dma_wait3A_122, %dma_wait3A_123] : memref<2500x1x128xi32, #tpu.memory_space<hbm>> -> memref<1x1x128xi32, #tpu.memory_space<hbm>>
        %dma_wait3A_125 = tpu.memref_squeeze %dma_wait3A_124 : memref<1x1x128xi32, #tpu.memory_space<hbm>> -> memref<1x128xi32, #tpu.memory_space<hbm>>
        %dma_wait3A_126 = arith.constant 0 : i32
        %dma_wait3A_127 = arith.constant 0 : i32
        %dma_wait3A_128 = tpu.memref_slice %arg3[%add3A_93, %dma_wait3A_126, %dma_wait3A_127] : memref<2500x1x128xi32, #tpu.memory_space<hbm>> -> memref<1x1x128xi32, #tpu.memory_space<hbm>>
        %dma_wait3A_129 = tpu.memref_squeeze %dma_wait3A_128 : memref<1x1x128xi32, #tpu.memory_space<hbm>> -> memref<1x128xi32, #tpu.memory_space<hbm>>
        tpu.wait_dma2 semaphore(%run_scoped3A_113 : memref<!tpu.dma_semaphore, #tpu.memory_space<semaphore_mem>>) src(%dma_wait3A_129 : memref<1x128xi32, #tpu.memory_space<hbm>>) dst(%arg10 : memref<1x128xi32, #tpu.memory_space<vmem>>)
        tpu.yield
      }) : () -> ()
      "tpu.region"() ({
        %run_scoped3A_113 = tpu.sem_alloc : memref<!tpu.dma_semaphore, #tpu.memory_space<semaphore_mem>>
        %dma_start3A_114 = arith.constant 0 : i32
        %dma_start3A_115 = arith.constant 0 : i32
        %dma_start3A_116 = tpu.memref_slice %arg4[%add3A_93, %dma_start3A_114, %dma_start3A_115] : memref<2500x1x128xi32, #tpu.memory_space<hbm>> -> memref<1x1x128xi32, #tpu.memory_space<hbm>>
        %dma_start3A_117 = tpu.memref_squeeze %dma_start3A_116 : memref<1x1x128xi32, #tpu.memory_space<hbm>> -> memref<1x128xi32, #tpu.memory_space<hbm>>
        %dma_start3A_118 = arith.constant 0 : i32
        %dma_start3A_119 = arith.constant 0 : i32
        %dma_start3A_120 = tpu.memref_slice %arg4[%add3A_93, %dma_start3A_118, %dma_start3A_119] : memref<2500x1x128xi32, #tpu.memory_space<hbm>> -> memref<1x1x128xi32, #tpu.memory_space<hbm>>
        %dma_start3A_121 = tpu.memref_squeeze %dma_start3A_120 : memref<1x1x128xi32, #tpu.memory_space<hbm>> -> memref<1x128xi32, #tpu.memory_space<hbm>>
        tpu.enqueue_dma source(%dma_start3A_121 : memref<1x128xi32, #tpu.memory_space<hbm>>) target(%arg11 : memref<1x128xi32, #tpu.memory_space<vmem>>) target_semaphore(%run_scoped3A_113 : memref<!tpu.dma_semaphore, #tpu.memory_space<semaphore_mem>>)
        %dma_wait3A_122 = arith.constant 0 : i32
        %dma_wait3A_123 = arith.constant 0 : i32
        %dma_wait3A_124 = tpu.memref_slice %arg4[%add3A_93, %dma_wait3A_122, %dma_wait3A_123] : memref<2500x1x128xi32, #tpu.memory_space<hbm>> -> memref<1x1x128xi32, #tpu.memory_space<hbm>>
        %dma_wait3A_125 = tpu.memref_squeeze %dma_wait3A_124 : memref<1x1x128xi32, #tpu.memory_space<hbm>> -> memref<1x128xi32, #tpu.memory_space<hbm>>
        %dma_wait3A_126 = arith.constant 0 : i32
        %dma_wait3A_127 = arith.constant 0 : i32
        %dma_wait3A_128 = tpu.memref_slice %arg4[%add3A_93, %dma_wait3A_126, %dma_wait3A_127] : memref<2500x1x128xi32, #tpu.memory_space<hbm>> -> memref<1x1x128xi32, #tpu.memory_space<hbm>>
        %dma_wait3A_129 = tpu.memref_squeeze %dma_wait3A_128 : memref<1x1x128xi32, #tpu.memory_space<hbm>> -> memref<1x128xi32, #tpu.memory_space<hbm>>
        tpu.wait_dma2 semaphore(%run_scoped3A_113 : memref<!tpu.dma_semaphore, #tpu.memory_space<semaphore_mem>>) src(%dma_wait3A_129 : memref<1x128xi32, #tpu.memory_space<hbm>>) dst(%arg11 : memref<1x128xi32, #tpu.memory_space<vmem>>)
        tpu.yield
      }) : () -> ()
      %dma_start3A = arith.constant 0 : i32
      %dma_start3A_94 = arith.constant 0 : i32
      %dma_start3A_95 = arith.constant 0 : i32
      %dma_start3A_96 = tpu.memref_slice %arg12[%dma_start3A_94, %dma_start3A_95] : memref<128x128xf32, #tpu.memory_space<vmem>> -> memref<128x128xf32, #tpu.memory_space<vmem>>
      %dma_start3A_97 = arith.constant 0 : i32
      %dma_start3A_98 = tpu.memref_slice %arg10[%dma_start3A, %dma_start3A_97] : memref<1x128xi32, #tpu.memory_space<vmem>> -> memref<1x128xi32, #tpu.memory_space<vmem>>
      %dma_start3A_99 = tpu.memref_squeeze %dma_start3A_98 : memref<1x128xi32, #tpu.memory_space<vmem>> -> memref<128xi32, #tpu.memory_space<vmem>>
      %dma_start3A_100 = arith.constant 0 : i32
      %dma_start3A_101 = arith.constant 0 : i32
      %dma_start3A_102 = tpu.memref_slice %arg2[%dma_start3A_100, %dma_start3A_101] : memref<10000x128xf32, #tpu.memory_space<hbm>> -> memref<10000x128xf32, #tpu.memory_space<hbm>>
      tpu.enqueue_indirect_dma source(%dma_start3A_102 : memref<10000x128xf32, #tpu.memory_space<hbm>>) target(%dma_start3A_96 : memref<128x128xf32, #tpu.memory_space<vmem>>) offsets(%dma_start3A_99 : memref<128xi32, #tpu.memory_space<vmem>>) semaphore(%arg14 : memref<!tpu.dma_semaphore, #tpu.memory_space<semaphore_mem>>)
      %dma_wait3A = arith.constant 0 : i32
      %dma_wait3A_103 = arith.constant 0 : i32
      %dma_wait3A_104 = arith.constant 0 : i32
      %dma_wait3A_105 = tpu.memref_slice %arg12[%dma_wait3A_103, %dma_wait3A_104] : memref<128x128xf32, #tpu.memory_space<vmem>> -> memref<128x128xf32, #tpu.memory_space<vmem>>
      %dma_wait3A_106 = arith.constant 0 : i32
      %dma_wait3A_107 = tpu.memref_slice %arg10[%dma_wait3A, %dma_wait3A_106] : memref<1x128xi32, #tpu.memory_space<vmem>> -> memref<1x128xi32, #tpu.memory_space<vmem>>
      %dma_wait3A_108 = tpu.memref_squeeze %dma_wait3A_107 : memref<1x128xi32, #tpu.memory_space<vmem>> -> memref<128xi32, #tpu.memory_space<vmem>>
      %dma_wait3A_109 = arith.constant 0 : i32
      %dma_wait3A_110 = arith.constant 0 : i32
      %dma_wait3A_111 = tpu.memref_slice %arg2[%dma_wait3A_109, %dma_wait3A_110] : memref<10000x128xf32, #tpu.memory_space<hbm>> -> memref<10000x128xf32, #tpu.memory_space<hbm>>
      tpu.wait_indirect_dma semaphore(%arg14 : memref<!tpu.dma_semaphore, #tpu.memory_space<semaphore_mem>>) src(%dma_wait3A_111 : memref<10000x128xf32, #tpu.memory_space<hbm>>) dst(%dma_wait3A_105 : memref<128x128xf32, #tpu.memory_space<vmem>>)
      %run_scoped3A = arith.constant 0 : i32
      "tpu.region"() ({
        %run_scoped3A_113 = tpu.sem_alloc : memref<!tpu.dma_semaphore, #tpu.memory_space<semaphore_mem>>
        %dma_start3A_114 = arith.constant 0 : i32
        %dma_start3A_115 = arith.constant 0 : i32
        %dma_start3A_116 = tpu.memref_slice %arg12[%dma_start3A_114, %dma_start3A_115] : memref<128x128xf32, #tpu.memory_space<vmem>> -> memref<128x128xf32, #tpu.memory_space<vmem>>
        %dma_start3A_117 = arith.constant 0 : i32
        %dma_start3A_118 = tpu.memref_slice %arg11[%run_scoped3A, %dma_start3A_117] : memref<1x128xi32, #tpu.memory_space<vmem>> -> memref<1x128xi32, #tpu.memory_space<vmem>>
        %dma_start3A_119 = tpu.memref_squeeze %dma_start3A_118 : memref<1x128xi32, #tpu.memory_space<vmem>> -> memref<128xi32, #tpu.memory_space<vmem>>
        %dma_start3A_120 = arith.constant 0 : i32
        %dma_start3A_121 = arith.constant 0 : i32
        %dma_start3A_122 = tpu.memref_slice %arg13[%dma_start3A_120, %dma_start3A_121] : memref<10000x128xf32, #tpu.memory_space<vmem_shared>> -> memref<10000x128xf32, #tpu.memory_space<vmem_shared>>
        tpu.enqueue_indirect_dma source(%dma_start3A_116 : memref<128x128xf32, #tpu.memory_space<vmem>>) target(%dma_start3A_122 : memref<10000x128xf32, #tpu.memory_space<vmem_shared>>) offsets(%dma_start3A_119 : memref<128xi32, #tpu.memory_space<vmem>>) semaphore(%run_scoped3A_113 : memref<!tpu.dma_semaphore, #tpu.memory_space<semaphore_mem>>) {add = true}
        %dma_wait3A_123 = arith.constant 0 : i32
        %dma_wait3A_124 = arith.constant 0 : i32
        %dma_wait3A_125 = tpu.memref_slice %arg12[%dma_wait3A_123, %dma_wait3A_124] : memref<128x128xf32, #tpu.memory_space<vmem>> -> memref<128x128xf32, #tpu.memory_space<vmem>>
        %dma_wait3A_126 = arith.constant 0 : i32
        %dma_wait3A_127 = tpu.memref_slice %arg11[%run_scoped3A, %dma_wait3A_126] : memref<1x128xi32, #tpu.memory_space<vmem>> -> memref<1x128xi32, #tpu.memory_space<vmem>>
        %dma_wait3A_128 = tpu.memref_squeeze %dma_wait3A_127 : memref<1x128xi32, #tpu.memory_space<vmem>> -> memref<128xi32, #tpu.memory_space<vmem>>
        %dma_wait3A_129 = arith.constant 0 : i32
        %dma_wait3A_130 = arith.constant 0 : i32
        %dma_wait3A_131 = tpu.memref_slice %arg13[%dma_wait3A_129, %dma_wait3A_130] : memref<10000x128xf32, #tpu.memory_space<vmem_shared>> -> memref<10000x128xf32, #tpu.memory_space<vmem_shared>>
        tpu.wait_indirect_dma semaphore(%run_scoped3A_113 : memref<!tpu.dma_semaphore, #tpu.memory_space<semaphore_mem>>) src(%dma_wait3A_125 : memref<128x128xf32, #tpu.memory_space<vmem>>) dst(%dma_wait3A_131 : memref<10000x128xf32, #tpu.memory_space<vmem_shared>>)
        tpu.yield
      }) : () -> ()
      %run_scoped3A_112 = arith.constant 0 : i32
      "tpu.region"() ({
        %run_scoped3A_113 = tpu.sem_alloc : memref<!tpu.dma_semaphore, #tpu.memory_space<semaphore_mem>>
        %dma_start3A_114 = arith.constant 0 : i32
        %dma_start3A_115 = tpu.memref_slice %arg11[%run_scoped3A_112, %dma_start3A_114] : memref<1x128xi32, #tpu.memory_space<vmem>> -> memref<1x128xi32, #tpu.memory_space<vmem>>
        %dma_start3A_116 = tpu.memref_squeeze %dma_start3A_115 : memref<1x128xi32, #tpu.memory_space<vmem>> -> memref<128xi32, #tpu.memory_space<vmem>>
        %dma_start3A_117 = arith.constant 0 : i32
        %dma_start3A_118 = arith.constant 0 : i32
        %dma_start3A_119 = tpu.memref_slice %arg17[%dma_start3A_117, %dma_start3A_118] : memref<10000x8xf32, #tpu.memory_space<vmem_shared>> -> memref<10000x8xf32, #tpu.memory_space<vmem_shared>>
        tpu.enqueue_indirect_dma source(%arg15 : memref<128x8xf32, #tpu.memory_space<vmem>>) target(%dma_start3A_119 : memref<10000x8xf32, #tpu.memory_space<vmem_shared>>) offsets(%dma_start3A_116 : memref<128xi32, #tpu.memory_space<vmem>>) semaphore(%run_scoped3A_113 : memref<!tpu.dma_semaphore, #tpu.memory_space<semaphore_mem>>) {add = true}
        %dma_wait3A_120 = arith.constant 0 : i32
        %dma_wait3A_121 = tpu.memref_slice %arg11[%run_scoped3A_112, %dma_wait3A_120] : memref<1x128xi32, #tpu.memory_space<vmem>> -> memref<1x128xi32, #tpu.memory_space<vmem>>
        %dma_wait3A_122 = tpu.memref_squeeze %dma_wait3A_121 : memref<1x128xi32, #tpu.memory_space<vmem>> -> memref<128xi32, #tpu.memory_space<vmem>>
        %dma_wait3A_123 = arith.constant 0 : i32
        %dma_wait3A_124 = arith.constant 0 : i32
        %dma_wait3A_125 = tpu.memref_slice %arg17[%dma_wait3A_123, %dma_wait3A_124] : memref<10000x8xf32, #tpu.memory_space<vmem_shared>> -> memref<10000x8xf32, #tpu.memory_space<vmem_shared>>
        tpu.wait_indirect_dma semaphore(%run_scoped3A_113 : memref<!tpu.dma_semaphore, #tpu.memory_space<semaphore_mem>>) src(%arg15 : memref<128x8xf32, #tpu.memory_space<vmem>>) dst(%dma_wait3A_125 : memref<10000x8xf32, #tpu.memory_space<vmem_shared>>)
        tpu.yield
      }) : () -> ()
    }
    %while3A_73 = arith.constant 1 : i32
    scf.for %while3A_90 = %while3A_71 to %while3A_67 step %while3A_73  : i32 {
      %mul3A_91 = arith.constant 32 : i32
      %mul3A_92 = arith.muli %while3A_90, %mul3A_91 : i32
      %add3A_93 = arith.addi %add3A, %mul3A_92 : i32
      "tpu.region"() ({
        %run_scoped3A_113 = tpu.sem_alloc : memref<!tpu.dma_semaphore, #tpu.memory_space<semaphore_mem>>
        %dma_start3A_114 = arith.constant 0 : i32
        %dma_start3A_115 = arith.constant 0 : i32
        %dma_start3A_116 = tpu.memref_slice %arg3[%add3A_93, %dma_start3A_114, %dma_start3A_115] : memref<2500x1x128xi32, #tpu.memory_space<hbm>> -> memref<1x1x128xi32, #tpu.memory_space<hbm>>
        %dma_start3A_117 = tpu.memref_squeeze %dma_start3A_116 : memref<1x1x128xi32, #tpu.memory_space<hbm>> -> memref<1x128xi32, #tpu.memory_space<hbm>>
        %dma_start3A_118 = arith.constant 0 : i32
        %dma_start3A_119 = arith.constant 0 : i32
        %dma_start3A_120 = tpu.memref_slice %arg3[%add3A_93, %dma_start3A_118, %dma_start3A_119] : memref<2500x1x128xi32, #tpu.memory_space<hbm>> -> memref<1x1x128xi32, #tpu.memory_space<hbm>>
        %dma_start3A_121 = tpu.memref_squeeze %dma_start3A_120 : memref<1x1x128xi32, #tpu.memory_space<hbm>> -> memref<1x128xi32, #tpu.memory_space<hbm>>
        tpu.enqueue_dma source(%dma_start3A_121 : memref<1x128xi32, #tpu.memory_space<hbm>>) target(%arg10 : memref<1x128xi32, #tpu.memory_space<vmem>>) target_semaphore(%run_scoped3A_113 : memref<!tpu.dma_semaphore, #tpu.memory_space<semaphore_mem>>)
        %dma_wait3A_122 = arith.constant 0 : i32
        %dma_wait3A_123 = arith.constant 0 : i32
        %dma_wait3A_124 = tpu.memref_slice %arg3[%add3A_93, %dma_wait3A_122, %dma_wait3A_123] : memref<2500x1x128xi32, #tpu.memory_space<hbm>> -> memref<1x1x128xi32, #tpu.memory_space<hbm>>
        %dma_wait3A_125 = tpu.memref_squeeze %dma_wait3A_124 : memref<1x1x128xi32, #tpu.memory_space<hbm>> -> memref<1x128xi32, #tpu.memory_space<hbm>>
        %dma_wait3A_126 = arith.constant 0 : i32
        %dma_wait3A_127 = arith.constant 0 : i32
        %dma_wait3A_128 = tpu.memref_slice %arg3[%add3A_93, %dma_wait3A_126, %dma_wait3A_127] : memref<2500x1x128xi32, #tpu.memory_space<hbm>> -> memref<1x1x128xi32, #tpu.memory_space<hbm>>
        %dma_wait3A_129 = tpu.memref_squeeze %dma_wait3A_128 : memref<1x1x128xi32, #tpu.memory_space<hbm>> -> memref<1x128xi32, #tpu.memory_space<hbm>>
        tpu.wait_dma2 semaphore(%run_scoped3A_113 : memref<!tpu.dma_semaphore, #tpu.memory_space<semaphore_mem>>) src(%dma_wait3A_129 : memref<1x128xi32, #tpu.memory_space<hbm>>) dst(%arg10 : memref<1x128xi32, #tpu.memory_space<vmem>>)
        tpu.yield
      }) : () -> ()
      "tpu.region"() ({
        %run_scoped3A_113 = tpu.sem_alloc : memref<!tpu.dma_semaphore, #tpu.memory_space<semaphore_mem>>
        %dma_start3A_114 = arith.constant 0 : i32
        %dma_start3A_115 = arith.constant 0 : i32
        %dma_start3A_116 = tpu.memref_slice %arg4[%add3A_93, %dma_start3A_114, %dma_start3A_115] : memref<2500x1x128xi32, #tpu.memory_space<hbm>> -> memref<1x1x128xi32, #tpu.memory_space<hbm>>
        %dma_start3A_117 = tpu.memref_squeeze %dma_start3A_116 : memref<1x1x128xi32, #tpu.memory_space<hbm>> -> memref<1x128xi32, #tpu.memory_space<hbm>>
        %dma_start3A_118 = arith.constant 0 : i32
        %dma_start3A_119 = arith.constant 0 : i32
        %dma_start3A_120 = tpu.memref_slice %arg4[%add3A_93, %dma_start3A_118, %dma_start3A_119] : memref<2500x1x128xi32, #tpu.memory_space<hbm>> -> memref<1x1x128xi32, #tpu.memory_space<hbm>>
        %dma_start3A_121 = tpu.memref_squeeze %dma_start3A_120 : memref<1x1x128xi32, #tpu.memory_space<hbm>> -> memref<1x128xi32, #tpu.memory_space<hbm>>
        tpu.enqueue_dma source(%dma_start3A_121 : memref<1x128xi32, #tpu.memory_space<hbm>>) target(%arg11 : memref<1x128xi32, #tpu.memory_space<vmem>>) target_semaphore(%run_scoped3A_113 : memref<!tpu.dma_semaphore, #tpu.memory_space<semaphore_mem>>)
        %dma_wait3A_122 = arith.constant 0 : i32
        %dma_wait3A_123 = arith.constant 0 : i32
        %dma_wait3A_124 = tpu.memref_slice %arg4[%add3A_93, %dma_wait3A_122, %dma_wait3A_123] : memref<2500x1x128xi32, #tpu.memory_space<hbm>> -> memref<1x1x128xi32, #tpu.memory_space<hbm>>
        %dma_wait3A_125 = tpu.memref_squeeze %dma_wait3A_124 : memref<1x1x128xi32, #tpu.memory_space<hbm>> -> memref<1x128xi32, #tpu.memory_space<hbm>>
        %dma_wait3A_126 = arith.constant 0 : i32
        %dma_wait3A_127 = arith.constant 0 : i32
        %dma_wait3A_128 = tpu.memref_slice %arg4[%add3A_93, %dma_wait3A_126, %dma_wait3A_127] : memref<2500x1x128xi32, #tpu.memory_space<hbm>> -> memref<1x1x128xi32, #tpu.memory_space<hbm>>
        %dma_wait3A_129 = tpu.memref_squeeze %dma_wait3A_128 : memref<1x1x128xi32, #tpu.memory_space<hbm>> -> memref<1x128xi32, #tpu.memory_space<hbm>>
        tpu.wait_dma2 semaphore(%run_scoped3A_113 : memref<!tpu.dma_semaphore, #tpu.memory_space<semaphore_mem>>) src(%dma_wait3A_129 : memref<1x128xi32, #tpu.memory_space<hbm>>) dst(%arg11 : memref<1x128xi32, #tpu.memory_space<vmem>>)
        tpu.yield
      }) : () -> ()
      %dma_start3A = arith.constant 0 : i32
      %dma_start3A_94 = arith.constant 0 : i32
      %dma_start3A_95 = arith.constant 0 : i32
      %dma_start3A_96 = tpu.memref_slice %arg12[%dma_start3A_94, %dma_start3A_95] : memref<128x128xf32, #tpu.memory_space<vmem>> -> memref<128x128xf32, #tpu.memory_space<vmem>>
      %dma_start3A_97 = arith.constant 0 : i32
      %dma_start3A_98 = tpu.memref_slice %arg10[%dma_start3A, %dma_start3A_97] : memref<1x128xi32, #tpu.memory_space<vmem>> -> memref<1x128xi32, #tpu.memory_space<vmem>>
      %dma_start3A_99 = tpu.memref_squeeze %dma_start3A_98 : memref<1x128xi32, #tpu.memory_space<vmem>> -> memref<128xi32, #tpu.memory_space<vmem>>
      %dma_start3A_100 = arith.constant 0 : i32
      %dma_start3A_101 = arith.constant 0 : i32
      %dma_start3A_102 = tpu.memref_slice %arg2[%dma_start3A_100, %dma_start3A_101] : memref<10000x128xf32, #tpu.memory_space<hbm>> -> memref<10000x128xf32, #tpu.memory_space<hbm>>
      tpu.enqueue_indirect_dma source(%dma_start3A_102 : memref<10000x128xf32, #tpu.memory_space<hbm>>) target(%dma_start3A_96 : memref<128x128xf32, #tpu.memory_space<vmem>>) offsets(%dma_start3A_99 : memref<128xi32, #tpu.memory_space<vmem>>) semaphore(%arg14 : memref<!tpu.dma_semaphore, #tpu.memory_space<semaphore_mem>>)
      %dma_wait3A = arith.constant 0 : i32
      %dma_wait3A_103 = arith.constant 0 : i32
      %dma_wait3A_104 = arith.constant 0 : i32
      %dma_wait3A_105 = tpu.memref_slice %arg12[%dma_wait3A_103, %dma_wait3A_104] : memref<128x128xf32, #tpu.memory_space<vmem>> -> memref<128x128xf32, #tpu.memory_space<vmem>>
      %dma_wait3A_106 = arith.constant 0 : i32
      %dma_wait3A_107 = tpu.memref_slice %arg10[%dma_wait3A, %dma_wait3A_106] : memref<1x128xi32, #tpu.memory_space<vmem>> -> memref<1x128xi32, #tpu.memory_space<vmem>>
      %dma_wait3A_108 = tpu.memref_squeeze %dma_wait3A_107 : memref<1x128xi32, #tpu.memory_space<vmem>> -> memref<128xi32, #tpu.memory_space<vmem>>
      %dma_wait3A_109 = arith.constant 0 : i32
      %dma_wait3A_110 = arith.constant 0 : i32
      %dma_wait3A_111 = tpu.memref_slice %arg2[%dma_wait3A_109, %dma_wait3A_110] : memref<10000x128xf32, #tpu.memory_space<hbm>> -> memref<10000x128xf32, #tpu.memory_space<hbm>>
      tpu.wait_indirect_dma semaphore(%arg14 : memref<!tpu.dma_semaphore, #tpu.memory_space<semaphore_mem>>) src(%dma_wait3A_111 : memref<10000x128xf32, #tpu.memory_space<hbm>>) dst(%dma_wait3A_105 : memref<128x128xf32, #tpu.memory_space<vmem>>)
      %run_scoped3A = arith.constant 0 : i32
      "tpu.region"() ({
        %run_scoped3A_113 = tpu.sem_alloc : memref<!tpu.dma_semaphore, #tpu.memory_space<semaphore_mem>>
        %dma_start3A_114 = arith.constant 0 : i32
        %dma_start3A_115 = arith.constant 0 : i32
        %dma_start3A_116 = tpu.memref_slice %arg12[%dma_start3A_114, %dma_start3A_115] : memref<128x128xf32, #tpu.memory_space<vmem>> -> memref<128x128xf32, #tpu.memory_space<vmem>>
        %dma_start3A_117 = arith.constant 0 : i32
        %dma_start3A_118 = tpu.memref_slice %arg11[%run_scoped3A, %dma_start3A_117] : memref<1x128xi32, #tpu.memory_space<vmem>> -> memref<1x128xi32, #tpu.memory_space<vmem>>
        %dma_start3A_119 = tpu.memref_squeeze %dma_start3A_118 : memref<1x128xi32, #tpu.memory_space<vmem>> -> memref<128xi32, #tpu.memory_space<vmem>>
        %dma_start3A_120 = arith.constant 0 : i32
        %dma_start3A_121 = arith.constant 0 : i32
        %dma_start3A_122 = tpu.memref_slice %arg13[%dma_start3A_120, %dma_start3A_121] : memref<10000x128xf32, #tpu.memory_space<vmem_shared>> -> memref<10000x128xf32, #tpu.memory_space<vmem_shared>>
        tpu.enqueue_indirect_dma source(%dma_start3A_116 : memref<128x128xf32, #tpu.memory_space<vmem>>) target(%dma_start3A_122 : memref<10000x128xf32, #tpu.memory_space<vmem_shared>>) offsets(%dma_start3A_119 : memref<128xi32, #tpu.memory_space<vmem>>) semaphore(%run_scoped3A_113 : memref<!tpu.dma_semaphore, #tpu.memory_space<semaphore_mem>>) {add = true}
        %dma_wait3A_123 = arith.constant 0 : i32
        %dma_wait3A_124 = arith.constant 0 : i32
        %dma_wait3A_125 = tpu.memref_slice %arg12[%dma_wait3A_123, %dma_wait3A_124] : memref<128x128xf32, #tpu.memory_space<vmem>> -> memref<128x128xf32, #tpu.memory_space<vmem>>
        %dma_wait3A_126 = arith.constant 0 : i32
        %dma_wait3A_127 = tpu.memref_slice %arg11[%run_scoped3A, %dma_wait3A_126] : memref<1x128xi32, #tpu.memory_space<vmem>> -> memref<1x128xi32, #tpu.memory_space<vmem>>
        %dma_wait3A_128 = tpu.memref_squeeze %dma_wait3A_127 : memref<1x128xi32, #tpu.memory_space<vmem>> -> memref<128xi32, #tpu.memory_space<vmem>>
        %dma_wait3A_129 = arith.constant 0 : i32
        %dma_wait3A_130 = arith.constant 0 : i32
        %dma_wait3A_131 = tpu.memref_slice %arg13[%dma_wait3A_129, %dma_wait3A_130] : memref<10000x128xf32, #tpu.memory_space<vmem_shared>> -> memref<10000x128xf32, #tpu.memory_space<vmem_shared>>
        tpu.wait_indirect_dma semaphore(%run_scoped3A_113 : memref<!tpu.dma_semaphore, #tpu.memory_space<semaphore_mem>>) src(%dma_wait3A_125 : memref<128x128xf32, #tpu.memory_space<vmem>>) dst(%dma_wait3A_131 : memref<10000x128xf32, #tpu.memory_space<vmem_shared>>)
        tpu.yield
      }) : () -> ()
      %run_scoped3A_112 = arith.constant 0 : i32
      "tpu.region"() ({
        %run_scoped3A_113 = tpu.sem_alloc : memref<!tpu.dma_semaphore, #tpu.memory_space<semaphore_mem>>
        %dma_start3A_114 = arith.constant 0 : i32
        %dma_start3A_115 = tpu.memref_slice %arg11[%run_scoped3A_112, %dma_start3A_114] : memref<1x128xi32, #tpu.memory_space<vmem>> -> memref<1x128xi32, #tpu.memory_space<vmem>>
        %dma_start3A_116 = tpu.memref_squeeze %dma_start3A_115 : memref<1x128xi32, #tpu.memory_space<vmem>> -> memref<128xi32, #tpu.memory_space<vmem>>
        %dma_start3A_117 = arith.constant 0 : i32
        %dma_start3A_118 = arith.constant 0 : i32
        %dma_start3A_119 = tpu.memref_slice %arg17[%dma_start3A_117, %dma_start3A_118] : memref<10000x8xf32, #tpu.memory_space<vmem_shared>> -> memref<10000x8xf32, #tpu.memory_space<vmem_shared>>
        tpu.enqueue_indirect_dma source(%arg15 : memref<128x8xf32, #tpu.memory_space<vmem>>) target(%dma_start3A_119 : memref<10000x8xf32, #tpu.memory_space<vmem_shared>>) offsets(%dma_start3A_116 : memref<128xi32, #tpu.memory_space<vmem>>) semaphore(%run_scoped3A_113 : memref<!tpu.dma_semaphore, #tpu.memory_space<semaphore_mem>>) {add = true}
        %dma_wait3A_120 = arith.constant 0 : i32
        %dma_wait3A_121 = tpu.memref_slice %arg11[%run_scoped3A_112, %dma_wait3A_120] : memref<1x128xi32, #tpu.memory_space<vmem>> -> memref<1x128xi32, #tpu.memory_space<vmem>>
        %dma_wait3A_122 = tpu.memref_squeeze %dma_wait3A_121 : memref<1x128xi32, #tpu.memory_space<vmem>> -> memref<128xi32, #tpu.memory_space<vmem>>
        %dma_wait3A_123 = arith.constant 0 : i32
        %dma_wait3A_124 = arith.constant 0 : i32
        %dma_wait3A_125 = tpu.memref_slice %arg17[%dma_wait3A_123, %dma_wait3A_124] : memref<10000x8xf32, #tpu.memory_space<vmem_shared>> -> memref<10000x8xf32, #tpu.memory_space<vmem_shared>>
        tpu.wait_indirect_dma semaphore(%run_scoped3A_113 : memref<!tpu.dma_semaphore, #tpu.memory_space<semaphore_mem>>) src(%arg15 : memref<128x8xf32, #tpu.memory_space<vmem>>) dst(%dma_wait3A_125 : memref<10000x8xf32, #tpu.memory_space<vmem_shared>>)
        tpu.yield
      }) : () -> ()
    }
    %barrier3A_74 = arith.constant 0 : index
    tpu.barrier barrier_id(%barrier3A_74)
    %while3A_75 = arith.constant 0 : i32
    %while3A_76 = arith.constant 0 : i32
    %while3A_77 = arith.subi %select_n3A, %while3A_76 : i32
    %while3A_78 = arith.addi %while3A_76, %while3A_77 : i32
    %while3A_79 = arith.constant 1 : i32
    %while3A_80 = arith.divsi %while3A_77, %while3A_79 : i32
    %while3A_81 = arith.muli %while3A_80, %while3A_79 : i32
    %while3A_82 = arith.addi %while3A_76, %while3A_81 : i32
    %while3A_83 = arith.constant 1 : i32
    scf.for %while3A_90 = %while3A_76 to %while3A_82 step %while3A_83  : i32 {
      %mul3A_91 = arith.constant 16 : i32
      %mul3A_92 = arith.muli %while3A_90, %mul3A_91 : i32
      %add3A_93 = arith.addi %arg1, %mul3A_92 : i32
      %mul3A_94 = arith.constant 128 : i32
      %mul3A_95 = arith.muli %add3A_93, %mul3A_94 : i32
      "tpu.region"() ({
        %run_scoped3A = tpu.sem_alloc : memref<!tpu.dma_semaphore, #tpu.memory_space<semaphore_mem>>
        %dma_start3A = arith.constant 0 : i32
        %dma_start3A_96 = arith.constant 0 : i32
        %dma_start3A_97 = tpu.memref_slice %arg12[%dma_start3A, %dma_start3A_96] : memref<128x128xf32, #tpu.memory_space<vmem>> -> memref<128x128xf32, #tpu.memory_space<vmem>>
        %dma_start3A_98 = arith.constant 0 : i32
        %dma_start3A_99 = tpu.memref_slice %arg13[%mul3A_95, %dma_start3A_98] : memref<10000x128xf32, #tpu.memory_space<vmem_shared>> -> memref<128x128xf32, #tpu.memory_space<vmem_shared>>
        %dma_start3A_100 = arith.constant 0 : i32
        %dma_start3A_101 = arith.constant 0 : i32
        %dma_start3A_102 = tpu.memref_slice %arg12[%dma_start3A_100, %dma_start3A_101] : memref<128x128xf32, #tpu.memory_space<vmem>> -> memref<128x128xf32, #tpu.memory_space<vmem>>
        %dma_start3A_103 = arith.constant 0 : i32
        %dma_start3A_104 = tpu.memref_slice %arg13[%mul3A_95, %dma_start3A_103] : memref<10000x128xf32, #tpu.memory_space<vmem_shared>> -> memref<128x128xf32, #tpu.memory_space<vmem_shared>>
        tpu.enqueue_dma source(%dma_start3A_104 : memref<128x128xf32, #tpu.memory_space<vmem_shared>>) target(%dma_start3A_102 : memref<128x128xf32, #tpu.memory_space<vmem>>) target_semaphore(%run_scoped3A : memref<!tpu.dma_semaphore, #tpu.memory_space<semaphore_mem>>)
        %dma_wait3A = arith.constant 0 : i32
        %dma_wait3A_105 = arith.constant 0 : i32
        %dma_wait3A_106 = tpu.memref_slice %arg12[%dma_wait3A, %dma_wait3A_105] : memref<128x128xf32, #tpu.memory_space<vmem>> -> memref<128x128xf32, #tpu.memory_space<vmem>>
        %dma_wait3A_107 = arith.constant 0 : i32
        %dma_wait3A_108 = tpu.memref_slice %arg13[%mul3A_95, %dma_wait3A_107] : memref<10000x128xf32, #tpu.memory_space<vmem_shared>> -> memref<128x128xf32, #tpu.memory_space<vmem_shared>>
        %dma_wait3A_109 = arith.constant 0 : i32
        %dma_wait3A_110 = arith.constant 0 : i32
        %dma_wait3A_111 = tpu.memref_slice %arg12[%dma_wait3A_109, %dma_wait3A_110] : memref<128x128xf32, #tpu.memory_space<vmem>> -> memref<128x128xf32, #tpu.memory_space<vmem>>
        %dma_wait3A_112 = arith.constant 0 : i32
        %dma_wait3A_113 = tpu.memref_slice %arg13[%mul3A_95, %dma_wait3A_112] : memref<10000x128xf32, #tpu.memory_space<vmem_shared>> -> memref<128x128xf32, #tpu.memory_space<vmem_shared>>
        tpu.wait_dma2 semaphore(%run_scoped3A : memref<!tpu.dma_semaphore, #tpu.memory_space<semaphore_mem>>) src(%dma_wait3A_113 : memref<128x128xf32, #tpu.memory_space<vmem_shared>>) dst(%dma_wait3A_111 : memref<128x128xf32, #tpu.memory_space<vmem>>)
        tpu.yield
      }) : () -> ()
      "tpu.region"() ({
        %run_scoped3A = tpu.sem_alloc : memref<!tpu.dma_semaphore, #tpu.memory_space<semaphore_mem>>
        %dma_start3A = arith.constant 0 : i32
        %dma_start3A_96 = arith.constant 0 : i32
        %dma_start3A_97 = tpu.memref_slice %arg12[%dma_start3A, %dma_start3A_96] : memref<128x128xf32, #tpu.memory_space<vmem>> -> memref<128x128xf32, #tpu.memory_space<vmem>>
        %dma_start3A_98 = arith.constant 0 : i32
        %dma_start3A_99 = arith.constant 0 : i32
        %dma_start3A_100 = tpu.memref_slice %arg8[%arg0, %dma_start3A_98, %dma_start3A_99] : memref<2x10000x128xf32, #tpu.memory_space<hbm>> -> memref<1x10000x128xf32, #tpu.memory_space<hbm>>
        %dma_start3A_101 = tpu.memref_squeeze %dma_start3A_100 : memref<1x10000x128xf32, #tpu.memory_space<hbm>> -> memref<10000x128xf32, #tpu.memory_space<hbm>>
        %dma_start3A_102 = arith.constant 0 : i32
        %dma_start3A_103 = tpu.memref_slice %dma_start3A_101[%mul3A_95, %dma_start3A_102] : memref<10000x128xf32, #tpu.memory_space<hbm>> -> memref<128x128xf32, #tpu.memory_space<hbm>>
        %dma_start3A_104 = arith.constant 0 : i32
        %dma_start3A_105 = arith.constant 0 : i32
        %dma_start3A_106 = tpu.memref_slice %arg8[%arg0, %dma_start3A_104, %dma_start3A_105] : memref<2x10000x128xf32, #tpu.memory_space<hbm>> -> memref<1x10000x128xf32, #tpu.memory_space<hbm>>
        %dma_start3A_107 = tpu.memref_squeeze %dma_start3A_106 : memref<1x10000x128xf32, #tpu.memory_space<hbm>> -> memref<10000x128xf32, #tpu.memory_space<hbm>>
        %dma_start3A_108 = arith.constant 0 : i32
        %dma_start3A_109 = tpu.memref_slice %dma_start3A_107[%mul3A_95, %dma_start3A_108] : memref<10000x128xf32, #tpu.memory_space<hbm>> -> memref<128x128xf32, #tpu.memory_space<hbm>>
        %dma_start3A_110 = arith.constant 0 : i32
        %dma_start3A_111 = arith.constant 0 : i32
        %dma_start3A_112 = tpu.memref_slice %arg12[%dma_start3A_110, %dma_start3A_111] : memref<128x128xf32, #tpu.memory_space<vmem>> -> memref<128x128xf32, #tpu.memory_space<vmem>>
        tpu.enqueue_dma source(%dma_start3A_112 : memref<128x128xf32, #tpu.memory_space<vmem>>) target(%dma_start3A_109 : memref<128x128xf32, #tpu.memory_space<hbm>>) target_semaphore(%run_scoped3A : memref<!tpu.dma_semaphore, #tpu.memory_space<semaphore_mem>>)
        %dma_wait3A = arith.constant 0 : i32
        %dma_wait3A_113 = arith.constant 0 : i32
        %dma_wait3A_114 = tpu.memref_slice %arg12[%dma_wait3A, %dma_wait3A_113] : memref<128x128xf32, #tpu.memory_space<vmem>> -> memref<128x128xf32, #tpu.memory_space<vmem>>
        %dma_wait3A_115 = arith.constant 0 : i32
        %dma_wait3A_116 = arith.constant 0 : i32
        %dma_wait3A_117 = tpu.memref_slice %arg8[%arg0, %dma_wait3A_115, %dma_wait3A_116] : memref<2x10000x128xf32, #tpu.memory_space<hbm>> -> memref<1x10000x128xf32, #tpu.memory_space<hbm>>
        %dma_wait3A_118 = tpu.memref_squeeze %dma_wait3A_117 : memref<1x10000x128xf32, #tpu.memory_space<hbm>> -> memref<10000x128xf32, #tpu.memory_space<hbm>>
        %dma_wait3A_119 = arith.constant 0 : i32
        %dma_wait3A_120 = tpu.memref_slice %dma_wait3A_118[%mul3A_95, %dma_wait3A_119] : memref<10000x128xf32, #tpu.memory_space<hbm>> -> memref<128x128xf32, #tpu.memory_space<hbm>>
        %dma_wait3A_121 = arith.constant 0 : i32
        %dma_wait3A_122 = arith.constant 0 : i32
        %dma_wait3A_123 = tpu.memref_slice %arg8[%arg0, %dma_wait3A_121, %dma_wait3A_122] : memref<2x10000x128xf32, #tpu.memory_space<hbm>> -> memref<1x10000x128xf32, #tpu.memory_space<hbm>>
        %dma_wait3A_124 = tpu.memref_squeeze %dma_wait3A_123 : memref<1x10000x128xf32, #tpu.memory_space<hbm>> -> memref<10000x128xf32, #tpu.memory_space<hbm>>
        %dma_wait3A_125 = arith.constant 0 : i32
        %dma_wait3A_126 = tpu.memref_slice %dma_wait3A_124[%mul3A_95, %dma_wait3A_125] : memref<10000x128xf32, #tpu.memory_space<hbm>> -> memref<128x128xf32, #tpu.memory_space<hbm>>
        %dma_wait3A_127 = arith.constant 0 : i32
        %dma_wait3A_128 = arith.constant 0 : i32
        %dma_wait3A_129 = tpu.memref_slice %arg12[%dma_wait3A_127, %dma_wait3A_128] : memref<128x128xf32, #tpu.memory_space<vmem>> -> memref<128x128xf32, #tpu.memory_space<vmem>>
        tpu.wait_dma2 semaphore(%run_scoped3A : memref<!tpu.dma_semaphore, #tpu.memory_space<semaphore_mem>>) src(%dma_wait3A_129 : memref<128x128xf32, #tpu.memory_space<vmem>>) dst(%dma_wait3A_126 : memref<128x128xf32, #tpu.memory_space<hbm>>)
        tpu.yield
      }) : () -> ()
      "tpu.region"() ({
        %run_scoped3A = tpu.sem_alloc : memref<!tpu.dma_semaphore, #tpu.memory_space<semaphore_mem>>
        %dma_start3A = arith.constant 0 : i32
        %dma_start3A_96 = tpu.memref_slice %arg17[%mul3A_95, %dma_start3A] : memref<10000x8xf32, #tpu.memory_space<vmem_shared>> -> memref<128x8xf32, #tpu.memory_space<vmem_shared>>
        %dma_start3A_97 = arith.constant 0 : i32
        %dma_start3A_98 = tpu.memref_slice %arg17[%mul3A_95, %dma_start3A_97] : memref<10000x8xf32, #tpu.memory_space<vmem_shared>> -> memref<128x8xf32, #tpu.memory_space<vmem_shared>>
        tpu.enqueue_dma source(%dma_start3A_98 : memref<128x8xf32, #tpu.memory_space<vmem_shared>>) target(%arg16 : memref<128x8xf32, #tpu.memory_space<vmem>>) target_semaphore(%run_scoped3A : memref<!tpu.dma_semaphore, #tpu.memory_space<semaphore_mem>>)
        %dma_wait3A = arith.constant 0 : i32
        %dma_wait3A_99 = tpu.memref_slice %arg17[%mul3A_95, %dma_wait3A] : memref<10000x8xf32, #tpu.memory_space<vmem_shared>> -> memref<128x8xf32, #tpu.memory_space<vmem_shared>>
        %dma_wait3A_100 = arith.constant 0 : i32
        %dma_wait3A_101 = tpu.memref_slice %arg17[%mul3A_95, %dma_wait3A_100] : memref<10000x8xf32, #tpu.memory_space<vmem_shared>> -> memref<128x8xf32, #tpu.memory_space<vmem_shared>>
        tpu.wait_dma2 semaphore(%run_scoped3A : memref<!tpu.dma_semaphore, #tpu.memory_space<semaphore_mem>>) src(%dma_wait3A_101 : memref<128x8xf32, #tpu.memory_space<vmem_shared>>) dst(%arg16 : memref<128x8xf32, #tpu.memory_space<vmem>>)
        tpu.yield
      }) : () -> ()
      "tpu.region"() ({
        %run_scoped3A = tpu.sem_alloc : memref<!tpu.dma_semaphore, #tpu.memory_space<semaphore_mem>>
        %dma_start3A = arith.constant 0 : i32
        %dma_start3A_96 = arith.constant 0 : i32
        %dma_start3A_97 = tpu.memref_slice %arg9[%arg0, %dma_start3A, %dma_start3A_96] : memref<2x10000x8xf32, #tpu.memory_space<hbm>> -> memref<1x10000x8xf32, #tpu.memory_space<hbm>>
        %dma_start3A_98 = tpu.memref_squeeze %dma_start3A_97 : memref<1x10000x8xf32, #tpu.memory_space<hbm>> -> memref<10000x8xf32, #tpu.memory_space<hbm>>
        %dma_start3A_99 = arith.constant 0 : i32
        %dma_start3A_100 = tpu.memref_slice %dma_start3A_98[%mul3A_95, %dma_start3A_99] : memref<10000x8xf32, #tpu.memory_space<hbm>> -> memref<128x8xf32, #tpu.memory_space<hbm>>
        %dma_start3A_101 = arith.constant 0 : i32
        %dma_start3A_102 = arith.constant 0 : i32
        %dma_start3A_103 = tpu.memref_slice %arg9[%arg0, %dma_start3A_101, %dma_start3A_102] : memref<2x10000x8xf32, #tpu.memory_space<hbm>> -> memref<1x10000x8xf32, #tpu.memory_space<hbm>>
        %dma_start3A_104 = tpu.memref_squeeze %dma_start3A_103 : memref<1x10000x8xf32, #tpu.memory_space<hbm>> -> memref<10000x8xf32, #tpu.memory_space<hbm>>
        %dma_start3A_105 = arith.constant 0 : i32
        %dma_start3A_106 = tpu.memref_slice %dma_start3A_104[%mul3A_95, %dma_start3A_105] : memref<10000x8xf32, #tpu.memory_space<hbm>> -> memref<128x8xf32, #tpu.memory_space<hbm>>
        tpu.enqueue_dma source(%arg16 : memref<128x8xf32, #tpu.memory_space<vmem>>) target(%dma_start3A_106 : memref<128x8xf32, #tpu.memory_space<hbm>>) target_semaphore(%run_scoped3A : memref<!tpu.dma_semaphore, #tpu.memory_space<semaphore_mem>>)
        %dma_wait3A = arith.constant 0 : i32
        %dma_wait3A_107 = arith.constant 0 : i32
        %dma_wait3A_108 = tpu.memref_slice %arg9[%arg0, %dma_wait3A, %dma_wait3A_107] : memref<2x10000x8xf32, #tpu.memory_space<hbm>> -> memref<1x10000x8xf32, #tpu.memory_space<hbm>>
        %dma_wait3A_109 = tpu.memref_squeeze %dma_wait3A_108 : memref<1x10000x8xf32, #tpu.memory_space<hbm>> -> memref<10000x8xf32, #tpu.memory_space<hbm>>
        %dma_wait3A_110 = arith.constant 0 : i32
        %dma_wait3A_111 = tpu.memref_slice %dma_wait3A_109[%mul3A_95, %dma_wait3A_110] : memref<10000x8xf32, #tpu.memory_space<hbm>> -> memref<128x8xf32, #tpu.memory_space<hbm>>
        %dma_wait3A_112 = arith.constant 0 : i32
        %dma_wait3A_113 = arith.constant 0 : i32
        %dma_wait3A_114 = tpu.memref_slice %arg9[%arg0, %dma_wait3A_112, %dma_wait3A_113] : memref<2x10000x8xf32, #tpu.memory_space<hbm>> -> memref<1x10000x8xf32, #tpu.memory_space<hbm>>
        %dma_wait3A_115 = tpu.memref_squeeze %dma_wait3A_114 : memref<1x10000x8xf32, #tpu.memory_space<hbm>> -> memref<10000x8xf32, #tpu.memory_space<hbm>>
        %dma_wait3A_116 = arith.constant 0 : i32
        %dma_wait3A_117 = tpu.memref_slice %dma_wait3A_115[%mul3A_95, %dma_wait3A_116] : memref<10000x8xf32, #tpu.memory_space<hbm>> -> memref<128x8xf32, #tpu.memory_space<hbm>>
        tpu.wait_dma2 semaphore(%run_scoped3A : memref<!tpu.dma_semaphore, #tpu.memory_space<semaphore_mem>>) src(%arg16 : memref<128x8xf32, #tpu.memory_space<vmem>>) dst(%dma_wait3A_117 : memref<128x8xf32, #tpu.memory_space<hbm>>)
        tpu.yield
      }) : () -> ()
    }
    %while3A_84 = arith.constant 1 : i32
    scf.for %while3A_90 = %while3A_82 to %while3A_78 step %while3A_84  : i32 {
      %mul3A_91 = arith.constant 16 : i32
      %mul3A_92 = arith.muli %while3A_90, %mul3A_91 : i32
      %add3A_93 = arith.addi %arg1, %mul3A_92 : i32
      %mul3A_94 = arith.constant 128 : i32
      %mul3A_95 = arith.muli %add3A_93, %mul3A_94 : i32
      "tpu.region"() ({
        %run_scoped3A = tpu.sem_alloc : memref<!tpu.dma_semaphore, #tpu.memory_space<semaphore_mem>>
        %dma_start3A = arith.constant 0 : i32
        %dma_start3A_96 = arith.constant 0 : i32
        %dma_start3A_97 = tpu.memref_slice %arg12[%dma_start3A, %dma_start3A_96] : memref<128x128xf32, #tpu.memory_space<vmem>> -> memref<128x128xf32, #tpu.memory_space<vmem>>
        %dma_start3A_98 = arith.constant 0 : i32
        %dma_start3A_99 = tpu.memref_slice %arg13[%mul3A_95, %dma_start3A_98] : memref<10000x128xf32, #tpu.memory_space<vmem_shared>> -> memref<128x128xf32, #tpu.memory_space<vmem_shared>>
        %dma_start3A_100 = arith.constant 0 : i32
        %dma_start3A_101 = arith.constant 0 : i32
        %dma_start3A_102 = tpu.memref_slice %arg12[%dma_start3A_100, %dma_start3A_101] : memref<128x128xf32, #tpu.memory_space<vmem>> -> memref<128x128xf32, #tpu.memory_space<vmem>>
        %dma_start3A_103 = arith.constant 0 : i32
        %dma_start3A_104 = tpu.memref_slice %arg13[%mul3A_95, %dma_start3A_103] : memref<10000x128xf32, #tpu.memory_space<vmem_shared>> -> memref<128x128xf32, #tpu.memory_space<vmem_shared>>
        tpu.enqueue_dma source(%dma_start3A_104 : memref<128x128xf32, #tpu.memory_space<vmem_shared>>) target(%dma_start3A_102 : memref<128x128xf32, #tpu.memory_space<vmem>>) target_semaphore(%run_scoped3A : memref<!tpu.dma_semaphore, #tpu.memory_space<semaphore_mem>>)
        %dma_wait3A = arith.constant 0 : i32
        %dma_wait3A_105 = arith.constant 0 : i32
        %dma_wait3A_106 = tpu.memref_slice %arg12[%dma_wait3A, %dma_wait3A_105] : memref<128x128xf32, #tpu.memory_space<vmem>> -> memref<128x128xf32, #tpu.memory_space<vmem>>
        %dma_wait3A_107 = arith.constant 0 : i32
        %dma_wait3A_108 = tpu.memref_slice %arg13[%mul3A_95, %dma_wait3A_107] : memref<10000x128xf32, #tpu.memory_space<vmem_shared>> -> memref<128x128xf32, #tpu.memory_space<vmem_shared>>
        %dma_wait3A_109 = arith.constant 0 : i32
        %dma_wait3A_110 = arith.constant 0 : i32
        %dma_wait3A_111 = tpu.memref_slice %arg12[%dma_wait3A_109, %dma_wait3A_110] : memref<128x128xf32, #tpu.memory_space<vmem>> -> memref<128x128xf32, #tpu.memory_space<vmem>>
        %dma_wait3A_112 = arith.constant 0 : i32
        %dma_wait3A_113 = tpu.memref_slice %arg13[%mul3A_95, %dma_wait3A_112] : memref<10000x128xf32, #tpu.memory_space<vmem_shared>> -> memref<128x128xf32, #tpu.memory_space<vmem_shared>>
        tpu.wait_dma2 semaphore(%run_scoped3A : memref<!tpu.dma_semaphore, #tpu.memory_space<semaphore_mem>>) src(%dma_wait3A_113 : memref<128x128xf32, #tpu.memory_space<vmem_shared>>) dst(%dma_wait3A_111 : memref<128x128xf32, #tpu.memory_space<vmem>>)
        tpu.yield
      }) : () -> ()
      "tpu.region"() ({
        %run_scoped3A = tpu.sem_alloc : memref<!tpu.dma_semaphore, #tpu.memory_space<semaphore_mem>>
        %dma_start3A = arith.constant 0 : i32
        %dma_start3A_96 = arith.constant 0 : i32
        %dma_start3A_97 = tpu.memref_slice %arg12[%dma_start3A, %dma_start3A_96] : memref<128x128xf32, #tpu.memory_space<vmem>> -> memref<128x128xf32, #tpu.memory_space<vmem>>
        %dma_start3A_98 = arith.constant 0 : i32
        %dma_start3A_99 = arith.constant 0 : i32
        %dma_start3A_100 = tpu.memref_slice %arg8[%arg0, %dma_start3A_98, %dma_start3A_99] : memref<2x10000x128xf32, #tpu.memory_space<hbm>> -> memref<1x10000x128xf32, #tpu.memory_space<hbm>>
        %dma_start3A_101 = tpu.memref_squeeze %dma_start3A_100 : memref<1x10000x128xf32, #tpu.memory_space<hbm>> -> memref<10000x128xf32, #tpu.memory_space<hbm>>
        %dma_start3A_102 = arith.constant 0 : i32
        %dma_start3A_103 = tpu.memref_slice %dma_start3A_101[%mul3A_95, %dma_start3A_102] : memref<10000x128xf32, #tpu.memory_space<hbm>> -> memref<128x128xf32, #tpu.memory_space<hbm>>
        %dma_start3A_104 = arith.constant 0 : i32
        %dma_start3A_105 = arith.constant 0 : i32
        %dma_start3A_106 = tpu.memref_slice %arg8[%arg0, %dma_start3A_104, %dma_start3A_105] : memref<2x10000x128xf32, #tpu.memory_space<hbm>> -> memref<1x10000x128xf32, #tpu.memory_space<hbm>>
        %dma_start3A_107 = tpu.memref_squeeze %dma_start3A_106 : memref<1x10000x128xf32, #tpu.memory_space<hbm>> -> memref<10000x128xf32, #tpu.memory_space<hbm>>
        %dma_start3A_108 = arith.constant 0 : i32
        %dma_start3A_109 = tpu.memref_slice %dma_start3A_107[%mul3A_95, %dma_start3A_108] : memref<10000x128xf32, #tpu.memory_space<hbm>> -> memref<128x128xf32, #tpu.memory_space<hbm>>
        %dma_start3A_110 = arith.constant 0 : i32
        %dma_start3A_111 = arith.constant 0 : i32
        %dma_start3A_112 = tpu.memref_slice %arg12[%dma_start3A_110, %dma_start3A_111] : memref<128x128xf32, #tpu.memory_space<vmem>> -> memref<128x128xf32, #tpu.memory_space<vmem>>
        tpu.enqueue_dma source(%dma_start3A_112 : memref<128x128xf32, #tpu.memory_space<vmem>>) target(%dma_start3A_109 : memref<128x128xf32, #tpu.memory_space<hbm>>) target_semaphore(%run_scoped3A : memref<!tpu.dma_semaphore, #tpu.memory_space<semaphore_mem>>)
        %dma_wait3A = arith.constant 0 : i32
        %dma_wait3A_113 = arith.constant 0 : i32
        %dma_wait3A_114 = tpu.memref_slice %arg12[%dma_wait3A, %dma_wait3A_113] : memref<128x128xf32, #tpu.memory_space<vmem>> -> memref<128x128xf32, #tpu.memory_space<vmem>>
        %dma_wait3A_115 = arith.constant 0 : i32
        %dma_wait3A_116 = arith.constant 0 : i32
        %dma_wait3A_117 = tpu.memref_slice %arg8[%arg0, %dma_wait3A_115, %dma_wait3A_116] : memref<2x10000x128xf32, #tpu.memory_space<hbm>> -> memref<1x10000x128xf32, #tpu.memory_space<hbm>>
        %dma_wait3A_118 = tpu.memref_squeeze %dma_wait3A_117 : memref<1x10000x128xf32, #tpu.memory_space<hbm>> -> memref<10000x128xf32, #tpu.memory_space<hbm>>
        %dma_wait3A_119 = arith.constant 0 : i32
        %dma_wait3A_120 = tpu.memref_slice %dma_wait3A_118[%mul3A_95, %dma_wait3A_119] : memref<10000x128xf32, #tpu.memory_space<hbm>> -> memref<128x128xf32, #tpu.memory_space<hbm>>
        %dma_wait3A_121 = arith.constant 0 : i32
        %dma_wait3A_122 = arith.constant 0 : i32
        %dma_wait3A_123 = tpu.memref_slice %arg8[%arg0, %dma_wait3A_121, %dma_wait3A_122] : memref<2x10000x128xf32, #tpu.memory_space<hbm>> -> memref<1x10000x128xf32, #tpu.memory_space<hbm>>
        %dma_wait3A_124 = tpu.memref_squeeze %dma_wait3A_123 : memref<1x10000x128xf32, #tpu.memory_space<hbm>> -> memref<10000x128xf32, #tpu.memory_space<hbm>>
        %dma_wait3A_125 = arith.constant 0 : i32
        %dma_wait3A_126 = tpu.memref_slice %dma_wait3A_124[%mul3A_95, %dma_wait3A_125] : memref<10000x128xf32, #tpu.memory_space<hbm>> -> memref<128x128xf32, #tpu.memory_space<hbm>>
        %dma_wait3A_127 = arith.constant 0 : i32
        %dma_wait3A_128 = arith.constant 0 : i32
        %dma_wait3A_129 = tpu.memref_slice %arg12[%dma_wait3A_127, %dma_wait3A_128] : memref<128x128xf32, #tpu.memory_space<vmem>> -> memref<128x128xf32, #tpu.memory_space<vmem>>
        tpu.wait_dma2 semaphore(%run_scoped3A : memref<!tpu.dma_semaphore, #tpu.memory_space<semaphore_mem>>) src(%dma_wait3A_129 : memref<128x128xf32, #tpu.memory_space<vmem>>) dst(%dma_wait3A_126 : memref<128x128xf32, #tpu.memory_space<hbm>>)
        tpu.yield
      }) : () -> ()
      "tpu.region"() ({
        %run_scoped3A = tpu.sem_alloc : memref<!tpu.dma_semaphore, #tpu.memory_space<semaphore_mem>>
        %dma_start3A = arith.constant 0 : i32
        %dma_start3A_96 = tpu.memref_slice %arg17[%mul3A_95, %dma_start3A] : memref<10000x8xf32, #tpu.memory_space<vmem_shared>> -> memref<128x8xf32, #tpu.memory_space<vmem_shared>>
        %dma_start3A_97 = arith.constant 0 : i32
        %dma_start3A_98 = tpu.memref_slice %arg17[%mul3A_95, %dma_start3A_97] : memref<10000x8xf32, #tpu.memory_space<vmem_shared>> -> memref<128x8xf32, #tpu.memory_space<vmem_shared>>
        tpu.enqueue_dma source(%dma_start3A_98 : memref<128x8xf32, #tpu.memory_space<vmem_shared>>) target(%arg16 : memref<128x8xf32, #tpu.memory_space<vmem>>) target_semaphore(%run_scoped3A : memref<!tpu.dma_semaphore, #tpu.memory_space<semaphore_mem>>)
        %dma_wait3A = arith.constant 0 : i32
        %dma_wait3A_99 = tpu.memref_slice %arg17[%mul3A_95, %dma_wait3A] : memref<10000x8xf32, #tpu.memory_space<vmem_shared>> -> memref<128x8xf32, #tpu.memory_space<vmem_shared>>
        %dma_wait3A_100 = arith.constant 0 : i32
        %dma_wait3A_101 = tpu.memref_slice %arg17[%mul3A_95, %dma_wait3A_100] : memref<10000x8xf32, #tpu.memory_space<vmem_shared>> -> memref<128x8xf32, #tpu.memory_space<vmem_shared>>
        tpu.wait_dma2 semaphore(%run_scoped3A : memref<!tpu.dma_semaphore, #tpu.memory_space<semaphore_mem>>) src(%dma_wait3A_101 : memref<128x8xf32, #tpu.memory_space<vmem_shared>>) dst(%arg16 : memref<128x8xf32, #tpu.memory_space<vmem>>)
        tpu.yield
      }) : () -> ()
      "tpu.region"() ({
        %run_scoped3A = tpu.sem_alloc : memref<!tpu.dma_semaphore, #tpu.memory_space<semaphore_mem>>
        %dma_start3A = arith.constant 0 : i32
        %dma_start3A_96 = arith.constant 0 : i32
        %dma_start3A_97 = tpu.memref_slice %arg9[%arg0, %dma_start3A, %dma_start3A_96] : memref<2x10000x8xf32, #tpu.memory_space<hbm>> -> memref<1x10000x8xf32, #tpu.memory_space<hbm>>
        %dma_start3A_98 = tpu.memref_squeeze %dma_start3A_97 : memref<1x10000x8xf32, #tpu.memory_space<hbm>> -> memref<10000x8xf32, #tpu.memory_space<hbm>>
        %dma_start3A_99 = arith.constant 0 : i32
        %dma_start3A_100 = tpu.memref_slice %dma_start3A_98[%mul3A_95, %dma_start3A_99] : memref<10000x8xf32, #tpu.memory_space<hbm>> -> memref<128x8xf32, #tpu.memory_space<hbm>>
        %dma_start3A_101 = arith.constant 0 : i32
        %dma_start3A_102 = arith.constant 0 : i32
        %dma_start3A_103 = tpu.memref_slice %arg9[%arg0, %dma_start3A_101, %dma_start3A_102] : memref<2x10000x8xf32, #tpu.memory_space<hbm>> -> memref<1x10000x8xf32, #tpu.memory_space<hbm>>
        %dma_start3A_104 = tpu.memref_squeeze %dma_start3A_103 : memref<1x10000x8xf32, #tpu.memory_space<hbm>> -> memref<10000x8xf32, #tpu.memory_space<hbm>>
        %dma_start3A_105 = arith.constant 0 : i32
        %dma_start3A_106 = tpu.memref_slice %dma_start3A_104[%mul3A_95, %dma_start3A_105] : memref<10000x8xf32, #tpu.memory_space<hbm>> -> memref<128x8xf32, #tpu.memory_space<hbm>>
        tpu.enqueue_dma source(%arg16 : memref<128x8xf32, #tpu.memory_space<vmem>>) target(%dma_start3A_106 : memref<128x8xf32, #tpu.memory_space<hbm>>) target_semaphore(%run_scoped3A : memref<!tpu.dma_semaphore, #tpu.memory_space<semaphore_mem>>)
        %dma_wait3A = arith.constant 0 : i32
        %dma_wait3A_107 = arith.constant 0 : i32
        %dma_wait3A_108 = tpu.memref_slice %arg9[%arg0, %dma_wait3A, %dma_wait3A_107] : memref<2x10000x8xf32, #tpu.memory_space<hbm>> -> memref<1x10000x8xf32, #tpu.memory_space<hbm>>
        %dma_wait3A_109 = tpu.memref_squeeze %dma_wait3A_108 : memref<1x10000x8xf32, #tpu.memory_space<hbm>> -> memref<10000x8xf32, #tpu.memory_space<hbm>>
        %dma_wait3A_110 = arith.constant 0 : i32
        %dma_wait3A_111 = tpu.memref_slice %dma_wait3A_109[%mul3A_95, %dma_wait3A_110] : memref<10000x8xf32, #tpu.memory_space<hbm>> -> memref<128x8xf32, #tpu.memory_space<hbm>>
        %dma_wait3A_112 = arith.constant 0 : i32
        %dma_wait3A_113 = arith.constant 0 : i32
        %dma_wait3A_114 = tpu.memref_slice %arg9[%arg0, %dma_wait3A_112, %dma_wait3A_113] : memref<2x10000x8xf32, #tpu.memory_space<hbm>> -> memref<1x10000x8xf32, #tpu.memory_space<hbm>>
        %dma_wait3A_115 = tpu.memref_squeeze %dma_wait3A_114 : memref<1x10000x8xf32, #tpu.memory_space<hbm>> -> memref<10000x8xf32, #tpu.memory_space<hbm>>
        %dma_wait3A_116 = arith.constant 0 : i32
        %dma_wait3A_117 = tpu.memref_slice %dma_wait3A_115[%mul3A_95, %dma_wait3A_116] : memref<10000x8xf32, #tpu.memory_space<hbm>> -> memref<128x8xf32, #tpu.memory_space<hbm>>
        tpu.wait_dma2 semaphore(%run_scoped3A : memref<!tpu.dma_semaphore, #tpu.memory_space<semaphore_mem>>) src(%arg16 : memref<128x8xf32, #tpu.memory_space<vmem>>) dst(%dma_wait3A_117 : memref<128x8xf32, #tpu.memory_space<hbm>>)
        tpu.yield
      }) : () -> ()
    }
    %eq3A_85 = arith.constant 0 : i32
    %eq3A_86 = arith.cmpi eq, %arg1, %eq3A_85 : i32
    %convert_element_type3A_87 = arith.extui %eq3A_86 : i1 to i32
    %cond3A_88 = arith.constant 0 : i32
    %cond3A_89 = arith.cmpi ne, %convert_element_type3A_87, %cond3A_88 : i32
    scf.if %cond3A_89 {
      "tpu.region"() ({
        %run_scoped3A = tpu.sem_alloc : memref<!tpu.dma_semaphore, #tpu.memory_space<semaphore_mem>>
        %dma_start3A = arith.constant 0 : i32
        %dma_start3A_90 = arith.constant 0 : i32
        %dma_start3A_91 = tpu.memref_slice %arg12[%dma_start3A, %dma_start3A_90] : memref<128x128xf32, #tpu.memory_space<vmem>> -> memref<16x128xf32, #tpu.memory_space<vmem>>
        %dma_start3A_92 = arith.constant 9984 : i32
        %dma_start3A_93 = arith.constant 0 : i32
        %dma_start3A_94 = tpu.memref_slice %arg13[%dma_start3A_92, %dma_start3A_93] : memref<10000x128xf32, #tpu.memory_space<vmem_shared>> -> memref<16x128xf32, #tpu.memory_space<vmem_shared>>
        %dma_start3A_95 = arith.constant 0 : i32
        %dma_start3A_96 = arith.constant 0 : i32
        %dma_start3A_97 = tpu.memref_slice %arg12[%dma_start3A_95, %dma_start3A_96] : memref<128x128xf32, #tpu.memory_space<vmem>> -> memref<16x128xf32, #tpu.memory_space<vmem>>
        %dma_start3A_98 = arith.constant 9984 : i32
        %dma_start3A_99 = arith.constant 0 : i32
        %dma_start3A_100 = tpu.memref_slice %arg13[%dma_start3A_98, %dma_start3A_99] : memref<10000x128xf32, #tpu.memory_space<vmem_shared>> -> memref<16x128xf32, #tpu.memory_space<vmem_shared>>
        tpu.enqueue_dma source(%dma_start3A_100 : memref<16x128xf32, #tpu.memory_space<vmem_shared>>) target(%dma_start3A_97 : memref<16x128xf32, #tpu.memory_space<vmem>>) target_semaphore(%run_scoped3A : memref<!tpu.dma_semaphore, #tpu.memory_space<semaphore_mem>>)
        %dma_wait3A = arith.constant 0 : i32
        %dma_wait3A_101 = arith.constant 0 : i32
        %dma_wait3A_102 = tpu.memref_slice %arg12[%dma_wait3A, %dma_wait3A_101] : memref<128x128xf32, #tpu.memory_space<vmem>> -> memref<16x128xf32, #tpu.memory_space<vmem>>
        %dma_wait3A_103 = arith.constant 9984 : i32
        %dma_wait3A_104 = arith.constant 0 : i32
        %dma_wait3A_105 = tpu.memref_slice %arg13[%dma_wait3A_103, %dma_wait3A_104] : memref<10000x128xf32, #tpu.memory_space<vmem_shared>> -> memref<16x128xf32, #tpu.memory_space<vmem_shared>>
        %dma_wait3A_106 = arith.constant 0 : i32
        %dma_wait3A_107 = arith.constant 0 : i32
        %dma_wait3A_108 = tpu.memref_slice %arg12[%dma_wait3A_106, %dma_wait3A_107] : memref<128x128xf32, #tpu.memory_space<vmem>> -> memref<16x128xf32, #tpu.memory_space<vmem>>
        %dma_wait3A_109 = arith.constant 9984 : i32
        %dma_wait3A_110 = arith.constant 0 : i32
        %dma_wait3A_111 = tpu.memref_slice %arg13[%dma_wait3A_109, %dma_wait3A_110] : memref<10000x128xf32, #tpu.memory_space<vmem_shared>> -> memref<16x128xf32, #tpu.memory_space<vmem_shared>>
        tpu.wait_dma2 semaphore(%run_scoped3A : memref<!tpu.dma_semaphore, #tpu.memory_space<semaphore_mem>>) src(%dma_wait3A_111 : memref<16x128xf32, #tpu.memory_space<vmem_shared>>) dst(%dma_wait3A_108 : memref<16x128xf32, #tpu.memory_space<vmem>>)
        tpu.yield
      }) : () -> ()
      "tpu.region"() ({
        %run_scoped3A = tpu.sem_alloc : memref<!tpu.dma_semaphore, #tpu.memory_space<semaphore_mem>>
        %dma_start3A = arith.constant 0 : i32
        %dma_start3A_90 = arith.constant 0 : i32
        %dma_start3A_91 = tpu.memref_slice %arg12[%dma_start3A, %dma_start3A_90] : memref<128x128xf32, #tpu.memory_space<vmem>> -> memref<16x128xf32, #tpu.memory_space<vmem>>
        %dma_start3A_92 = arith.constant 0 : i32
        %dma_start3A_93 = arith.constant 0 : i32
        %dma_start3A_94 = tpu.memref_slice %arg8[%arg0, %dma_start3A_92, %dma_start3A_93] : memref<2x10000x128xf32, #tpu.memory_space<hbm>> -> memref<1x10000x128xf32, #tpu.memory_space<hbm>>
        %dma_start3A_95 = tpu.memref_squeeze %dma_start3A_94 : memref<1x10000x128xf32, #tpu.memory_space<hbm>> -> memref<10000x128xf32, #tpu.memory_space<hbm>>
        %dma_start3A_96 = arith.constant 9984 : i32
        %dma_start3A_97 = arith.constant 0 : i32
        %dma_start3A_98 = tpu.memref_slice %dma_start3A_95[%dma_start3A_96, %dma_start3A_97] : memref<10000x128xf32, #tpu.memory_space<hbm>> -> memref<16x128xf32, #tpu.memory_space<hbm>>
        %dma_start3A_99 = arith.constant 0 : i32
        %dma_start3A_100 = arith.constant 0 : i32
        %dma_start3A_101 = tpu.memref_slice %arg8[%arg0, %dma_start3A_99, %dma_start3A_100] : memref<2x10000x128xf32, #tpu.memory_space<hbm>> -> memref<1x10000x128xf32, #tpu.memory_space<hbm>>
        %dma_start3A_102 = tpu.memref_squeeze %dma_start3A_101 : memref<1x10000x128xf32, #tpu.memory_space<hbm>> -> memref<10000x128xf32, #tpu.memory_space<hbm>>
        %dma_start3A_103 = arith.constant 9984 : i32
        %dma_start3A_104 = arith.constant 0 : i32
        %dma_start3A_105 = tpu.memref_slice %dma_start3A_102[%dma_start3A_103, %dma_start3A_104] : memref<10000x128xf32, #tpu.memory_space<hbm>> -> memref<16x128xf32, #tpu.memory_space<hbm>>
        %dma_start3A_106 = arith.constant 0 : i32
        %dma_start3A_107 = arith.constant 0 : i32
        %dma_start3A_108 = tpu.memref_slice %arg12[%dma_start3A_106, %dma_start3A_107] : memref<128x128xf32, #tpu.memory_space<vmem>> -> memref<16x128xf32, #tpu.memory_space<vmem>>
        tpu.enqueue_dma source(%dma_start3A_108 : memref<16x128xf32, #tpu.memory_space<vmem>>) target(%dma_start3A_105 : memref<16x128xf32, #tpu.memory_space<hbm>>) target_semaphore(%run_scoped3A : memref<!tpu.dma_semaphore, #tpu.memory_space<semaphore_mem>>)
        %dma_wait3A = arith.constant 0 : i32
        %dma_wait3A_109 = arith.constant 0 : i32
        %dma_wait3A_110 = tpu.memref_slice %arg12[%dma_wait3A, %dma_wait3A_109] : memref<128x128xf32, #tpu.memory_space<vmem>> -> memref<16x128xf32, #tpu.memory_space<vmem>>
        %dma_wait3A_111 = arith.constant 0 : i32
        %dma_wait3A_112 = arith.constant 0 : i32
        %dma_wait3A_113 = tpu.memref_slice %arg8[%arg0, %dma_wait3A_111, %dma_wait3A_112] : memref<2x10000x128xf32, #tpu.memory_space<hbm>> -> memref<1x10000x128xf32, #tpu.memory_space<hbm>>
        %dma_wait3A_114 = tpu.memref_squeeze %dma_wait3A_113 : memref<1x10000x128xf32, #tpu.memory_space<hbm>> -> memref<10000x128xf32, #tpu.memory_space<hbm>>
        %dma_wait3A_115 = arith.constant 9984 : i32
        %dma_wait3A_116 = arith.constant 0 : i32
        %dma_wait3A_117 = tpu.memref_slice %dma_wait3A_114[%dma_wait3A_115, %dma_wait3A_116] : memref<10000x128xf32, #tpu.memory_space<hbm>> -> memref<16x128xf32, #tpu.memory_space<hbm>>
        %dma_wait3A_118 = arith.constant 0 : i32
        %dma_wait3A_119 = arith.constant 0 : i32
        %dma_wait3A_120 = tpu.memref_slice %arg8[%arg0, %dma_wait3A_118, %dma_wait3A_119] : memref<2x10000x128xf32, #tpu.memory_space<hbm>> -> memref<1x10000x128xf32, #tpu.memory_space<hbm>>
        %dma_wait3A_121 = tpu.memref_squeeze %dma_wait3A_120 : memref<1x10000x128xf32, #tpu.memory_space<hbm>> -> memref<10000x128xf32, #tpu.memory_space<hbm>>
        %dma_wait3A_122 = arith.constant 9984 : i32
        %dma_wait3A_123 = arith.constant 0 : i32
        %dma_wait3A_124 = tpu.memref_slice %dma_wait3A_121[%dma_wait3A_122, %dma_wait3A_123] : memref<10000x128xf32, #tpu.memory_space<hbm>> -> memref<16x128xf32, #tpu.memory_space<hbm>>
        %dma_wait3A_125 = arith.constant 0 : i32
        %dma_wait3A_126 = arith.constant 0 : i32
        %dma_wait3A_127 = tpu.memref_slice %arg12[%dma_wait3A_125, %dma_wait3A_126] : memref<128x128xf32, #tpu.memory_space<vmem>> -> memref<16x128xf32, #tpu.memory_space<vmem>>
        tpu.wait_dma2 semaphore(%run_scoped3A : memref<!tpu.dma_semaphore, #tpu.memory_space<semaphore_mem>>) src(%dma_wait3A_127 : memref<16x128xf32, #tpu.memory_space<vmem>>) dst(%dma_wait3A_124 : memref<16x128xf32, #tpu.memory_space<hbm>>)
        tpu.yield
      }) : () -> ()
      "tpu.region"() ({
        %run_scoped3A = tpu.sem_alloc : memref<!tpu.dma_semaphore, #tpu.memory_space<semaphore_mem>>
        %dma_start3A = arith.constant 0 : i32
        %dma_start3A_90 = arith.constant 0 : i32
        %dma_start3A_91 = tpu.memref_slice %arg16[%dma_start3A, %dma_start3A_90] : memref<128x8xf32, #tpu.memory_space<vmem>> -> memref<16x8xf32, #tpu.memory_space<vmem>>
        %dma_start3A_92 = arith.constant 9984 : i32
        %dma_start3A_93 = arith.constant 0 : i32
        %dma_start3A_94 = tpu.memref_slice %arg17[%dma_start3A_92, %dma_start3A_93] : memref<10000x8xf32, #tpu.memory_space<vmem_shared>> -> memref<16x8xf32, #tpu.memory_space<vmem_shared>>
        %dma_start3A_95 = arith.constant 0 : i32
        %dma_start3A_96 = arith.constant 0 : i32
        %dma_start3A_97 = tpu.memref_slice %arg16[%dma_start3A_95, %dma_start3A_96] : memref<128x8xf32, #tpu.memory_space<vmem>> -> memref<16x8xf32, #tpu.memory_space<vmem>>
        %dma_start3A_98 = arith.constant 9984 : i32
        %dma_start3A_99 = arith.constant 0 : i32
        %dma_start3A_100 = tpu.memref_slice %arg17[%dma_start3A_98, %dma_start3A_99] : memref<10000x8xf32, #tpu.memory_space<vmem_shared>> -> memref<16x8xf32, #tpu.memory_space<vmem_shared>>
        tpu.enqueue_dma source(%dma_start3A_100 : memref<16x8xf32, #tpu.memory_space<vmem_shared>>) target(%dma_start3A_97 : memref<16x8xf32, #tpu.memory_space<vmem>>) target_semaphore(%run_scoped3A : memref<!tpu.dma_semaphore, #tpu.memory_space<semaphore_mem>>)
        %dma_wait3A = arith.constant 0 : i32
        %dma_wait3A_101 = arith.constant 0 : i32
        %dma_wait3A_102 = tpu.memref_slice %arg16[%dma_wait3A, %dma_wait3A_101] : memref<128x8xf32, #tpu.memory_space<vmem>> -> memref<16x8xf32, #tpu.memory_space<vmem>>
        %dma_wait3A_103 = arith.constant 9984 : i32
        %dma_wait3A_104 = arith.constant 0 : i32
        %dma_wait3A_105 = tpu.memref_slice %arg17[%dma_wait3A_103, %dma_wait3A_104] : memref<10000x8xf32, #tpu.memory_space<vmem_shared>> -> memref<16x8xf32, #tpu.memory_space<vmem_shared>>
        %dma_wait3A_106 = arith.constant 0 : i32
        %dma_wait3A_107 = arith.constant 0 : i32
        %dma_wait3A_108 = tpu.memref_slice %arg16[%dma_wait3A_106, %dma_wait3A_107] : memref<128x8xf32, #tpu.memory_space<vmem>> -> memref<16x8xf32, #tpu.memory_space<vmem>>
        %dma_wait3A_109 = arith.constant 9984 : i32
        %dma_wait3A_110 = arith.constant 0 : i32
        %dma_wait3A_111 = tpu.memref_slice %arg17[%dma_wait3A_109, %dma_wait3A_110] : memref<10000x8xf32, #tpu.memory_space<vmem_shared>> -> memref<16x8xf32, #tpu.memory_space<vmem_shared>>
        tpu.wait_dma2 semaphore(%run_scoped3A : memref<!tpu.dma_semaphore, #tpu.memory_space<semaphore_mem>>) src(%dma_wait3A_111 : memref<16x8xf32, #tpu.memory_space<vmem_shared>>) dst(%dma_wait3A_108 : memref<16x8xf32, #tpu.memory_space<vmem>>)
        tpu.yield
      }) : () -> ()
      "tpu.region"() ({
        %run_scoped3A = tpu.sem_alloc : memref<!tpu.dma_semaphore, #tpu.memory_space<semaphore_mem>>
        %dma_start3A = arith.constant 0 : i32
        %dma_start3A_90 = arith.constant 0 : i32
        %dma_start3A_91 = tpu.memref_slice %arg16[%dma_start3A, %dma_start3A_90] : memref<128x8xf32, #tpu.memory_space<vmem>> -> memref<16x8xf32, #tpu.memory_space<vmem>>
        %dma_start3A_92 = arith.constant 0 : i32
        %dma_start3A_93 = arith.constant 0 : i32
        %dma_start3A_94 = tpu.memref_slice %arg9[%arg0, %dma_start3A_92, %dma_start3A_93] : memref<2x10000x8xf32, #tpu.memory_space<hbm>> -> memref<1x10000x8xf32, #tpu.memory_space<hbm>>
        %dma_start3A_95 = tpu.memref_squeeze %dma_start3A_94 : memref<1x10000x8xf32, #tpu.memory_space<hbm>> -> memref<10000x8xf32, #tpu.memory_space<hbm>>
        %dma_start3A_96 = arith.constant 9984 : i32
        %dma_start3A_97 = arith.constant 0 : i32
        %dma_start3A_98 = tpu.memref_slice %dma_start3A_95[%dma_start3A_96, %dma_start3A_97] : memref<10000x8xf32, #tpu.memory_space<hbm>> -> memref<16x8xf32, #tpu.memory_space<hbm>>
        %dma_start3A_99 = arith.constant 0 : i32
        %dma_start3A_100 = arith.constant 0 : i32
        %dma_start3A_101 = tpu.memref_slice %arg9[%arg0, %dma_start3A_99, %dma_start3A_100] : memref<2x10000x8xf32, #tpu.memory_space<hbm>> -> memref<1x10000x8xf32, #tpu.memory_space<hbm>>
        %dma_start3A_102 = tpu.memref_squeeze %dma_start3A_101 : memref<1x10000x8xf32, #tpu.memory_space<hbm>> -> memref<10000x8xf32, #tpu.memory_space<hbm>>
        %dma_start3A_103 = arith.constant 9984 : i32
        %dma_start3A_104 = arith.constant 0 : i32
        %dma_start3A_105 = tpu.memref_slice %dma_start3A_102[%dma_start3A_103, %dma_start3A_104] : memref<10000x8xf32, #tpu.memory_space<hbm>> -> memref<16x8xf32, #tpu.memory_space<hbm>>
        %dma_start3A_106 = arith.constant 0 : i32
        %dma_start3A_107 = arith.constant 0 : i32
        %dma_start3A_108 = tpu.memref_slice %arg16[%dma_start3A_106, %dma_start3A_107] : memref<128x8xf32, #tpu.memory_space<vmem>> -> memref<16x8xf32, #tpu.memory_space<vmem>>
        tpu.enqueue_dma source(%dma_start3A_108 : memref<16x8xf32, #tpu.memory_space<vmem>>) target(%dma_start3A_105 : memref<16x8xf32, #tpu.memory_space<hbm>>) target_semaphore(%run_scoped3A : memref<!tpu.dma_semaphore, #tpu.memory_space<semaphore_mem>>)
        %dma_wait3A = arith.constant 0 : i32
        %dma_wait3A_109 = arith.constant 0 : i32
        %dma_wait3A_110 = tpu.memref_slice %arg16[%dma_wait3A, %dma_wait3A_109] : memref<128x8xf32, #tpu.memory_space<vmem>> -> memref<16x8xf32, #tpu.memory_space<vmem>>
        %dma_wait3A_111 = arith.constant 0 : i32
        %dma_wait3A_112 = arith.constant 0 : i32
        %dma_wait3A_113 = tpu.memref_slice %arg9[%arg0, %dma_wait3A_111, %dma_wait3A_112] : memref<2x10000x8xf32, #tpu.memory_space<hbm>> -> memref<1x10000x8xf32, #tpu.memory_space<hbm>>
        %dma_wait3A_114 = tpu.memref_squeeze %dma_wait3A_113 : memref<1x10000x8xf32, #tpu.memory_space<hbm>> -> memref<10000x8xf32, #tpu.memory_space<hbm>>
        %dma_wait3A_115 = arith.constant 9984 : i32
        %dma_wait3A_116 = arith.constant 0 : i32
        %dma_wait3A_117 = tpu.memref_slice %dma_wait3A_114[%dma_wait3A_115, %dma_wait3A_116] : memref<10000x8xf32, #tpu.memory_space<hbm>> -> memref<16x8xf32, #tpu.memory_space<hbm>>
        %dma_wait3A_118 = arith.constant 0 : i32
        %dma_wait3A_119 = arith.constant 0 : i32
        %dma_wait3A_120 = tpu.memref_slice %arg9[%arg0, %dma_wait3A_118, %dma_wait3A_119] : memref<2x10000x8xf32, #tpu.memory_space<hbm>> -> memref<1x10000x8xf32, #tpu.memory_space<hbm>>
        %dma_wait3A_121 = tpu.memref_squeeze %dma_wait3A_120 : memref<1x10000x8xf32, #tpu.memory_space<hbm>> -> memref<10000x8xf32, #tpu.memory_space<hbm>>
        %dma_wait3A_122 = arith.constant 9984 : i32
        %dma_wait3A_123 = arith.constant 0 : i32
        %dma_wait3A_124 = tpu.memref_slice %dma_wait3A_121[%dma_wait3A_122, %dma_wait3A_123] : memref<10000x8xf32, #tpu.memory_space<hbm>> -> memref<16x8xf32, #tpu.memory_space<hbm>>
        %dma_wait3A_125 = arith.constant 0 : i32
        %dma_wait3A_126 = arith.constant 0 : i32
        %dma_wait3A_127 = tpu.memref_slice %arg16[%dma_wait3A_125, %dma_wait3A_126] : memref<128x8xf32, #tpu.memory_space<vmem>> -> memref<16x8xf32, #tpu.memory_space<vmem>>
        tpu.wait_dma2 semaphore(%run_scoped3A : memref<!tpu.dma_semaphore, #tpu.memory_space<semaphore_mem>>) src(%dma_wait3A_127 : memref<16x8xf32, #tpu.memory_space<vmem>>) dst(%dma_wait3A_124 : memref<16x8xf32, #tpu.memory_space<hbm>>)
        tpu.yield
      }) : () -> ()
    } else {
    }
    return
  }
}

module attributes {stable_mosaic.version = 14 : i64} {
  func.func @_mm_body(%arg0: i32, %arg1: memref<1000x128xf32, #tpu.memory_space<vmem>>, %arg2: memref<128x128xf32, #tpu.memory_space<vmem>>, %arg3: memref<1000x128xf32, #tpu.memory_space<vmem>>) attributes {dimension_semantics = [#tpu.dimension_semantics<arbitrary>], iteration_bounds = array<i64: 10>, scalar_prefetch = 0 : i64, scratch_operands = 0 : i64, tpu.core_type = #tpu.core_type<tc>, window_params = [{transform_indices = @transform_0, window_bounds = array<i64: 1000, 128>}, {pipeline_mode = #tpu.pipeline_mode<synchronous>, transform_indices = @transform_1, window_bounds = array<i64: 128, 128>}, {transform_indices = @transform_2, window_bounds = array<i64: 1000, 128>}]} {
    %get3A = arith.constant 0 : index
    %get3A_0 = arith.constant 0 : index
    %get3A_1 = vector.load %arg1[%get3A, %get3A_0] : memref<1000x128xf32, #tpu.memory_space<vmem>>, vector<1000x128xf32>
    %get3A_2 = arith.constant 0 : index
    %get3A_3 = arith.constant 0 : index
    %get3A_4 = vector.load %arg2[%get3A_2, %get3A_3] : memref<128x128xf32, #tpu.memory_space<vmem>>, vector<128x128xf32>
    %dot_general3A = arith.constant dense<0.000000e+00> : vector<1000x128xf32>
    %dot_general3A_5 = tpu.matmul %get3A_1, %get3A_4, %dot_general3A {dimension_numbers = #tpu.dot_dimension_numbers<[1], [0], [0], [1], [0, 0, 1, 1], [], []>, transpose_lhs_hint = false} : vector<1000x128xf32>, vector<128x128xf32>, vector<1000x128xf32> -> vector<1000x128xf32>
    %swap3A = arith.constant 0 : index
    %swap3A_6 = arith.constant 0 : index
    %swap3A_7 = vector.load %arg3[%swap3A, %swap3A_6] : memref<1000x128xf32, #tpu.memory_space<vmem>>, vector<1000x128xf32>
    tpu.vector_store %arg3[%swap3A, %swap3A_6], %dot_general3A_5 {strides = array<i32>} : memref<1000x128xf32, #tpu.memory_space<vmem>>, vector<1000x128xf32>,
    return
  }
  func.func @transform_0(%arg0: i32) -> (i32, i32) {
    %c0_i32 = arith.constant 0 : i32
    %c0_i32_0 = arith.constant 0 : i32
    return %arg0, %c0_i32 : i32, i32
  }
  func.func @transform_1(%arg0: i32) -> (i32, i32) {
    %c0_i32 = arith.constant 0 : i32
    %c0_i32_0 = arith.constant 0 : i32
    %c0_i32_1 = arith.constant 0 : i32
    return %c0_i32, %c0_i32_0 : i32, i32
  }
  func.func @transform_2(%arg0: i32) -> (i32, i32) {
    %c0_i32 = arith.constant 0 : i32
    %c0_i32_0 = arith.constant 0 : i32
    return %arg0, %c0_i32 : i32, i32
  }
}

module attributes {stable_mosaic.version = 14 : i64} {
  func.func @_layer1_body(%arg0: i32, %arg1: memref<2x1000x128xf32, #tpu.memory_space<vmem>>, %arg2: memref<2x1000x8xf32, #tpu.memory_space<vmem>>, %arg3: memref<1000x128xf32, #tpu.memory_space<vmem>>, %arg4: memref<128x128xf32, #tpu.memory_space<vmem>>, %arg5: memref<1x128xf32, #tpu.memory_space<vmem>>, %arg6: memref<128x64xf32, #tpu.memory_space<vmem>>, %arg7: memref<1000x128xf32, #tpu.memory_space<vmem>>, %arg8: memref<1000x64xf32, #tpu.memory_space<vmem>>) attributes {dimension_semantics = [#tpu.dimension_semantics<arbitrary>], iteration_bounds = array<i64: 10>, scalar_prefetch = 0 : i64, scratch_operands = 0 : i64, tpu.core_type = #tpu.core_type<tc>, window_params = [{transform_indices = @transform_0, window_bounds = array<i64: 2, 1000, 128>}, {transform_indices = @transform_1, window_bounds = array<i64: 2, 1000, 8>}, {transform_indices = @transform_2, window_bounds = array<i64: 1000, 128>}, {pipeline_mode = #tpu.pipeline_mode<synchronous>, transform_indices = @transform_3, window_bounds = array<i64: 128, 128>}, {pipeline_mode = #tpu.pipeline_mode<synchronous>, transform_indices = @transform_4, window_bounds = array<i64: 1, 128>}, {pipeline_mode = #tpu.pipeline_mode<synchronous>, transform_indices = @transform_5, window_bounds = array<i64: 128, 64>}, {transform_indices = @transform_6, window_bounds = array<i64: 1000, 128>}, {transform_indices = @transform_7, window_bounds = array<i64: 1000, 64>}]} {
    %get3A = arith.constant 0 : index
    %get3A_0 = arith.constant 0 : index
    %get3A_1 = arith.constant 0 : index
    %get3A_2 = vector.load %arg1[%get3A, %get3A_0, %get3A_1] : memref<2x1000x128xf32, #tpu.memory_space<vmem>>, vector<1x1000x128xf32>
    %get3A_3 = vector.shape_cast %get3A_2 : vector<1x1000x128xf32> to vector<1000x128xf32>
    %get3A_4 = arith.constant 1 : index
    %get3A_5 = arith.constant 0 : index
    %get3A_6 = arith.constant 0 : index
    %get3A_7 = vector.load %arg1[%get3A_4, %get3A_5, %get3A_6] : memref<2x1000x128xf32, #tpu.memory_space<vmem>>, vector<1x1000x128xf32>
    %get3A_8 = vector.shape_cast %get3A_7 : vector<1x1000x128xf32> to vector<1000x128xf32>
    %add3A = arith.addf %get3A_3, %get3A_8 : vector<1000x128xf32>
    %get3A_9 = arith.constant 0 : index
    %get3A_10 = arith.constant 0 : index
    %get3A_11 = arith.constant 0 : index
    %get3A_12 = vector.load %arg2[%get3A_9, %get3A_10, %get3A_11] : memref<2x1000x8xf32, #tpu.memory_space<vmem>>, vector<2x1000x8xf32>
    %slice3A = vector.extract_strided_slice %get3A_12 {offsets = [0, 0, 0], sizes = [1, 1000, 1], strides = [1, 1, 1]} : vector<2x1000x8xf32> to vector<1x1000x1xf32>
    %squeeze3A = vector.shape_cast %slice3A : vector<1x1000x1xf32> to vector<1000xf32>
    %slice3A_13 = vector.extract_strided_slice %get3A_12 {offsets = [1, 0, 0], sizes = [1, 1000, 1], strides = [1, 1, 1]} : vector<2x1000x8xf32> to vector<1x1000x1xf32>
    %squeeze3A_14 = vector.shape_cast %slice3A_13 : vector<1x1000x1xf32> to vector<1000xf32>
    %add3A_15 = arith.addf %squeeze3A, %squeeze3A_14 : vector<1000xf32>
    %max3A = arith.constant 1.000000e+00 : f32
    %max3A_16 = vector.broadcast %max3A : f32 to vector<1000xf32>
    %max3A_17 = arith.maximumf %add3A_15, %max3A_16 : vector<1000xf32>
    %div3A = arith.constant 1.000000e+00 : f32
    %div3A_18 = vector.broadcast %div3A : f32 to vector<1000xf32>
    %div3A_19 = arith.divf %div3A_18, %max3A_17 : vector<1000xf32>
    %broadcast_in_dim3A = vector.shape_cast %div3A_19 : vector<1000xf32> to vector<1000x1xf32>
    %mul3A = vector.broadcast %broadcast_in_dim3A : vector<1000x1xf32> to vector<1000x128xf32>
    %mul3A_20 = arith.mulf %add3A, %mul3A : vector<1000x128xf32>
    %get3A_21 = arith.constant 0 : index
    %get3A_22 = arith.constant 0 : index
    %get3A_23 = vector.load %arg5[%get3A_21, %get3A_22] : memref<1x128xf32, #tpu.memory_space<vmem>>, vector<1x128xf32>
    %add3A_24 = vector.broadcast %get3A_23 : vector<1x128xf32> to vector<1000x128xf32>
    %add3A_25 = arith.addf %mul3A_20, %add3A_24 : vector<1000x128xf32>
    %get3A_26 = arith.constant 0 : index
    %get3A_27 = arith.constant 0 : index
    %get3A_28 = vector.load %arg3[%get3A_26, %get3A_27] : memref<1000x128xf32, #tpu.memory_space<vmem>>, vector<1000x128xf32>
    %get3A_29 = arith.constant 0 : index
    %get3A_30 = arith.constant 0 : index
    %get3A_31 = vector.load %arg4[%get3A_29, %get3A_30] : memref<128x128xf32, #tpu.memory_space<vmem>>, vector<128x128xf32>
    %dot_general3A = arith.constant dense<0.000000e+00> : vector<1000x128xf32>
    %dot_general3A_32 = tpu.matmul %get3A_28, %get3A_31, %dot_general3A {dimension_numbers = #tpu.dot_dimension_numbers<[1], [0], [0], [1], [0, 0, 1, 1], [], []>, transpose_lhs_hint = false} : vector<1000x128xf32>, vector<128x128xf32>, vector<1000x128xf32> -> vector<1000x128xf32>
    %add3A_33 = arith.addf %add3A_25, %dot_general3A_32 : vector<1000x128xf32>
    %max3A_34 = arith.constant 0.000000e+00 : f32
    %max3A_35 = vector.broadcast %max3A_34 : f32 to vector<1000x128xf32>
    %max3A_36 = arith.maximumf %add3A_33, %max3A_35 : vector<1000x128xf32>
    %swap3A = arith.constant 0 : index
    %swap3A_37 = arith.constant 0 : index
    %swap3A_38 = vector.load %arg7[%swap3A, %swap3A_37] : memref<1000x128xf32, #tpu.memory_space<vmem>>, vector<1000x128xf32>
    tpu.vector_store %arg7[%swap3A, %swap3A_37], %max3A_36 {strides = array<i32>} : memref<1000x128xf32, #tpu.memory_space<vmem>>, vector<1000x128xf32>,
    %get3A_39 = arith.constant 0 : index
    %get3A_40 = arith.constant 0 : index
    %get3A_41 = vector.load %arg6[%get3A_39, %get3A_40] : memref<128x64xf32, #tpu.memory_space<vmem>>, vector<128x64xf32>
    %dot_general3A_42 = arith.constant dense<0.000000e+00> : vector<1000x64xf32>
    %dot_general3A_43 = tpu.matmul %max3A_36, %get3A_41, %dot_general3A_42 {dimension_numbers = #tpu.dot_dimension_numbers<[1], [0], [0], [1], [0, 0, 1, 1], [], []>, transpose_lhs_hint = false} : vector<1000x128xf32>, vector<128x64xf32>, vector<1000x64xf32> -> vector<1000x64xf32>
    %swap3A_44 = arith.constant 0 : index
    %swap3A_45 = arith.constant 0 : index
    %swap3A_46 = vector.load %arg8[%swap3A_44, %swap3A_45] : memref<1000x64xf32, #tpu.memory_space<vmem>>, vector<1000x64xf32>
    tpu.vector_store %arg8[%swap3A_44, %swap3A_45], %dot_general3A_43 {strides = array<i32>} : memref<1000x64xf32, #tpu.memory_space<vmem>>, vector<1000x64xf32>,
    return
  }
  func.func @transform_0(%arg0: i32) -> (i32, i32, i32) {
    %c0_i32 = arith.constant 0 : i32
    %c0_i32_0 = arith.constant 0 : i32
    %c0_i32_1 = arith.constant 0 : i32
    return %c0_i32, %arg0, %c0_i32_0 : i32, i32, i32
  }
  func.func @transform_1(%arg0: i32) -> (i32, i32, i32) {
    %c0_i32 = arith.constant 0 : i32
    %c0_i32_0 = arith.constant 0 : i32
    %c0_i32_1 = arith.constant 0 : i32
    return %c0_i32, %arg0, %c0_i32_0 : i32, i32, i32
  }
  func.func @transform_2(%arg0: i32) -> (i32, i32) {
    %c0_i32 = arith.constant 0 : i32
    %c0_i32_0 = arith.constant 0 : i32
    return %arg0, %c0_i32 : i32, i32
  }
  func.func @transform_3(%arg0: i32) -> (i32, i32) {
    %c0_i32 = arith.constant 0 : i32
    %c0_i32_0 = arith.constant 0 : i32
    %c0_i32_1 = arith.constant 0 : i32
    return %c0_i32, %c0_i32_0 : i32, i32
  }
  func.func @transform_4(%arg0: i32) -> (i32, i32) {
    %c0_i32 = arith.constant 0 : i32
    %c0_i32_0 = arith.constant 0 : i32
    %c0_i32_1 = arith.constant 0 : i32
    return %c0_i32, %c0_i32_0 : i32, i32
  }
  func.func @transform_5(%arg0: i32) -> (i32, i32) {
    %c0_i32 = arith.constant 0 : i32
    %c0_i32_0 = arith.constant 0 : i32
    %c0_i32_1 = arith.constant 0 : i32
    return %c0_i32, %c0_i32_0 : i32, i32
  }
  func.func @transform_6(%arg0: i32) -> (i32, i32) {
    %c0_i32 = arith.constant 0 : i32
    %c0_i32_0 = arith.constant 0 : i32
    return %arg0, %c0_i32 : i32, i32
  }
  func.func @transform_7(%arg0: i32) -> (i32, i32) {
    %c0_i32 = arith.constant 0 : i32
    %c0_i32_0 = arith.constant 0 : i32
    return %arg0, %c0_i32 : i32, i32
  }
}

module attributes {stable_mosaic.version = 14 : i64} {
  func.func @_layer2_body(%arg0: i32, %arg1: memref<2x1000x64xf32, #tpu.memory_space<vmem>>, %arg2: memref<2x1000x8xf32, #tpu.memory_space<vmem>>, %arg3: memref<1000x128xf32, #tpu.memory_space<vmem>>, %arg4: memref<128x64xf32, #tpu.memory_space<vmem>>, %arg5: memref<1x64xf32, #tpu.memory_space<vmem>>, %arg6: memref<1000x64xf32, #tpu.memory_space<vmem>>) attributes {dimension_semantics = [#tpu.dimension_semantics<arbitrary>], iteration_bounds = array<i64: 10>, scalar_prefetch = 0 : i64, scratch_operands = 0 : i64, tpu.core_type = #tpu.core_type<tc>, window_params = [{transform_indices = @transform_0, window_bounds = array<i64: 2, 1000, 64>}, {transform_indices = @transform_1, window_bounds = array<i64: 2, 1000, 8>}, {transform_indices = @transform_2, window_bounds = array<i64: 1000, 128>}, {pipeline_mode = #tpu.pipeline_mode<synchronous>, transform_indices = @transform_3, window_bounds = array<i64: 128, 64>}, {pipeline_mode = #tpu.pipeline_mode<synchronous>, transform_indices = @transform_4, window_bounds = array<i64: 1, 64>}, {transform_indices = @transform_5, window_bounds = array<i64: 1000, 64>}]} {
    %get3A = arith.constant 0 : index
    %get3A_0 = arith.constant 0 : index
    %get3A_1 = arith.constant 0 : index
    %get3A_2 = vector.load %arg1[%get3A, %get3A_0, %get3A_1] : memref<2x1000x64xf32, #tpu.memory_space<vmem>>, vector<1x1000x64xf32>
    %get3A_3 = vector.shape_cast %get3A_2 : vector<1x1000x64xf32> to vector<1000x64xf32>
    %get3A_4 = arith.constant 1 : index
    %get3A_5 = arith.constant 0 : index
    %get3A_6 = arith.constant 0 : index
    %get3A_7 = vector.load %arg1[%get3A_4, %get3A_5, %get3A_6] : memref<2x1000x64xf32, #tpu.memory_space<vmem>>, vector<1x1000x64xf32>
    %get3A_8 = vector.shape_cast %get3A_7 : vector<1x1000x64xf32> to vector<1000x64xf32>
    %add3A = arith.addf %get3A_3, %get3A_8 : vector<1000x64xf32>
    %get3A_9 = arith.constant 0 : index
    %get3A_10 = arith.constant 0 : index
    %get3A_11 = arith.constant 0 : index
    %get3A_12 = vector.load %arg2[%get3A_9, %get3A_10, %get3A_11] : memref<2x1000x8xf32, #tpu.memory_space<vmem>>, vector<2x1000x8xf32>
    %slice3A = vector.extract_strided_slice %get3A_12 {offsets = [0, 0, 0], sizes = [1, 1000, 1], strides = [1, 1, 1]} : vector<2x1000x8xf32> to vector<1x1000x1xf32>
    %squeeze3A = vector.shape_cast %slice3A : vector<1x1000x1xf32> to vector<1000xf32>
    %slice3A_13 = vector.extract_strided_slice %get3A_12 {offsets = [1, 0, 0], sizes = [1, 1000, 1], strides = [1, 1, 1]} : vector<2x1000x8xf32> to vector<1x1000x1xf32>
    %squeeze3A_14 = vector.shape_cast %slice3A_13 : vector<1x1000x1xf32> to vector<1000xf32>
    %add3A_15 = arith.addf %squeeze3A, %squeeze3A_14 : vector<1000xf32>
    %max3A = arith.constant 1.000000e+00 : f32
    %max3A_16 = vector.broadcast %max3A : f32 to vector<1000xf32>
    %max3A_17 = arith.maximumf %add3A_15, %max3A_16 : vector<1000xf32>
    %div3A = arith.constant 1.000000e+00 : f32
    %div3A_18 = vector.broadcast %div3A : f32 to vector<1000xf32>
    %div3A_19 = arith.divf %div3A_18, %max3A_17 : vector<1000xf32>
    %broadcast_in_dim3A = vector.shape_cast %div3A_19 : vector<1000xf32> to vector<1000x1xf32>
    %mul3A = vector.broadcast %broadcast_in_dim3A : vector<1000x1xf32> to vector<1000x64xf32>
    %mul3A_20 = arith.mulf %add3A, %mul3A : vector<1000x64xf32>
    %get3A_21 = arith.constant 0 : index
    %get3A_22 = arith.constant 0 : index
    %get3A_23 = vector.load %arg5[%get3A_21, %get3A_22] : memref<1x64xf32, #tpu.memory_space<vmem>>, vector<1x64xf32>
    %add3A_24 = vector.broadcast %get3A_23 : vector<1x64xf32> to vector<1000x64xf32>
    %add3A_25 = arith.addf %mul3A_20, %add3A_24 : vector<1000x64xf32>
    %get3A_26 = arith.constant 0 : index
    %get3A_27 = arith.constant 0 : index
    %get3A_28 = vector.load %arg3[%get3A_26, %get3A_27] : memref<1000x128xf32, #tpu.memory_space<vmem>>, vector<1000x128xf32>
    %get3A_29 = arith.constant 0 : index
    %get3A_30 = arith.constant 0 : index
    %get3A_31 = vector.load %arg4[%get3A_29, %get3A_30] : memref<128x64xf32, #tpu.memory_space<vmem>>, vector<128x64xf32>
    %dot_general3A = arith.constant dense<0.000000e+00> : vector<1000x64xf32>
    %dot_general3A_32 = tpu.matmul %get3A_28, %get3A_31, %dot_general3A {dimension_numbers = #tpu.dot_dimension_numbers<[1], [0], [0], [1], [0, 0, 1, 1], [], []>, transpose_lhs_hint = false} : vector<1000x128xf32>, vector<128x64xf32>, vector<1000x64xf32> -> vector<1000x64xf32>
    %add3A_33 = arith.addf %add3A_25, %dot_general3A_32 : vector<1000x64xf32>
    %reduce_max3A = arith.constant dense<0xFF800000> : vector<1000xf32>
    %reduce_max3A_34 = vector.multi_reduction <maximumf>, %add3A_33, %reduce_max3A [1] : vector<1000x64xf32> to vector<1000xf32>
    %broadcast_in_dim3A_35 = vector.shape_cast %reduce_max3A_34 : vector<1000xf32> to vector<1000x1xf32>
    %sub3A = vector.broadcast %broadcast_in_dim3A_35 : vector<1000x1xf32> to vector<1000x64xf32>
    %sub3A_36 = arith.subf %add3A_33, %sub3A : vector<1000x64xf32>
    %exp3A = math.exp %sub3A_36 : vector<1000x64xf32>
    %reduce_sum3A = arith.constant dense<0.000000e+00> : vector<1000xf32>
    %reduce_sum3A_37 = vector.multi_reduction <add>, %exp3A, %reduce_sum3A [1] : vector<1000x64xf32> to vector<1000xf32>
    %broadcast_in_dim3A_38 = vector.shape_cast %reduce_sum3A_37 : vector<1000xf32> to vector<1000x1xf32>
    %log3A = math.log %broadcast_in_dim3A_38 : vector<1000x1xf32>
    %add3A_39 = arith.addf %log3A, %broadcast_in_dim3A_35 : vector<1000x1xf32>
    %sub3A_40 = vector.broadcast %add3A_39 : vector<1000x1xf32> to vector<1000x64xf32>
    %sub3A_41 = arith.subf %add3A_33, %sub3A_40 : vector<1000x64xf32>
    %swap3A = arith.constant 0 : index
    %swap3A_42 = arith.constant 0 : index
    %swap3A_43 = vector.load %arg6[%swap3A, %swap3A_42] : memref<1000x64xf32, #tpu.memory_space<vmem>>, vector<1000x64xf32>
    tpu.vector_store %arg6[%swap3A, %swap3A_42], %sub3A_41 {strides = array<i32>} : memref<1000x64xf32, #tpu.memory_space<vmem>>, vector<1000x64xf32>,
    return
  }
  func.func @transform_0(%arg0: i32) -> (i32, i32, i32) {
    %c0_i32 = arith.constant 0 : i32
    %c0_i32_0 = arith.constant 0 : i32
    %c0_i32_1 = arith.constant 0 : i32
    return %c0_i32, %arg0, %c0_i32_0 : i32, i32, i32
  }
  func.func @transform_1(%arg0: i32) -> (i32, i32, i32) {
    %c0_i32 = arith.constant 0 : i32
    %c0_i32_0 = arith.constant 0 : i32
    %c0_i32_1 = arith.constant 0 : i32
    return %c0_i32, %arg0, %c0_i32_0 : i32, i32, i32
  }
  func.func @transform_2(%arg0: i32) -> (i32, i32) {
    %c0_i32 = arith.constant 0 : i32
    %c0_i32_0 = arith.constant 0 : i32
    return %arg0, %c0_i32 : i32, i32
  }
  func.func @transform_3(%arg0: i32) -> (i32, i32) {
    %c0_i32 = arith.constant 0 : i32
    %c0_i32_0 = arith.constant 0 : i32
    %c0_i32_1 = arith.constant 0 : i32
    return %c0_i32, %c0_i32_0 : i32, i32
  }
  func.func @transform_4(%arg0: i32) -> (i32, i32) {
    %c0_i32 = arith.constant 0 : i32
    %c0_i32_0 = arith.constant 0 : i32
    %c0_i32_1 = arith.constant 0 : i32
    return %c0_i32, %c0_i32_0 : i32, i32
  }
  func.func @transform_5(%arg0: i32) -> (i32, i32) {
    %c0_i32 = arith.constant 0 : i32
    %c0_i32_0 = arith.constant 0 : i32
    return %arg0, %c0_i32 : i32, i32
  }
}

</mosaic_0001>

<sc_bundles>
// kernel: kernel.10.cloned.1.call-start
scs
__scs_entry_jumppad:
0x0: {  	(pc) =	sbr.rel $0x88, $3  }
0x1: {  	(tag) =	ssettag $0x0;
	lr =	simm.s32 $0x1  }
0x2: {  	[smem:$0x3F99] =	sst lr;
	_ =	strace $0xD0000000  }
0x3: {  	_ = 	snop  }
0x4: {  	_ = 	snop  }
0x5: {  	_ = 	snop  }
0x6: {  	_ = 	snop  }
0x7: {  	_ = 	snop  }
__scs_overlays_trampoline_lowered:
0x8: {  	[smem:$0x3FA8] =	sst s0  }
0x9: {  	[smem:$0x3FA9] =	sst s1  }
0xa: {  	[smem:$0x3FAA] =	sst s2  }
0xb: {  	[smem:$0x3FAB] =	sst s3  }
0xc: {  	[smem:$0x3FAC] =	sst s4  }
0xd: {  	[smem:$0x3FAD] =	sst s5  }
0xe: {  	[smem:$0x3FAE] =	sst s6  }
0xf: {  	[smem:$0x3FAF] =	sst s7  }
0x10: {  	[smem:$0x3FB0] =	sst s8  }
0x11: {  	[smem:$0x3FB1] =	sst s9;
	s0 =	simm.s32 @!p0 $0x0  }
0x12: {  	s1 =	sld [smem:$0x3F97];
	s0 =	simm.s32 @p0 $0x1  }
0x13: {  	[smem:$0x3FB2] =	sst s0;
	s0 =	simm.s32 @!p1 $0x0  }
0x14: {  	s2 =	sld [smem:$0x3F96];
	s0 =	simm.s32 @p1 $0x1  }
0x15: {  	[smem:$0x3FB3] =	sst s0;
	s0 =	simm.s32 @!p2 $0x0  }
0x16: {  	s3 =	sld [smem:$0x3FDB];
	s0 =	simm.s32 @p2 $0x1  }
0x17: {  	s4 =	simm.s32 $0x1BF5;
	[smem:$0x3FB5] =	sst s0  }
0x18: {  	s0 =	sld [smem:$0x3F98];
	_ =	swait.ge [sflag:s4], $0x0  }
0x19: {  	s7 =	sld [smem:$0x3F99]  }
0x1a: {  	s8 =	sadd.s32 $0xFFFFE003, lr  }
0x1b: {  	s9 =	sadd.s32 $0xFFFFFEF7, lr;
	s5 =	simm.s32 $0xFFFFFFFF;
	p2 =	slt.u32 s8, $0xFFFFF086  }
0x1c: {  	p1 =	slt.u32 s9, $0xF7A;
	s5 =	simm.s32 @!p2 $0x0  }
0x1d: {  	s5 =	simm.s32 @p1 $0x1;
	p0 =	seq.s32 s7, s2  }
0x1e: {  	s7 =	smul.u32 @!p0 $0xF7A, s2;
	p2 =	seq.s32 @!p0 s5, $0x0  }
0x1f: {  	s9 =	smul.u32 $0xF7A, s1;
	s8 =	simm.s32 @!p0 $0x1BF5;
	p2 =	por !p2, p0  }
0x20: {  	[sflag:s8] =	ssyncset.s32 @!p0 $0xFFFFF086;
	s6 =	sadd.s32 @!p0 s3, s7;
	s7 =	simm.s32 @!p0 $0x108  }
0x21: {  	s3 =	sadd.s32 s3, s9;
	s6 =	sadd.s32 @!p0 $0x88, s6;
	s7 =	simm.s32 @p2 $0x1082  }
0x22: {  	[simem:s7], [sflag:s8] =	dma.local @!p0 [hbm:s6], $0xF7A  }
0x23: {  	s9 =	sor.u32 $0xD0000000, s2;
	s6 =	simm.s32 $0x108;
	_ =	swait.ge @!p0 [sflag:s8], $0x0  }
0x24: {  	s3 =	sadd.s32 $0x88, s3;
	s6 =	simm.s32 @!p1 $0x1082;
	[sflag:s4] =	ssyncset.s32 $0xFFFFF086  }
0x25: {  	[simem:s6], [sflag:s4] =	dma.local [hbm:s3], $0xF7A  }
0x26: {  	[smem:$0x3F99] =	sst s1;
	(tag) =	ssettag s2;
	_ =	strace s9  }
0x27: {  	s1 =	sld [smem:$0x3FA9]  }
0x28: {  	s2 =	sld [smem:$0x3FAA]  }
0x29: {  	s4 =	sld [smem:$0x3FAC]  }
0x2a: {  	p0 =	seq.s32 s5, $0x0;
	s5 =	sld [smem:$0x3FAD]  }
0x2b: {  	s6 =	sld [smem:$0x3FAE]  }
0x2c: {  	s7 =	sld [smem:$0x3FAF]  }
0x2d: {  	s3 =	simm.s32 $0x108;
	s8 =	sld [smem:$0x3FB0]  }
0x2e: {  	s3 =	simm.s32 @!p0 $0x1082;
	s9 =	sld [smem:$0x3FB1]  }
0x2f: {  	lr =	sadd.s32 s0, s3;
	s0 =	sld [smem:$0x3FA8]  }
0x30: {  	s3 =	sld [smem:$0x3FAB]  }
0x31: {  	[smem:$0x3FB4] =	sst s10  }
0x32: {  	s10 =	sld [smem:$0x3FB2];
	_ =	sdelay $0x3  }
0x33: {  	p0 =	seq.s32 s10, $0x1;
	s10 =	sld [smem:$0x3FB4];
	_ =	sdelay $0x3  }
0x34: {  	[smem:$0x3FB4] =	sst s10  }
0x35: {  	s10 =	sld [smem:$0x3FB3];
	_ =	sdelay $0x3  }
0x36: {  	p1 =	seq.s32 s10, $0x1;
	s10 =	sld [smem:$0x3FB4];
	_ =	sdelay $0x3  }
0x37: {  	[smem:$0x3FB4] =	sst s10  }
0x38: {  	s10 =	sld [smem:$0x3FB5]  }
0x39: {  	_ = 	snop;
	(pc) =	sbr.ind lr, $3  }
0x3a: {  	_ = 	snop  }
0x3b: {  	_ = 	snop  }
0x3c: {  	p2 =	seq.s32 s10, $0x1;
	s10 =	sld [smem:$0x3FB4]  }
0x3d: {  	_ =	shalt  }
0x3e: {  	_ =	shalt  }
0x3f: {  	_ =	shalt  }
0x40: {  	_ =	shalt  }
0x41: {  	_ =	shalt  }
0x42: {  	_ =	shalt  }
0x43: {  	_ =	shalt  }
0x44: {  	_ =	shalt  }
0x45: {  	_ =	shalt  }
0x46: {  	_ =	shalt  }
0x47: {  	_ =	shalt  }
0x48: {  	_ =	shalt  }
0x49: {  	_ =	shalt  }
0x4a: {  	_ =	shalt  }
0x4b: {  	_ =	shalt  }
0x4c: {  	_ =	shalt  }
0x4d: {  	_ =	shalt  }
0x4e: {  	_ =	shalt  }
0x4f: {  	_ =	shalt  }
0x50: {  	_ =	shalt  }
0x51: {  	_ =	shalt  }
0x52: {  	_ =	shalt  }
0x53: {  	_ =	shalt  }
0x54: {  	_ =	shalt  }
0x55: {  	_ =	shalt  }
0x56: {  	_ =	shalt  }
0x57: {  	_ =	shalt  }
0x58: {  	_ =	shalt  }
0x59: {  	_ =	shalt  }
0x5a: {  	_ =	shalt  }
0x5b: {  	_ =	shalt  }
0x5c: {  	_ =	shalt  }
0x5d: {  	_ =	shalt  }
0x5e: {  	_ =	shalt  }
0x5f: {  	_ =	shalt  }
0x60: {  	_ =	shalt  }
0x61: {  	_ =	shalt  }
0x62: {  	_ =	shalt  }
0x63: {  	_ =	shalt  }
0x64: {  	_ =	shalt  }
0x65: {  	_ =	shalt  }
0x66: {  	_ =	shalt  }
0x67: {  	_ =	shalt  }
0x68: {  	_ =	shalt  }
0x69: {  	_ =	shalt  }
0x6a: {  	_ =	shalt  }
0x6b: {  	_ =	shalt  }
0x6c: {  	_ =	shalt  }
0x6d: {  	_ =	shalt  }
0x6e: {  	_ =	shalt  }
0x6f: {  	_ =	shalt  }
0x70: {  	_ =	shalt  }
0x71: {  	_ =	shalt  }
0x72: {  	_ =	shalt  }
0x73: {  	_ =	shalt  }
0x74: {  	_ =	shalt  }
0x75: {  	_ =	shalt  }
0x76: {  	_ =	shalt  }
0x77: {  	_ =	shalt  }
0x78: {  	_ =	shalt  }
0x79: {  	_ =	shalt  }
0x7a: {  	_ =	shalt  }
0x7b: {  	_ =	shalt  }
0x7c: {  	_ =	shalt  }
0x7d: {  	_ =	shalt  }
0x7e: {  	_ =	shalt  }
0x7f: {  	_ =	shalt  }
0x80: {  	_ =	shalt  }
0x81: {  	_ =	shalt  }
0x82: {  	_ =	shalt  }
0x83: {  	_ =	shalt  }
0x84: {  	_ =	shalt  }
0x85: {  	_ =	shalt  }
0x86: {  	_ =	shalt  }
0x87: {  	_ =	shalt  }
.Lfunc_end0:
.L_simem_size_0:
called_computation.1_lowered:
.L_overlay_start_0:
0x88: {  	s2 =	sld [smem:$0x3FD9]  }
0x89: {  	s3 =	sld [smem:$0x3FFE];
	_ =	sdelay $0x1  }
0x8a: {  	s1 =	srdreg.scid  }
0x8b: {  	s0 =	sand.u32 $0x1, s1  }
0x8c: {  	s17 =	sshll.u32 s0, $0xA;
	s2 =	sadd.s32 s3, s2  }
0x8d: {  	s2 =	sadd.s32 s2, s17  }
0x8e: {  	[smem:$0x3FC0] =	sst s2  }
0x8f: {  	_ = 	snop  }
0x90: {  	s2 =	sld [smem:$0x3FD0];
	(tm) =	ssettm $0x1  }
0x91: {  	s18 =	sld [smem:$0x3FFB];
	_ =	sdelay $0x3  }
0x92: {  	_ =	strace s18  }
0x93: {  	s3 =	sld [smem:$0x3FFC];
	_ =	sdelay $0x3  }
0x94: {  	_ =	strace s3  }
0x95: {  	s3 =	sld [smem:$0x3FFD];
	_ =	sdelay $0x3  }
0x96: {  	_ =	strace s3  }
0x97: {  	_ =	strace $0x8FFFFFFF  }
0x98: {  	s19 =	sld [smem:$0x3FDB];
	_ =	sdelay $0x1  }
0x99: {  	s4 =	simm.s32 $_scs_section_size  }
0x9a: {  	s5 =	simm.s32 $_size__tile_overlayer_lowered;
	s6 =	simm.s32 $_tile_overlayer_lowered  }
0x9b: {  	s22 =	simm.s32 $0x1BFF;
	s21 =	sshll.u32 s6, $0x1;
	s3 =	sadd.s32 s4, s19  }
0x9c: {  	s7 =	simm.s32 $0x0;
	s20 =	sshll.u32 s5, $0x1;
	s5 =	sadd.s32 s21, s3  }
0x9d: {  	[timem:s7], [sflag:s22] =	dma.local [hbm:s5], s20  }
0x9e: {  	_ =	swait.ge [sflag:s22], s20  }
0x9f: {  	s4 =	ssub.s32 $0x0, s20;
	[sflag:s22] =	ssyncset.done $0x0  }
0xa0: {  	[sflag:s22] =	ssyncadd.s32 s4;
	_ =	sdelay $0x1  }
0xa1: {  	s23 =	simm.s32 $0x1B8B  }
0xa2: {  	_ =	swait.ge [sflag:s23], $0x1  }
0xa3: {  	[sflag:s23] =	ssyncset.done $0x0  }
0xa4: {  	s25 =	simm.s32 $0x1B8E;
	s24 =	sld [smem:$0x3FFE];
	[sflag:s23] =	ssyncadd.s32 $0xFFFFFFFF  }
0xa5: {  	s26 =	simm.s32 $execute0_lowered;
	[smem:$0x3FD2] =	sst s25  }
0xa6: {  	s5 =	sshll.u32 s26, $0x1;
	_ =	strace $0x80000049;
	[dreg:$0x1] =	wrdreg $0xFFFFFFFF  }
0xa7: {  	s28 =	simm.s32 $_size_execute0_lowered;
	s3 =	sadd.s32 s3, s5;
	[dreg:$0x0] =	wrdreg $0x0  }
0xa8: {  	s5 =	sshll.u32 s28, $0x1;
	[dreg:$0x2] =	wrdreg s3  }
0xa9: {  	[dreg:$0x3] =	wrdreg s5  }
0xaa: {  	[dreg:$0x4] =	wrdreg $0xC0  }
0xab: {  	_ =	task [dreg:s7], $0x5FFFF  }
0xac: {  	[dreg:$0x1] =	wrdreg $0xFFFFFFFF  }
0xad: {  	[dreg:$0x0] =	wrdreg $0x60  }
0xae: {  	[dreg:$0x2] =	wrdreg s2  }
0xaf: {  	[dreg:$0x3] =	wrdreg s24  }
0xb0: {  	[dreg:$0x4] =	wrdreg $0x84000  }
0xb1: {  	[dreg:$0x5] =	wrdreg $0x9  }
0xb2: {  	_ =	task.clear_ibuf [dreg:s7], $0x6FFFF;
	_ =	strace $0x90000049  }
0xb3: {  	s29 =	simm.s32 $0x9;
	_ =	strace $0x8000004B  }
0xb4: {  	_ =	swait.ge [sflag:s29], $0x1  }
0xb5: {  	[sflag:s29] =	ssyncadd.s32 $0xFFFFFFFF  }
0xb6: {  	_ =	strace $0x9000004B  }
0xb7: {  	_ =	sfence  }
0xb8: {  	s30 =	sld [smem:$0x0];
	_ =	sdelay $0x2  }
0xb9: {  	s31 =	sshll.u32 s1, $0xD;
	s1 =	sshrl.u32 s1, $0x2  }
0xba: {  	s3 =	sand.u32 $0x4000, s31;
	s1 =	sadd.s32 s1, s30  }
0xbb: {  	s0 =	sor.u32 s3, s0;
	s1 =	sshll.u32 s1, $0x11  }
0xbc: {  	s0 =	sor.u32 s1, s0  }
0xbd: {  	s0 =	sadd.s32 $0x8F2B, s0  }
0xbe: {  	[sflag:s0] =	ssyncadd.remote.s32 $0x1  }
0xbf: {  	_ =	sfence.sel $0xFFFF  }
0xc0: {  	[dreg:$0x0] =	wrdreg $0xFFFFFFFF;
	(pc) =	sbr.abs _section_cstart, $3  }
0xc1: {  	[dreg:$0x1] =	wrdreg $0xFFFFFFFF  }
0xc2: {  	_ =	task.clear_ibuf [dreg:s7], $0x2FFFF;
	_ =	strace $0x9FFFFFFF  }
0xc3: {  	(tm) =	ssettm $0x7FFFFFFF  }
tec
execute0_lowered:
.L_overlay_start_1:
0x0: {  	(tag) =	ssettag $0x1  }
0x1: {  	s1 =	rddreg [dreg:$0x0]  }
0x2: {  	s0 =	rddreg [dreg:$0x1]  }
0x3: {  	s2 =	rddreg [dreg:$0x2]  }
0x4: {  	s3 =	simm.s32 $0x0;
	s4 =	srdreg.scid;
	s17 =	stileid.u32  }
0x5: {  	s15 =	simm.s32 $0x400;
	s16 =	simm.s32 $0x2;
	s18 =	simm.s32 $0x80  }
0x6: {  	s19 =	simm.s32 $0x2400;
	s20 =	simm.s32 $0x100;
	s21 =	simm.s32 $0x4400  }
0x7: {  	s22 =	simm.s32 $0x180;
	s23 =	simm.s32 $0x6400;
	s24 =	simm.s32 $0x1  }
0x8: {  	s28 =	simm.s32 $0x380;
	s29 =	simm.s32 $0x0;
	[smem:$0x7FF] =	sst s3  }
0x9: {  	s12 =	sand.u32 $0x1, s4;
	s4 =	sadd.s32 $0x90600, s0;
	s5 =	sadd.s32 $0x86800, s0  }
0xa: {  	s6 =	sadd.s32 $0x1A00, s0;
	s25 =	ssub.s32 $0x5D, s17;
	s26 =	sshll.u32 s17, $0xD  }
0xb: {  	s14 =	sshll.u32 s17, $0x9;
	p0 =	sne.s32 s17, $0x0;
	_ =	strace $0x8000004A  }
0xc: {  	s7 =	smul.u32 $0x13880, s12;
	s8 =	ssub.s32 $0x2, s12;
	[dreg:$0x4] =	wrdreg s6  }
0xd: {  	s13 =	sshll.u32 s12, $0x4;
	s31 =	sshll.u32 s12, $0xD;
	s9 =	sshrl.u32 s8, $0x1  }
0xe: {  	s30 =	sor.u32 s13, s17;
	s13 =	sor.u32 s14, s31;
	s14 =	sshll.u32 s17, $0xA  }
0xf: {  	s17 =	simm.s32 $0x200;
	s0 =	sadd.s32 s7, s0;
	s11 =	ssub.s32 s8, s9  }
0x10: {  	s7 =	sshrl.u32 s25, $0x4;
	s8 =	sadd.s32 s26, s2;
	s9 =	sadd.s32 $0x9C000, s2  }
0x11: {  	s25 =	simm.s32 $0x280;
	s10 =	sadd.s32 $0x1E00, s0;
	s0 =	ssub.s32 $0x290, s30  }
0x12: {  	s26 =	simm.s32 $0x300;
	s11 =	smax.u32 s11, $0x1;
	s12 =	sshrl.u32 s0, $0x5  }
.LBB2_1:
0x13: {  	s0 =	rddreg [dreg:$0x4]  }
0x14: {  	[tilespmem:s15], [sflag:$0x2] =	stream.linear.gather [hbm4b:s0+s3], $0x2000, $0x38;
	[tilespmem:$0x12040] =	vst v63  }
0x15: {  	p1 =	sne.s32 s7, $0x1;
	_ =	swait.ge [sflag:s16], $0x2000  }
.Ltmp0:
0x16: {  	[sflag:s16] =	ssyncset.done $0x0;
	(pc) =	sbr.rel @!p1 .LBB2_3-.Ltmp0, $4  }
0x17: {  	[sflag:s16] =	ssyncadd.s32 $0xFFFFE000  }
0x18: {  	[spmem:s8] =	stream.linear.scatter [tilespmem:s15], [sflag:$0x2], $0x2000, $0x38;
	[tilespmem:$0x12040] =	vst v63  }
0x19: {  	_ =	swait.ge [sflag:s16], $0x2000  }
0x1a: {  	s30 =	smov.u32 s8;
	s0 =	sadd.s32 $0xFFFFFFFF, s7;
	[sflag:s16] =	ssyncset.done $0x0  }
.LBB2_2:
0x1b: {  	p2 =	sne.s32 s0, $0x1;
	[sflag:s16] =	ssyncadd.s32 $0xFFFFE000;
	s30 =	sadd.s32 $0x20000, s30  }
.Ltmp1:
0x1c: {  	s0 =	sadd.s32 $0xFFFFFFFF, s0;
	(pc) =	sbr.rel @p2 .LBB2_2-.Ltmp1, $4  }
0x1d: {  	_ = 	snop  }
0x1e: {  	[spmem:s30] =	stream.linear.scatter [tilespmem:s15], [sflag:$0x2], $0x2000, $0x38;
	[tilespmem:$0x12040] =	vst v63  }
0x1f: {  	_ =	swait.ge [sflag:s16], $0x2000  }
0x20: {  	[sflag:s16] =	ssyncset.done $0x0  }
.LBB2_3:
0x21: {  	[sflag:s16] =	ssyncadd.s32 $0xFFFFE000;
	s0 =	simm.s32 @!p0 $0x400  }
0x22: {  	[spmem:s9] =	stream.linear.scatter @!p0 [tilespmem:s0], [sflag:$0x2], $0x400, $0x38;
	[tilespmem:$0x12040] =	vst v63  }
0x23: {  	p3 =	sne.s32 s12, $0x1;
	s0 =	simm.s32 @!p0 $0x2  }
.Ltmp2:
0x24: {  	_ =	swait.ge @!p0 [sflag:s0], $0x400;
	(pc) =	sbr.rel @!p3 .LBB2_6-.Ltmp2, $4  }
0x25: {  	[sflag:s0] =	ssyncset.done @!p0 $0x0  }
0x26: {  	[sflag:s0] =	ssyncadd.s32 @!p0 $0xFFFFFC00  }
0x27: {  	[bflag:$0x0] =	sbarrier.arrive $0xFFFF  }
0x28: {  	s30 =	sadd.s32 $0xFFFFFFFF, s12;
	p2 =	por $0x0, $0x0;
	s0 =	sshrl.u32 s13, $0x3  }
0x29: {  	s31 =	sadd.s32 s4, s0  }
0x2a: {  	[tilespmem:s3], [sflag:$0x2] =	stream.linear.gather [hbm4b:s31+s3], $0x200, $0x38;
	[tilespmem:$0x12040] =	vst v63  }
0x2b: {  	_ =	swait.ge [sflag:s16], $0x200  }
0x2c: {  	[sflag:s16] =	ssyncset.done $0x0  }
0x2d: {  	s6 =	sadd.s32 s5, s0;
	[sflag:s16] =	ssyncadd.s32 $0xFFFFFE00  }
0x2e: {  	[tilespmem:s17], [sflag:$0x2] =	stream.linear.gather [hbm4b:s6+s3], $0x200, $0x38;
	[tilespmem:$0x12040] =	vst v63  }
0x2f: {  	_ =	swait.ge [sflag:s16], $0x200  }
0x30: {  	[sflag:s16] =	ssyncset.done $0x0  }
0x31: {  	[sflag:s16] =	ssyncadd.s32 $0xFFFFFE00  }
0x32: {  	[tilespmem:s15], [sflag:$0x1] =	stream.indirect.gather [hbm4b:s1+s18], $0x40, s3, s18, $0xb8;
	[tilespmem:$0x12040] =	vst v63  }
0x33: {  	_ = 	snop  }
0x34: {  	[tilespmem:s19], [sflag:$0x1] =	stream.indirect.gather [hbm4b:s1+s18], $0x40, s18, s18, $0xb8;
	[tilespmem:$0x12040] =	vst v63  }
0x35: {  	_ = 	snop  }
0x36: {  	[tilespmem:s21], [sflag:$0x1] =	stream.indirect.gather [hbm4b:s1+s18], $0x40, s20, s18, $0xb8;
	[tilespmem:$0x12040] =	vst v63  }
0x37: {  	_ = 	snop  }
0x38: {  	[tilespmem:s23], [sflag:$0x1] =	stream.indirect.gather [hbm4b:s1+s18], $0x40, s22, s18, $0xb8;
	[tilespmem:$0x12040] =	vst v63  }
0x39: {  	_ =	swait.ge [sflag:s24], $0x2000  }
0x3a: {  	[sflag:s24] =	ssyncset.done $0x0  }
0x3b: {  	[sflag:s24] =	ssyncadd.s32 $0xFFFFE000  }
0x3c: {  	_ =	swait.ge [sflag:s24], $0x2000  }
0x3d: {  	[sflag:s24] =	ssyncset.done $0x0  }
0x3e: {  	[sflag:s24] =	ssyncadd.s32 $0xFFFFE000  }
0x3f: {  	_ =	swait.ge [sflag:s24], $0x2000  }
0x40: {  	[sflag:s24] =	ssyncset.done $0x0  }
0x41: {  	[sflag:s24] =	ssyncadd.s32 $0xFFFFE000  }
0x42: {  	_ =	swait.ge [sflag:s24], $0x2000  }
0x43: {  	[sflag:s24] =	ssyncset.done $0x0  }
0x44: {  	[sflag:s24] =	ssyncadd.s32 $0xFFFFE000  }
0x45: {  	[spmem:s2] =	stream.indirect.scatter.add.f32 [tilespmem:s15], [sflag:$0x2], $0x40, s17, s18, $0xb8;
	[tilespmem:$0x12040] =	vst v63  }
0x46: {  	_ =	swait.ge [sflag:s16], $0x2000  }
0x47: {  	[sflag:s16] =	ssyncset.done $0x0  }
0x48: {  	[sflag:s16] =	ssyncadd.s32 $0xFFFFE000  }
0x49: {  	[spmem:s2] =	stream.indirect.scatter.add.f32 [tilespmem:s19], [sflag:$0x2], $0x40, s25, s18, $0xb8;
	[tilespmem:$0x12040] =	vst v63  }
0x4a: {  	_ =	swait.ge [sflag:s16], $0x2000  }
0x4b: {  	[sflag:s16] =	ssyncset.done $0x0  }
0x4c: {  	[sflag:s16] =	ssyncadd.s32 $0xFFFFE000  }
0x4d: {  	[spmem:s2] =	stream.indirect.scatter.add.f32 [tilespmem:s21], [sflag:$0x2], $0x40, s26, s18, $0xb8;
	[tilespmem:$0x12040] =	vst v63  }
0x4e: {  	p3 =	sne.s32 s30, $0x1;
	_ =	swait.ge [sflag:s16], $0x2000  }
.Ltmp3:
0x4f: {  	[sflag:s16] =	ssyncset.done $0x0;
	(pc) =	sbr.rel @!p3 .LBB2_6-.Ltmp3, $4  }
0x50: {  	[sflag:s16] =	ssyncadd.s32 $0xFFFFE000  }
0x51: {  	[spmem:s2] =	stream.indirect.scatter.add.f32 [tilespmem:s23], [sflag:$0x2], $0x40, s28, s18, $0xb8;
	[tilespmem:$0x12040] =	vst v63  }
0x52: {  	s30 =	sadd.s32 $0xFFFFFFFF, s30;
	s31 =	sadd.s32 $0x4000, s13;
	_ =	swait.ge [sflag:s16], $0x2000  }
0x53: {  	p2 =	por $0x1, $0x1;
	s0 =	sshrl.u32 s31, $0x3;
	[sflag:s16] =	ssyncset.done $0x0  }
.LBB2_5:
0x54: {  	p3 =	sne.s32 s30, $0x1;
	s6 =	sadd.s32 s4, s0;
	[sflag:s16] =	ssyncadd.s32 $0xFFFFE000  }
0x55: {  	[tilespmem:s3], [sflag:$0x2] =	stream.linear.gather [hbm4b:s6+s3], $0x200, $0x38;
	[tilespmem:$0x12040] =	vst v63  }
0x56: {  	s30 =	sadd.s32 $0xFFFFFFFF, s30;
	_ =	swait.ge [sflag:s16], $0x200  }
0x57: {  	[sflag:s16] =	ssyncset.done $0x0  }
0x58: {  	s0 =	sadd.s32 s5, s0;
	[sflag:s16] =	ssyncadd.s32 $0xFFFFFE00  }
0x59: {  	[tilespmem:s17], [sflag:$0x2] =	stream.linear.gather [hbm4b:s0+s3], $0x200, $0x38;
	[tilespmem:$0x12040] =	vst v63  }
0x5a: {  	_ =	swait.ge [sflag:s16], $0x200  }
0x5b: {  	[sflag:s16] =	ssyncset.done $0x0  }
0x5c: {  	[sflag:s16] =	ssyncadd.s32 $0xFFFFFE00  }
0x5d: {  	[tilespmem:s15], [sflag:$0x1] =	stream.indirect.gather [hbm4b:s1+s18], $0x40, s3, s18, $0xb8;
	[tilespmem:$0x12040] =	vst v63  }
0x5e: {  	_ = 	snop  }
0x5f: {  	[tilespmem:s19], [sflag:$0x1] =	stream.indirect.gather [hbm4b:s1+s18], $0x40, s18, s18, $0xb8;
	[tilespmem:$0x12040] =	vst v63  }
0x60: {  	_ = 	snop  }
0x61: {  	[tilespmem:s21], [sflag:$0x1] =	stream.indirect.gather [hbm4b:s1+s18], $0x40, s20, s18, $0xb8;
	[tilespmem:$0x12040] =	vst v63  }
0x62: {  	_ = 	snop  }
0x63: {  	[tilespmem:s23], [sflag:$0x1] =	stream.indirect.gather [hbm4b:s1+s18], $0x40, s22, s18, $0xb8;
	[tilespmem:$0x12040] =	vst v63  }
0x64: {  	_ =	swait.ge [sflag:s24], $0x2000  }
0x65: {  	[sflag:s24] =	ssyncset.done $0x0  }
0x66: {  	[sflag:s24] =	ssyncadd.s32 $0xFFFFE000  }
0x67: {  	_ =	swait.ge [sflag:s24], $0x2000  }
0x68: {  	[sflag:s24] =	ssyncset.done $0x0  }
0x69: {  	[sflag:s24] =	ssyncadd.s32 $0xFFFFE000  }
0x6a: {  	_ =	swait.ge [sflag:s24], $0x2000  }
0x6b: {  	[sflag:s24] =	ssyncset.done $0x0  }
0x6c: {  	[sflag:s24] =	ssyncadd.s32 $0xFFFFE000  }
0x6d: {  	_ =	swait.ge [sflag:s24], $0x2000  }
0x6e: {  	[sflag:s24] =	ssyncset.done $0x0  }
0x6f: {  	[sflag:s24] =	ssyncadd.s32 $0xFFFFE000  }
0x70: {  	[spmem:s2] =	stream.indirect.scatter.add.f32 [tilespmem:s15], [sflag:$0x2], $0x40, s17, s18, $0xb8;
	[tilespmem:$0x12040] =	vst v63  }
0x71: {  	_ =	swait.ge [sflag:s16], $0x2000  }
0x72: {  	[sflag:s16] =	ssyncset.done $0x0  }
0x73: {  	[sflag:s16] =	ssyncadd.s32 $0xFFFFE000  }
0x74: {  	[spmem:s2] =	stream.indirect.scatter.add.f32 [tilespmem:s19], [sflag:$0x2], $0x40, s25, s18, $0xb8;
	[tilespmem:$0x12040] =	vst v63  }
0x75: {  	_ =	swait.ge [sflag:s16], $0x2000  }
0x76: {  	[sflag:s16] =	ssyncset.done $0x0  }
0x77: {  	[sflag:s16] =	ssyncadd.s32 $0xFFFFE000  }
0x78: {  	[spmem:s2] =	stream.indirect.scatter.add.f32 [tilespmem:s21], [sflag:$0x2], $0x40, s26, s18, $0xb8;
	[tilespmem:$0x12040] =	vst v63  }
0x79: {  	_ =	swait.ge [sflag:s16], $0x2000  }
.Ltmp4:
0x7a: {  	[sflag:s16] =	ssyncset.done $0x0;
	(pc) =	sbr.rel @p3 .LBB2_5-.Ltmp4, $4  }
0x7b: {  	[sflag:s16] =	ssyncadd.s32 $0xFFFFE000  }
0x7c: {  	[spmem:s2] =	stream.indirect.scatter.add.f32 [tilespmem:s23], [sflag:$0x2], $0x40, s28, s18, $0xb8;
	[tilespmem:$0x12040] =	vst v63  }
0x7d: {  	s31 =	sadd.s32 $0x4000, s31;
	_ =	swait.ge [sflag:s16], $0x2000  }
0x7e: {  	s0 =	sshrl.u32 s31, $0x3;
	[sflag:s16] =	ssyncset.done $0x0  }
.LBB2_6:
0x7f: {  	s6 =	sadd.s32 s4, s0;
	[sflag:s16] =	ssyncadd.s32 @p2 $0xFFFFE000  }
0x80: {  	[tilespmem:s3], [sflag:$0x2] =	stream.linear.gather [hbm4b:s6+s3], $0x200, $0x38;
	[tilespmem:$0x12040] =	vst v63  }
0x81: {  	_ =	swait.ge [sflag:s16], $0x200  }
0x82: {  	[sflag:s16] =	ssyncset.done $0x0  }
0x83: {  	s6 =	sadd.s32 s5, s0;
	[sflag:s16] =	ssyncadd.s32 $0xFFFFFE00  }
0x84: {  	[tilespmem:s17], [sflag:$0x2] =	stream.linear.gather [hbm4b:s6+s3], $0x200, $0x38;
	[tilespmem:$0x12040] =	vst v63  }
0x85: {  	_ =	swait.ge [sflag:s16], $0x200  }
0x86: {  	[sflag:s16] =	ssyncset.done $0x0  }
0x87: {  	[sflag:s16] =	ssyncadd.s32 $0xFFFFFE00  }
0x88: {  	[tilespmem:s15], [sflag:$0x1] =	stream.indirect.gather [hbm4b:s1+s18], $0x40, s3, s18, $0xb8;
	[tilespmem:$0x12040] =	vst v63  }
0x89: {  	_ = 	snop  }
0x8a: {  	[tilespmem:s19], [sflag:$0x1] =	stream.indirect.gather [hbm4b:s1+s18], $0x40, s18, s18, $0xb8;
	[tilespmem:$0x12040] =	vst v63  }
0x8b: {  	_ = 	snop  }
0x8c: {  	[tilespmem:s21], [sflag:$0x1] =	stream.indirect.gather [hbm4b:s1+s18], $0x40, s20, s18, $0xb8;
	[tilespmem:$0x12040] =	vst v63  }
0x8d: {  	_ = 	snop  }
0x8e: {  	[tilespmem:s23], [sflag:$0x1] =	stream.indirect.gather [hbm4b:s1+s18], $0x40, s22, s18, $0xb8;
	[tilespmem:$0x12040] =	vst v63  }
0x8f: {  	_ =	swait.ge [sflag:s24], $0x2000  }
0x90: {  	[sflag:s24] =	ssyncset.done $0x0  }
0x91: {  	[sflag:s24] =	ssyncadd.s32 $0xFFFFE000  }
0x92: {  	_ =	swait.ge [sflag:s24], $0x2000  }
0x93: {  	[sflag:s24] =	ssyncset.done $0x0  }
0x94: {  	[sflag:s24] =	ssyncadd.s32 $0xFFFFE000  }
0x95: {  	_ =	swait.ge [sflag:s24], $0x2000  }
0x96: {  	[sflag:s24] =	ssyncset.done $0x0  }
0x97: {  	[sflag:s24] =	ssyncadd.s32 $0xFFFFE000  }
0x98: {  	_ =	swait.ge [sflag:s24], $0x2000  }
0x99: {  	[sflag:s24] =	ssyncset.done $0x0  }
0x9a: {  	[sflag:s24] =	ssyncadd.s32 $0xFFFFE000  }
0x9b: {  	[spmem:s2] =	stream.indirect.scatter.add.f32 [tilespmem:s15], [sflag:$0x2], $0x40, s17, s18, $0xb8;
	[tilespmem:$0x12040] =	vst v63  }
0x9c: {  	_ =	swait.ge [sflag:s16], $0x2000  }
0x9d: {  	[sflag:s16] =	ssyncset.done $0x0  }
0x9e: {  	[sflag:s16] =	ssyncadd.s32 $0xFFFFE000  }
0x9f: {  	[spmem:s2] =	stream.indirect.scatter.add.f32 [tilespmem:s19], [sflag:$0x2], $0x40, s25, s18, $0xb8;
	[tilespmem:$0x12040] =	vst v63  }
0xa0: {  	_ =	swait.ge [sflag:s16], $0x2000  }
0xa1: {  	[sflag:s16] =	ssyncset.done $0x0  }
0xa2: {  	[sflag:s16] =	ssyncadd.s32 $0xFFFFE000  }
0xa3: {  	[spmem:s2] =	stream.indirect.scatter.add.f32 [tilespmem:s21], [sflag:$0x2], $0x40, s26, s18, $0xb8;
	[tilespmem:$0x12040] =	vst v63  }
0xa4: {  	_ =	swait.ge [sflag:s16], $0x2000  }
0xa5: {  	[sflag:s16] =	ssyncset.done $0x0  }
0xa6: {  	[sflag:s16] =	ssyncadd.s32 $0xFFFFE000  }
0xa7: {  	[spmem:s2] =	stream.indirect.scatter.add.f32 [tilespmem:s23], [sflag:$0x2], $0x40, s28, s18, $0xb8;
	[tilespmem:$0x12040] =	vst v63  }
0xa8: {  	_ =	swait.ge [sflag:s16], $0x2000  }
0xa9: {  	[sflag:s16] =	ssyncset.done $0x0  }
0xaa: {  	[sflag:s16] =	ssyncadd.s32 $0xFFFFE000  }
0xab: {  	[bflag:$0x0] =	sbarrier.arrive $0xFFFF  }
0xac: {  	[tilespmem:s15], [sflag:$0x2] =	stream.linear.gather [spmem:s8], $0x2000, $0x38;
	[tilespmem:$0x12040] =	vst v63  }
0xad: {  	_ =	swait.ge [sflag:s16], $0x2000  }
.Ltmp5:
0xae: {  	[sflag:s16] =	ssyncset.done $0x0;
	(pc) =	sbr.rel @!p1 .LBB2_8-.Ltmp5, $4  }
0xaf: {  	s6 =	sadd.s32 s14, s10;
	[sflag:s16] =	ssyncadd.s32 $0xFFFFE000  }
0xb0: {  	[hbm4b:s6+s3] =	stream.linear.scatter [tilespmem:s15], [sflag:$0x2], $0x2000, $0x38;
	[tilespmem:$0x12040] =	vst v63  }
0xb1: {  	s30 =	smov.u32 s8;
	_ =	swait.ge [sflag:s16], $0x2000  }
0xb2: {  	s31 =	smov.u32 s14;
	s0 =	sadd.s32 $0xFFFFFFFF, s7;
	[sflag:s16] =	ssyncset.done $0x0  }
.LBB2_7:
0xb3: {  	[sflag:s16] =	ssyncadd.s32 $0xFFFFE000;
	s30 =	sadd.s32 $0x20000, s30;
	s31 =	sadd.s32 $0x4000, s31  }
0xb4: {  	[tilespmem:s15], [sflag:$0x2] =	stream.linear.gather [spmem:s30], $0x2000, $0x38;
	[tilespmem:$0x12040] =	vst v63  }
0xb5: {  	p1 =	sne.s32 s0, $0x1;
	s0 =	sadd.s32 $0xFFFFFFFF, s0;
	_ =	swait.ge [sflag:s16], $0x2000  }
.Ltmp6:
0xb6: {  	[sflag:s16] =	ssyncset.done $0x0;
	(pc) =	sbr.rel @p1 .LBB2_7-.Ltmp6, $4  }
0xb7: {  	s6 =	sadd.s32 s31, s10;
	[sflag:s16] =	ssyncadd.s32 $0xFFFFE000  }
0xb8: {  	[hbm4b:s6+s3] =	stream.linear.scatter [tilespmem:s15], [sflag:$0x2], $0x2000, $0x38;
	[tilespmem:$0x12040] =	vst v63  }
0xb9: {  	_ =	swait.ge [sflag:s16], $0x2000  }
0xba: {  	[sflag:s16] =	ssyncset.done $0x0  }
.LBB2_8:
0xbb: {  	[sflag:s16] =	ssyncadd.s32 $0xFFFFE000;
	s0 =	simm.s32 @!p0 $0x400;
	s6 =	simm.s32 @!p0 $0x2  }
0xbc: {  	[tilespmem:s0], [sflag:$0x2] =	stream.linear.gather @!p0 [spmem:s9], $0x400, $0x38;
	[tilespmem:$0x12040] =	vst v63  }
0xbd: {  	s29 =	sadd.s32 $0x1, s29;
	_ =	swait.ge @!p0 [sflag:s6], $0x400  }
0xbe: {  	s30 =	sadd.s32 @!p0 $0x13800, s10;
	p1 =	sne.s32 s29, s11;
	[sflag:s6] =	ssyncset.done @!p0 $0x0  }
.Ltmp7:
0xbf: {  	s31 =	simm.s32 @!p0 $0x0;
	[sflag:s6] =	ssyncadd.s32 @!p0 $0xFFFFFC00;
	(pc) =	sbr.rel @p1 .LBB2_1-.Ltmp7, $4  }
0xc0: {  	[hbm4b:s30+s31] =	stream.linear.scatter @!p0 [tilespmem:s0], [sflag:$0x2], $0x400, $0x38;
	[tilespmem:$0x12040] =	vst v63  }
0xc1: {  	_ =	swait.ge @!p0 [sflag:s6], $0x400  }
0xc2: {  	[sflag:s6] =	ssyncset.done @!p0 $0x0  }
0xc3: {  	[sflag:s6] =	ssyncadd.s32 @!p0 $0xFFFFFC00  }
0xc4: {  	_ =	sfence.sel $0x180000  }
0xc5: {  	[bflag:$0x0] =	sbarrier.arrive $0xFFFF  }
0xc6: {  	_ =	strace $0x9000004A  }
0xc7: {  	[bflag:$0x2] =	sbarrier.arrive $0xFFFF  }
0xc8: {  	s0 =	rddreg [dreg:$0x3]  }
0xc9: {  	s0 =	sadd.s32 @!p0 $0x100000, s0  }
0xca: {  	[sflag:s0] =	ssyncadd.tile.s32 @!p0 $0x1;
	_ =	shalt  }
.Lfunc_end2:
_tile_overlayer_lowered:
.L_overlay_start_2:
0xcb: {  	(tag) =	ssettag $0x2  }
0xcc: {  	s0 =	rddreg [dreg:$0x0];
	s2 =	stileid.u32  }
0xcd: {  	s1 =	rddreg [dreg:$0x1];
	p0 =	sne.s32 s2, $0x0  }
0xce: {  	s3 =	rddreg [dreg:$0x2];
	[bflag:$0x3] =	sbarrier.arrive $0xFFFF;
	s2 =	simm.s32 @!p0 $0x1C02  }
0xcf: {  	[timem:s3], [sflag:s2] =	dma.local @!p0 [hbm:s0], s1  }
0xd0: {  	s0 =	simm.s32 @!p0 $0x2  }
0xd1: {  	_ =	swait.ge @!p0 [sflag:s0], s1  }
0xd2: {  	s1 =	ssub.s32 @!p0 $0x0, s1;
	[sflag:s0] =	ssyncset.done @!p0 $0x0  }
0xd3: {  	[sflag:s0] =	ssyncadd.s32 @!p0 s1  }
0xd4: {  	[bflag:$0x3] =	sbarrier.arrive $0xFFFF  }
0xd5: {  	_ =	shalt  }

// kernel: kernel.7.cloned.1.call-start
scs
__scs_entry_jumppad:
0x0: {  	(pc) =	sbr.rel $0x88, $3  }
0x1: {  	(tag) =	ssettag $0x0;
	lr =	simm.s32 $0x1  }
0x2: {  	[smem:$0x3F99] =	sst lr;
	_ =	strace $0xD0000000  }
0x3: {  	_ = 	snop  }
0x4: {  	_ = 	snop  }
0x5: {  	_ = 	snop  }
0x6: {  	_ = 	snop  }
0x7: {  	_ = 	snop  }
__scs_overlays_trampoline_lowered:
0x8: {  	[smem:$0x3FA8] =	sst s0  }
0x9: {  	[smem:$0x3FA9] =	sst s1  }
0xa: {  	[smem:$0x3FAA] =	sst s2  }
0xb: {  	[smem:$0x3FAB] =	sst s3  }
0xc: {  	[smem:$0x3FAC] =	sst s4  }
0xd: {  	[smem:$0x3FAD] =	sst s5  }
0xe: {  	[smem:$0x3FAE] =	sst s6  }
0xf: {  	[smem:$0x3FAF] =	sst s7  }
0x10: {  	[smem:$0x3FB0] =	sst s8  }
0x11: {  	[smem:$0x3FB1] =	sst s9;
	s0 =	simm.s32 @!p0 $0x0  }
0x12: {  	s1 =	sld [smem:$0x3F97];
	s0 =	simm.s32 @p0 $0x1  }
0x13: {  	[smem:$0x3FB2] =	sst s0;
	s0 =	simm.s32 @!p1 $0x0  }
0x14: {  	s2 =	sld [smem:$0x3F96];
	s0 =	simm.s32 @p1 $0x1  }
0x15: {  	[smem:$0x3FB3] =	sst s0;
	s0 =	simm.s32 @!p2 $0x0  }
0x16: {  	s3 =	sld [smem:$0x3FDB];
	s0 =	simm.s32 @p2 $0x1  }
0x17: {  	s4 =	simm.s32 $0x1BF5;
	[smem:$0x3FB5] =	sst s0  }
0x18: {  	s0 =	sld [smem:$0x3F98];
	_ =	swait.ge [sflag:s4], $0x0  }
0x19: {  	s7 =	sld [smem:$0x3F99]  }
0x1a: {  	s8 =	sadd.s32 $0xFFFFE003, lr  }
0x1b: {  	s9 =	sadd.s32 $0xFFFFFEF7, lr;
	s5 =	simm.s32 $0xFFFFFFFF;
	p2 =	slt.u32 s8, $0xFFFFF086  }
0x1c: {  	p1 =	slt.u32 s9, $0xF7A;
	s5 =	simm.s32 @!p2 $0x0  }
0x1d: {  	s5 =	simm.s32 @p1 $0x1;
	p0 =	seq.s32 s7, s2  }
0x1e: {  	s7 =	smul.u32 @!p0 $0xF7A, s2;
	p2 =	seq.s32 @!p0 s5, $0x0  }
0x1f: {  	s9 =	smul.u32 $0xF7A, s1;
	s8 =	simm.s32 @!p0 $0x1BF5;
	p2 =	por !p2, p0  }
0x20: {  	[sflag:s8] =	ssyncset.s32 @!p0 $0xFFFFF086;
	s6 =	sadd.s32 @!p0 s3, s7;
	s7 =	simm.s32 @!p0 $0x108  }
0x21: {  	s3 =	sadd.s32 s3, s9;
	s6 =	sadd.s32 @!p0 $0x88, s6;
	s7 =	simm.s32 @p2 $0x1082  }
0x22: {  	[simem:s7], [sflag:s8] =	dma.local @!p0 [hbm:s6], $0xF7A  }
0x23: {  	s9 =	sor.u32 $0xD0000000, s2;
	s6 =	simm.s32 $0x108;
	_ =	swait.ge @!p0 [sflag:s8], $0x0  }
0x24: {  	s3 =	sadd.s32 $0x88, s3;
	s6 =	simm.s32 @!p1 $0x1082;
	[sflag:s4] =	ssyncset.s32 $0xFFFFF086  }
0x25: {  	[simem:s6], [sflag:s4] =	dma.local [hbm:s3], $0xF7A  }
0x26: {  	[smem:$0x3F99] =	sst s1;
	(tag) =	ssettag s2;
	_ =	strace s9  }
0x27: {  	s1 =	sld [smem:$0x3FA9]  }
0x28: {  	s2 =	sld [smem:$0x3FAA]  }
0x29: {  	s4 =	sld [smem:$0x3FAC]  }
0x2a: {  	p0 =	seq.s32 s5, $0x0;
	s5 =	sld [smem:$0x3FAD]  }
0x2b: {  	s6 =	sld [smem:$0x3FAE]  }
0x2c: {  	s7 =	sld [smem:$0x3FAF]  }
0x2d: {  	s3 =	simm.s32 $0x108;
	s8 =	sld [smem:$0x3FB0]  }
0x2e: {  	s3 =	simm.s32 @!p0 $0x1082;
	s9 =	sld [smem:$0x3FB1]  }
0x2f: {  	lr =	sadd.s32 s0, s3;
	s0 =	sld [smem:$0x3FA8]  }
0x30: {  	s3 =	sld [smem:$0x3FAB]  }
0x31: {  	[smem:$0x3FB4] =	sst s10  }
0x32: {  	s10 =	sld [smem:$0x3FB2];
	_ =	sdelay $0x3  }
0x33: {  	p0 =	seq.s32 s10, $0x1;
	s10 =	sld [smem:$0x3FB4];
	_ =	sdelay $0x3  }
0x34: {  	[smem:$0x3FB4] =	sst s10  }
0x35: {  	s10 =	sld [smem:$0x3FB3];
	_ =	sdelay $0x3  }
0x36: {  	p1 =	seq.s32 s10, $0x1;
	s10 =	sld [smem:$0x3FB4];
	_ =	sdelay $0x3  }
0x37: {  	[smem:$0x3FB4] =	sst s10  }
0x38: {  	s10 =	sld [smem:$0x3FB5]  }
0x39: {  	_ = 	snop;
	(pc) =	sbr.ind lr, $3  }
0x3a: {  	_ = 	snop  }
0x3b: {  	_ = 	snop  }
0x3c: {  	p2 =	seq.s32 s10, $0x1;
	s10 =	sld [smem:$0x3FB4]  }
0x3d: {  	_ =	shalt  }
0x3e: {  	_ =	shalt  }
0x3f: {  	_ =	shalt  }
0x40: {  	_ =	shalt  }
0x41: {  	_ =	shalt  }
0x42: {  	_ =	shalt  }
0x43: {  	_ =	shalt  }
0x44: {  	_ =	shalt  }
0x45: {  	_ =	shalt  }
0x46: {  	_ =	shalt  }
0x47: {  	_ =	shalt  }
0x48: {  	_ =	shalt  }
0x49: {  	_ =	shalt  }
0x4a: {  	_ =	shalt  }
0x4b: {  	_ =	shalt  }
0x4c: {  	_ =	shalt  }
0x4d: {  	_ =	shalt  }
0x4e: {  	_ =	shalt  }
0x4f: {  	_ =	shalt  }
0x50: {  	_ =	shalt  }
0x51: {  	_ =	shalt  }
0x52: {  	_ =	shalt  }
0x53: {  	_ =	shalt  }
0x54: {  	_ =	shalt  }
0x55: {  	_ =	shalt  }
0x56: {  	_ =	shalt  }
0x57: {  	_ =	shalt  }
0x58: {  	_ =	shalt  }
0x59: {  	_ =	shalt  }
0x5a: {  	_ =	shalt  }
0x5b: {  	_ =	shalt  }
0x5c: {  	_ =	shalt  }
0x5d: {  	_ =	shalt  }
0x5e: {  	_ =	shalt  }
0x5f: {  	_ =	shalt  }
0x60: {  	_ =	shalt  }
0x61: {  	_ =	shalt  }
0x62: {  	_ =	shalt  }
0x63: {  	_ =	shalt  }
0x64: {  	_ =	shalt  }
0x65: {  	_ =	shalt  }
0x66: {  	_ =	shalt  }
0x67: {  	_ =	shalt  }
0x68: {  	_ =	shalt  }
0x69: {  	_ =	shalt  }
0x6a: {  	_ =	shalt  }
0x6b: {  	_ =	shalt  }
0x6c: {  	_ =	shalt  }
0x6d: {  	_ =	shalt  }
0x6e: {  	_ =	shalt  }
0x6f: {  	_ =	shalt  }
0x70: {  	_ =	shalt  }
0x71: {  	_ =	shalt  }
0x72: {  	_ =	shalt  }
0x73: {  	_ =	shalt  }
0x74: {  	_ =	shalt  }
0x75: {  	_ =	shalt  }
0x76: {  	_ =	shalt  }
0x77: {  	_ =	shalt  }
0x78: {  	_ =	shalt  }
0x79: {  	_ =	shalt  }
0x7a: {  	_ =	shalt  }
0x7b: {  	_ =	shalt  }
0x7c: {  	_ =	shalt  }
0x7d: {  	_ =	shalt  }
0x7e: {  	_ =	shalt  }
0x7f: {  	_ =	shalt  }
0x80: {  	_ =	shalt  }
0x81: {  	_ =	shalt  }
0x82: {  	_ =	shalt  }
0x83: {  	_ =	shalt  }
0x84: {  	_ =	shalt  }
0x85: {  	_ =	shalt  }
0x86: {  	_ =	shalt  }
0x87: {  	_ =	shalt  }
.Lfunc_end0:
.L_simem_size_0:
called_computation_lowered:
.L_overlay_start_0:
0x88: {  	s2 =	sld [smem:$0x3FD9]  }
0x89: {  	s3 =	sld [smem:$0x3FFE];
	_ =	sdelay $0x1  }
0x8a: {  	s1 =	srdreg.scid  }
0x8b: {  	s0 =	sand.u32 $0x1, s1  }
0x8c: {  	s17 =	sshll.u32 s0, $0xA;
	s2 =	sadd.s32 s3, s2  }
0x8d: {  	s2 =	sadd.s32 s2, s17  }
0x8e: {  	[smem:$0x3FC0] =	sst s2  }
0x8f: {  	_ = 	snop  }
0x90: {  	s2 =	sld [smem:$0x3FD0];
	(tm) =	ssettm $0x1  }
0x91: {  	s18 =	sld [smem:$0x3FFB];
	_ =	sdelay $0x3  }
0x92: {  	_ =	strace s18  }
0x93: {  	s3 =	sld [smem:$0x3FFC];
	_ =	sdelay $0x3  }
0x94: {  	_ =	strace s3  }
0x95: {  	s3 =	sld [smem:$0x3FFD];
	_ =	sdelay $0x3  }
0x96: {  	_ =	strace s3  }
0x97: {  	_ =	strace $0x8FFFFFFF  }
0x98: {  	s19 =	sld [smem:$0x3FDB];
	_ =	sdelay $0x1  }
0x99: {  	s4 =	simm.s32 $_scs_section_size  }
0x9a: {  	s5 =	simm.s32 $_size__tile_overlayer_lowered;
	s6 =	simm.s32 $_tile_overlayer_lowered  }
0x9b: {  	s22 =	simm.s32 $0x1BFF;
	s21 =	sshll.u32 s6, $0x1;
	s3 =	sadd.s32 s4, s19  }
0x9c: {  	s7 =	simm.s32 $0x0;
	s20 =	sshll.u32 s5, $0x1;
	s5 =	sadd.s32 s21, s3  }
0x9d: {  	[timem:s7], [sflag:s22] =	dma.local [hbm:s5], s20  }
0x9e: {  	_ =	swait.ge [sflag:s22], s20  }
0x9f: {  	s4 =	ssub.s32 $0x0, s20;
	[sflag:s22] =	ssyncset.done $0x0  }
0xa0: {  	[sflag:s22] =	ssyncadd.s32 s4;
	_ =	sdelay $0x1  }
0xa1: {  	s23 =	simm.s32 $0x1B8B  }
0xa2: {  	_ =	swait.ge [sflag:s23], $0x1  }
0xa3: {  	[sflag:s23] =	ssyncset.done $0x0  }
0xa4: {  	s25 =	simm.s32 $0x1B8E;
	s24 =	sld [smem:$0x3FFE];
	[sflag:s23] =	ssyncadd.s32 $0xFFFFFFFF  }
0xa5: {  	s26 =	simm.s32 $execute0_lowered;
	[smem:$0x3FD2] =	sst s25  }
0xa6: {  	s5 =	sshll.u32 s26, $0x1;
	_ =	strace $0x80000046;
	[dreg:$0x1] =	wrdreg $0xFFFFFFFF  }
0xa7: {  	s28 =	simm.s32 $_size_execute0_lowered;
	s3 =	sadd.s32 s3, s5;
	[dreg:$0x0] =	wrdreg $0x0  }
0xa8: {  	s5 =	sshll.u32 s28, $0x1;
	[dreg:$0x2] =	wrdreg s3  }
0xa9: {  	[dreg:$0x3] =	wrdreg s5  }
0xaa: {  	[dreg:$0x4] =	wrdreg $0xC0  }
0xab: {  	_ =	task [dreg:s7], $0x5FFFF  }
0xac: {  	[dreg:$0x1] =	wrdreg $0xFFFFFFFF  }
0xad: {  	[dreg:$0x0] =	wrdreg $0x60  }
0xae: {  	[dreg:$0x2] =	wrdreg s24  }
0xaf: {  	[dreg:$0x3] =	wrdreg s2  }
0xb0: {  	[dreg:$0x4] =	wrdreg $0x41000  }
0xb1: {  	[dreg:$0x5] =	wrdreg $0x181800  }
0xb2: {  	[dreg:$0x6] =	wrdreg $0x9  }
0xb3: {  	_ =	task.clear_ibuf [dreg:s7], $0x7FFFF;
	_ =	strace $0x90000046  }
0xb4: {  	s29 =	simm.s32 $0x9;
	_ =	strace $0x80000048  }
0xb5: {  	_ =	swait.ge [sflag:s29], $0x1  }
0xb6: {  	[sflag:s29] =	ssyncadd.s32 $0xFFFFFFFF  }
0xb7: {  	_ =	strace $0x90000048  }
0xb8: {  	_ =	sfence  }
0xb9: {  	s30 =	sld [smem:$0x0];
	_ =	sdelay $0x2  }
0xba: {  	s31 =	sshll.u32 s1, $0xD;
	s1 =	sshrl.u32 s1, $0x2  }
0xbb: {  	s3 =	sand.u32 $0x4000, s31;
	s1 =	sadd.s32 s1, s30  }
0xbc: {  	s0 =	sor.u32 s3, s0;
	s1 =	sshll.u32 s1, $0x11  }
0xbd: {  	s0 =	sor.u32 s1, s0  }
0xbe: {  	s0 =	sadd.s32 $0x8F2B, s0  }
0xbf: {  	[sflag:s0] =	ssyncadd.remote.s32 $0x1  }
0xc0: {  	_ =	sfence.sel $0xFFFF  }
0xc1: {  	[dreg:$0x0] =	wrdreg $0xFFFFFFFF;
	(pc) =	sbr.abs _section_cstart, $3  }
0xc2: {  	[dreg:$0x1] =	wrdreg $0xFFFFFFFF  }
0xc3: {  	_ =	task.clear_ibuf [dreg:s7], $0x2FFFF;
	_ =	strace $0x9FFFFFFF  }
0xc4: {  	(tm) =	ssettm $0x7FFFFFFF  }
0xc5: {  	_ =	shalt  }
tec
execute0_lowered:
.L_overlay_start_1:
0x0: {  	(tag) =	ssettag $0x1  }
0x1: {  	s0 =	rddreg [dreg:$0x0]  }
0x2: {  	s1 =	rddreg [dreg:$0x1]  }
0x3: {  	s2 =	rddreg [dreg:$0x2]  }
0x4: {  	s3 =	rddreg [dreg:$0x3]  }
0x5: {  	s4 =	simm.s32 $0x0;
	s6 =	srdreg.scid;
	s17 =	stileid.u32  }
0x6: {  	s28 =	simm.s32 $0x1;
	s29 =	simm.s32 $0x0;
	[smem:$0x7FF] =	sst s4  }
0x7: {  	s5 =	sadd.s32 $0xB800, s0;
	s11 =	sand.u32 $0x1, s6;
	s6 =	sadd.s32 $0x1A00, s0  }
0x8: {  	s7 =	sadd.s32 $0x32A00, s0;
	s8 =	sadd.s32 $0x33400, s0;
	s22 =	sadd.s32 $0x33200, s0  }
0x9: {  	s10 =	ssub.s32 $0x5D, s17;
	s12 =	sadd.s32 $0x138000, s2;
	s13 =	sadd.s32 $0x13800, s3  }
0xa: {  	s26 =	sshll.u32 s17, $0xE;
	_ =	strace $0x80000047;
	[dreg:$0x5] =	wrdreg s7  }
0xb: {  	s31 =	sshll.u32 s17, $0xA;
	s21 =	smul.u32 $0x27100, s11;
	[dreg:$0x6] =	wrdreg s8  }
0xc: {  	p0 =	sne.s32 s17, $0x0;
	[dreg:$0x7] =	wrdreg s22;
	s23 =	smul.u32 $0x2710, s11  }
0xd: {  	s24 =	ssub.s32 $0x2, s11;
	s18 =	sshll.u32 s11, $0x4;
	s10 =	sshrl.u32 s10, $0x4  }
0xe: {  	s7 =	sshll.u32 s17, $0x7;
	s11 =	sshll.u32 s11, $0xB;
	s22 =	simm.s32 $0x100  }
0xf: {  	s25 =	sshrl.u32 s24, $0x1;
	s30 =	sor.u32 s18, s17;
	s18 =	sadd.s32 s31, s3  }
0x10: {  	s20 =	sor.u32 s7, s11;
	s14 =	sadd.s32 s21, s0;
	s0 =	sadd.s32 s23, s0  }
0x11: {  	s8 =	ssub.s32 s24, s25;
	s21 =	sshll.u32 s17, $0xB;
	s23 =	simm.s32 $0x2  }
0x12: {  	s24 =	simm.s32 $0x17D80;
	s25 =	simm.s32 $0x17980;
	s14 =	sadd.s32 $0x38600, s14  }
0x13: {  	s15 =	sadd.s32 $0x33600, s0;
	s16 =	smax.u32 s8, $0x1;
	s0 =	ssub.s32 $0x9E3, s30  }
0x14: {  	s8 =	sadd.s32 s26, s2;
	s26 =	simm.s32 $0x80;
	s19 =	sshrl.u32 s0, $0x5  }
.LBB2_1:
0x15: {  	s0 =	rddreg [dreg:$0x5]  }
0x16: {  	[tilespmem:s22], [sflag:$0x2] =	stream.linear.gather [hbm4b:s0+s4], $0x4000, $0x38;
	[tilespmem:$0x19508] =	vst v63  }
0x17: {  	_ =	swait.ge [sflag:s23], $0x4000  }
0x18: {  	[sflag:s23] =	ssyncset.done $0x0  }
0x19: {  	s30 =	rddreg [dreg:$0x6];
	[sflag:s23] =	ssyncadd.s32 $0xFFFFC000  }
0x1a: {  	[tilespmem:s24], [sflag:$0x2] =	stream.linear.gather [hbm4b:s30+s4], $0x400, $0x38;
	[tilespmem:$0x19508] =	vst v63  }
0x1b: {  	_ =	swait.ge [sflag:s23], $0x400  }
0x1c: {  	[sflag:s23] =	ssyncset.done $0x0  }
0x1d: {  	s31 =	rddreg [dreg:$0x7];
	[sflag:s23] =	ssyncadd.s32 $0xFFFFFC00  }
0x1e: {  	[tilespmem:s25], [sflag:$0x2] =	stream.linear.gather [hbm4b:s31+s4], $0x400, $0x38;
	[tilespmem:$0x19508] =	vst v63  }
0x1f: {  	_ =	swait.ge [sflag:s23], $0x400  }
0x20: {  	[sflag:s23] =	ssyncset.done $0x0  }
0x21: {  	[sflag:s23] =	ssyncadd.s32 $0xFFFFFC00  }
0x22: {  	[spmem:s8] =	stream.linear.scatter [tilespmem:s22], [sflag:$0x2], $0x4000, $0x38;
	[tilespmem:$0x19508] =	vst v63  }
0x23: {  	p1 =	sne.s32 s10, $0x1;
	_ =	swait.ge [sflag:s23], $0x4000  }
.Ltmp0:
0x24: {  	[sflag:s23] =	ssyncset.done $0x0;
	(pc) =	sbr.rel @!p1 .LBB2_3-.Ltmp0, $4  }
0x25: {  	[sflag:s23] =	ssyncadd.s32 $0xFFFFC000  }
0x26: {  	[spmem:s18] =	stream.linear.scatter [tilespmem:s24], [sflag:$0x2], $0x400, $0x38;
	[tilespmem:$0x19508] =	vst v63  }
0x27: {  	s11 =	smov.u32 s8;
	_ =	swait.ge [sflag:s23], $0x400  }
0x28: {  	s17 =	smov.u32 s18;
	s0 =	sadd.s32 $0xFFFFFFFF, s10;
	[sflag:s23] =	ssyncset.done $0x0  }
.LBB2_2:
0x29: {  	[sflag:s23] =	ssyncadd.s32 $0xFFFFFC00;
	s11 =	sadd.s32 $0x40000, s11;
	s17 =	sadd.s32 $0x4000, s17  }
0x2a: {  	[spmem:s11] =	stream.linear.scatter [tilespmem:s22], [sflag:$0x2], $0x4000, $0x38;
	[tilespmem:$0x19508] =	vst v63  }
0x2b: {  	p2 =	sne.s32 s0, $0x1;
	s0 =	sadd.s32 $0xFFFFFFFF, s0;
	_ =	swait.ge [sflag:s23], $0x4000  }
.Ltmp1:
0x2c: {  	[sflag:s23] =	ssyncset.done $0x0;
	(pc) =	sbr.rel @p2 .LBB2_2-.Ltmp1, $4  }
0x2d: {  	[sflag:s23] =	ssyncadd.s32 $0xFFFFC000  }
0x2e: {  	[spmem:s17] =	stream.linear.scatter [tilespmem:s24], [sflag:$0x2], $0x400, $0x38;
	[tilespmem:$0x19508] =	vst v63  }
0x2f: {  	_ =	swait.ge [sflag:s23], $0x400  }
0x30: {  	[sflag:s23] =	ssyncset.done $0x0  }
.LBB2_3:
0x31: {  	[sflag:s23] =	ssyncadd.s32 $0xFFFFFC00;
	s0 =	simm.s32 @!p0 $0x100  }
0x32: {  	[spmem:s12] =	stream.linear.scatter @!p0 [tilespmem:s0], [sflag:$0x2], $0x800, $0x38;
	[tilespmem:$0x19508] =	vst v63  }
0x33: {  	s0 =	simm.s32 @!p0 $0x2  }
0x34: {  	_ =	swait.ge @!p0 [sflag:s0], $0x800  }
0x35: {  	[sflag:s0] =	ssyncset.done @!p0 $0x0  }
0x36: {  	s11 =	simm.s32 @!p0 $0x17D80;
	p3 =	sne.s32 s19, $0x1;
	[sflag:s0] =	ssyncadd.s32 @!p0 $0xFFFFF800  }
0x37: {  	[spmem:s13] =	stream.linear.scatter @!p0 [tilespmem:s11], [sflag:$0x2], $0x80, $0x38;
	[tilespmem:$0x19508] =	vst v63  }
.Ltmp2:
0x38: {  	_ =	swait.ge @!p0 [sflag:s0], $0x80;
	(pc) =	sbr.rel @!p3 .LBB2_6-.Ltmp2, $4  }
0x39: {  	[sflag:s0] =	ssyncset.done @!p0 $0x0  }
0x3a: {  	[sflag:s0] =	ssyncadd.s32 @!p0 $0xFFFFFF80  }
0x3b: {  	[bflag:$0x0] =	sbarrier.arrive $0xFFFF  }
0x3c: {  	p2 =	por $0x0, $0x0;
	s11 =	sadd.s32 $0xFFFFFFFF, s19;
	s0 =	sshrl.u32 s20, $0x3  }
0x3d: {  	s17 =	sadd.s32 s6, s0  }
0x3e: {  	[tilespmem:s4], [sflag:$0x2] =	stream.linear.gather [hbm4b:s17+s4], $0x80, $0x38;
	[tilespmem:$0x19508] =	vst v63  }
0x3f: {  	_ =	swait.ge [sflag:s23], $0x80  }
0x40: {  	[sflag:s23] =	ssyncset.done $0x0  }
0x41: {  	s17 =	sadd.s32 s1, s0;
	[sflag:s23] =	ssyncadd.s32 $0xFFFFFF80  }
0x42: {  	[tilespmem:s26], [sflag:$0x2] =	stream.linear.gather [hbm4b:s17+s4], $0x80, $0x38;
	[tilespmem:$0x19508] =	vst v63  }
0x43: {  	_ =	swait.ge [sflag:s23], $0x80  }
0x44: {  	[sflag:s23] =	ssyncset.done $0x0  }
0x45: {  	[sflag:s23] =	ssyncadd.s32 $0xFFFFFF80  }
0x46: {  	[tilespmem:s22], [sflag:$0x1] =	stream.indirect.gather [hbm4b:s5+s26], $0x80, s4, s26, $0xb8;
	[tilespmem:$0x19508] =	vst v63  }
0x47: {  	_ =	swait.ge [sflag:s28], $0x4000  }
0x48: {  	[sflag:s28] =	ssyncset.done $0x0  }
0x49: {  	[sflag:s28] =	ssyncadd.s32 $0xFFFFC000  }
0x4a: {  	[spmem:s2] =	stream.indirect.scatter.add.f32 [tilespmem:s22], [sflag:$0x2], $0x80, s26, s26, $0xb8;
	[tilespmem:$0x19508] =	vst v63  }
0x4b: {  	p3 =	sne.s32 s11, $0x1;
	_ =	swait.ge [sflag:s23], $0x4000  }
.Ltmp3:
0x4c: {  	[sflag:s23] =	ssyncset.done $0x0;
	(pc) =	sbr.rel @!p3 .LBB2_6-.Ltmp3, $4  }
0x4d: {  	[sflag:s23] =	ssyncadd.s32 $0xFFFFC000  }
0x4e: {  	[spmem:s3] =	stream.indirect.scatter.add.f32 [tilespmem:s25], [sflag:$0x2], $0x8, s26, s26, $0xb8;
	[tilespmem:$0x19508] =	vst v63  }
0x4f: {  	s30 =	sadd.s32 $0xFFFFFFFF, s11;
	s31 =	sadd.s32 $0x1000, s20;
	_ =	swait.ge [sflag:s23], $0x400  }
0x50: {  	p2 =	por $0x1, $0x1;
	s0 =	sshrl.u32 s31, $0x3;
	[sflag:s23] =	ssyncset.done $0x0  }
.LBB2_5:
0x51: {  	p3 =	sne.s32 s30, $0x1;
	s11 =	sadd.s32 s6, s0;
	[sflag:s23] =	ssyncadd.s32 $0xFFFFFC00  }
0x52: {  	[tilespmem:s4], [sflag:$0x2] =	stream.linear.gather [hbm4b:s11+s4], $0x80, $0x38;
	[tilespmem:$0x19508] =	vst v63  }
0x53: {  	s30 =	sadd.s32 $0xFFFFFFFF, s30;
	_ =	swait.ge [sflag:s23], $0x80  }
0x54: {  	[sflag:s23] =	ssyncset.done $0x0  }
0x55: {  	s0 =	sadd.s32 s1, s0;
	[sflag:s23] =	ssyncadd.s32 $0xFFFFFF80  }
0x56: {  	[tilespmem:s26], [sflag:$0x2] =	stream.linear.gather [hbm4b:s0+s4], $0x80, $0x38;
	[tilespmem:$0x19508] =	vst v63  }
0x57: {  	_ =	swait.ge [sflag:s23], $0x80  }
0x58: {  	[sflag:s23] =	ssyncset.done $0x0  }
0x59: {  	[sflag:s23] =	ssyncadd.s32 $0xFFFFFF80  }
0x5a: {  	[tilespmem:s22], [sflag:$0x1] =	stream.indirect.gather [hbm4b:s5+s26], $0x80, s4, s26, $0xb8;
	[tilespmem:$0x19508] =	vst v63  }
0x5b: {  	_ =	swait.ge [sflag:s28], $0x4000  }
0x5c: {  	[sflag:s28] =	ssyncset.done $0x0  }
0x5d: {  	[sflag:s28] =	ssyncadd.s32 $0xFFFFC000  }
0x5e: {  	[spmem:s2] =	stream.indirect.scatter.add.f32 [tilespmem:s22], [sflag:$0x2], $0x80, s26, s26, $0xb8;
	[tilespmem:$0x19508] =	vst v63  }
0x5f: {  	_ =	swait.ge [sflag:s23], $0x4000  }
.Ltmp4:
0x60: {  	[sflag:s23] =	ssyncset.done $0x0;
	(pc) =	sbr.rel @p3 .LBB2_5-.Ltmp4, $4  }
0x61: {  	[sflag:s23] =	ssyncadd.s32 $0xFFFFC000  }
0x62: {  	[spmem:s3] =	stream.indirect.scatter.add.f32 [tilespmem:s25], [sflag:$0x2], $0x8, s26, s26, $0xb8;
	[tilespmem:$0x19508] =	vst v63  }
0x63: {  	s31 =	sadd.s32 $0x1000, s31;
	_ =	swait.ge [sflag:s23], $0x400  }
0x64: {  	s0 =	sshrl.u32 s31, $0x3;
	[sflag:s23] =	ssyncset.done $0x0  }
.LBB2_6:
0x65: {  	s11 =	sadd.s32 s6, s0;
	[sflag:s23] =	ssyncadd.s32 @p2 $0xFFFFFC00  }
0x66: {  	[tilespmem:s4], [sflag:$0x2] =	stream.linear.gather [hbm4b:s11+s4], $0x80, $0x38;
	[tilespmem:$0x19508] =	vst v63  }
0x67: {  	_ =	swait.ge [sflag:s23], $0x80  }
0x68: {  	[sflag:s23] =	ssyncset.done $0x0  }
0x69: {  	s9 =	sadd.s32 s1, s0;
	[sflag:s23] =	ssyncadd.s32 $0xFFFFFF80  }
0x6a: {  	[tilespmem:s26], [sflag:$0x2] =	stream.linear.gather [hbm4b:s9+s4], $0x80, $0x38;
	[tilespmem:$0x19508] =	vst v63  }
0x6b: {  	_ =	swait.ge [sflag:s23], $0x80  }
0x6c: {  	[sflag:s23] =	ssyncset.done $0x0  }
0x6d: {  	[sflag:s23] =	ssyncadd.s32 $0xFFFFFF80  }
0x6e: {  	[tilespmem:s22], [sflag:$0x1] =	stream.indirect.gather [hbm4b:s5+s26], $0x80, s4, s26, $0xb8;
	[tilespmem:$0x19508] =	vst v63  }
0x6f: {  	_ =	swait.ge [sflag:s28], $0x4000  }
0x70: {  	[sflag:s28] =	ssyncset.done $0x0  }
0x71: {  	[sflag:s28] =	ssyncadd.s32 $0xFFFFC000  }
0x72: {  	[spmem:s2] =	stream.indirect.scatter.add.f32 [tilespmem:s22], [sflag:$0x2], $0x80, s26, s26, $0xb8;
	[tilespmem:$0x19508] =	vst v63  }
0x73: {  	_ =	swait.ge [sflag:s23], $0x4000  }
0x74: {  	[sflag:s23] =	ssyncset.done $0x0  }
0x75: {  	[sflag:s23] =	ssyncadd.s32 $0xFFFFC000  }
0x76: {  	[spmem:s3] =	stream.indirect.scatter.add.f32 [tilespmem:s25], [sflag:$0x2], $0x8, s26, s26, $0xb8;
	[tilespmem:$0x19508] =	vst v63  }
0x77: {  	_ =	swait.ge [sflag:s23], $0x400  }
0x78: {  	[sflag:s23] =	ssyncset.done $0x0  }
0x79: {  	[sflag:s23] =	ssyncadd.s32 $0xFFFFFC00  }
0x7a: {  	[bflag:$0x0] =	sbarrier.arrive $0xFFFF  }
0x7b: {  	[tilespmem:s22], [sflag:$0x2] =	stream.linear.gather [spmem:s8], $0x4000, $0x38;
	[tilespmem:$0x19508] =	vst v63  }
0x7c: {  	_ =	swait.ge [sflag:s23], $0x4000  }
0x7d: {  	[sflag:s23] =	ssyncset.done $0x0  }
0x7e: {  	s11 =	sadd.s32 s21, s14;
	[sflag:s23] =	ssyncadd.s32 $0xFFFFC000  }
0x7f: {  	[hbm4b:s11+s4] =	stream.linear.scatter [tilespmem:s22], [sflag:$0x2], $0x4000, $0x38;
	[tilespmem:$0x19508] =	vst v63  }
0x80: {  	_ =	swait.ge [sflag:s23], $0x4000  }
0x81: {  	[sflag:s23] =	ssyncset.done $0x0  }
0x82: {  	[sflag:s23] =	ssyncadd.s32 $0xFFFFC000  }
0x83: {  	[tilespmem:s24], [sflag:$0x2] =	stream.linear.gather [spmem:s18], $0x400, $0x38;
	[tilespmem:$0x19508] =	vst v63  }
0x84: {  	_ =	swait.ge [sflag:s23], $0x400  }
.Ltmp5:
0x85: {  	[sflag:s23] =	ssyncset.done $0x0;
	(pc) =	sbr.rel @!p1 .LBB2_8-.Ltmp5, $4  }
0x86: {  	s17 =	sadd.s32 s7, s15;
	s30 =	sadd.s32 $0xFFFFFFFF, s10;
	[sflag:s23] =	ssyncadd.s32 $0xFFFFFC00  }
0x87: {  	[hbm4b:s17+s4] =	stream.linear.scatter [tilespmem:s24], [sflag:$0x2], $0x400, $0x38;
	[tilespmem:$0x19508] =	vst v63  }
0x88: {  	s31 =	sadd.s32 $0x8000, s21;
	s0 =	sadd.s32 $0x4000, s18;
	_ =	swait.ge [sflag:s23], $0x400  }
0x89: {  	s11 =	smov.u32 s7;
	s17 =	smov.u32 s8;
	[sflag:s23] =	ssyncset.done $0x0  }
.LBB2_7:
0x8a: {  	[sflag:s23] =	ssyncadd.s32 $0xFFFFFC00;
	s11 =	sadd.s32 $0x800, s11;
	s17 =	sadd.s32 $0x40000, s17  }
0x8b: {  	[tilespmem:s22], [sflag:$0x2] =	stream.linear.gather [spmem:s17], $0x4000, $0x38;
	[tilespmem:$0x19508] =	vst v63  }
0x8c: {  	p1 =	sne.s32 s30, $0x1;
	s30 =	sadd.s32 $0xFFFFFFFF, s30;
	_ =	swait.ge [sflag:s23], $0x4000  }
0x8d: {  	[sflag:s23] =	ssyncset.done $0x0  }
0x8e: {  	s9 =	sadd.s32 s31, s14;
	[sflag:s23] =	ssyncadd.s32 $0xFFFFC000  }
0x8f: {  	[hbm4b:s9+s4] =	stream.linear.scatter [tilespmem:s22], [sflag:$0x2], $0x4000, $0x38;
	[tilespmem:$0x19508] =	vst v63  }
0x90: {  	_ =	swait.ge [sflag:s23], $0x4000  }
0x91: {  	[sflag:s23] =	ssyncset.done $0x0  }
0x92: {  	[sflag:s23] =	ssyncadd.s32 $0xFFFFC000  }
0x93: {  	[tilespmem:s24], [sflag:$0x2] =	stream.linear.gather [spmem:s0], $0x400, $0x38;
	[tilespmem:$0x19508] =	vst v63  }
0x94: {  	_ =	swait.ge [sflag:s23], $0x400  }
.Ltmp6:
0x95: {  	[sflag:s23] =	ssyncset.done $0x0;
	(pc) =	sbr.rel @p1 .LBB2_7-.Ltmp6, $4  }
0x96: {  	s9 =	sadd.s32 s11, s15;
	[sflag:s23] =	ssyncadd.s32 $0xFFFFFC00  }
0x97: {  	[hbm4b:s9+s4] =	stream.linear.scatter [tilespmem:s24], [sflag:$0x2], $0x400, $0x38;
	[tilespmem:$0x19508] =	vst v63  }
0x98: {  	_ =	swait.ge [sflag:s23], $0x400  }
0x99: {  	s31 =	sadd.s32 $0x8000, s31;
	s0 =	sadd.s32 $0x4000, s0;
	[sflag:s23] =	ssyncset.done $0x0  }
.LBB2_8:
0x9a: {  	[sflag:s23] =	ssyncadd.s32 $0xFFFFFC00;
	s0 =	simm.s32 @!p0 $0x100;
	s9 =	simm.s32 @!p0 $0x2  }
0x9b: {  	[tilespmem:s0], [sflag:$0x2] =	stream.linear.gather @!p0 [spmem:s12], $0x800, $0x38;
	[tilespmem:$0x19508] =	vst v63  }
0x9c: {  	_ =	swait.ge @!p0 [sflag:s9], $0x800  }
0x9d: {  	[sflag:s9] =	ssyncset.done @!p0 $0x0  }
0x9e: {  	s11 =	sadd.s32 @!p0 $0x27000, s14;
	s17 =	simm.s32 @!p0 $0x0;
	[sflag:s9] =	ssyncadd.s32 @!p0 $0xFFFFF800  }
0x9f: {  	[hbm4b:s11+s17] =	stream.linear.scatter @!p0 [tilespmem:s0], [sflag:$0x2], $0x800, $0x38;
	[tilespmem:$0x19508] =	vst v63  }
0xa0: {  	_ =	swait.ge @!p0 [sflag:s9], $0x800  }
0xa1: {  	[sflag:s9] =	ssyncset.done @!p0 $0x0  }
0xa2: {  	s0 =	simm.s32 @!p0 $0x17D80;
	[sflag:s9] =	ssyncadd.s32 @!p0 $0xFFFFF800  }
0xa3: {  	[tilespmem:s0], [sflag:$0x2] =	stream.linear.gather @!p0 [spmem:s13], $0x80, $0x38;
	[tilespmem:$0x19508] =	vst v63  }
0xa4: {  	s29 =	sadd.s32 $0x1, s29;
	_ =	swait.ge @!p0 [sflag:s9], $0x80  }
0xa5: {  	p1 =	sne.s32 s29, s16;
	[sflag:s9] =	ssyncset.done @!p0 $0x0  }
.Ltmp7:
0xa6: {  	s11 =	sadd.s32 @!p0 $0x2700, s15;
	[sflag:s9] =	ssyncadd.s32 @!p0 $0xFFFFFF80;
	(pc) =	sbr.rel @p1 .LBB2_1-.Ltmp7, $4  }
0xa7: {  	[hbm4b:s11+s17] =	stream.linear.scatter @!p0 [tilespmem:s0], [sflag:$0x2], $0x80, $0x38;
	[tilespmem:$0x19508] =	vst v63  }
0xa8: {  	_ =	swait.ge @!p0 [sflag:s9], $0x80  }
0xa9: {  	[sflag:s9] =	ssyncset.done @!p0 $0x0  }
0xaa: {  	[sflag:s9] =	ssyncadd.s32 @!p0 $0xFFFFFF80  }
0xab: {  	_ =	sfence.sel $0x180000  }
0xac: {  	[bflag:$0x0] =	sbarrier.arrive $0xFFFF  }
0xad: {  	_ =	strace $0x90000047  }
0xae: {  	[bflag:$0x2] =	sbarrier.arrive $0xFFFF  }
0xaf: {  	s0 =	rddreg [dreg:$0x4]  }
0xb0: {  	s0 =	sadd.s32 @!p0 $0x100000, s0  }
0xb1: {  	[sflag:s0] =	ssyncadd.tile.s32 @!p0 $0x1;
	_ =	shalt  }
.Lfunc_end2:
_tile_overlayer_lowered:
.L_overlay_start_2:
0xb2: {  	(tag) =	ssettag $0x2  }
0xb3: {  	s0 =	rddreg [dreg:$0x0];
	s2 =	stileid.u32  }
0xb4: {  	s1 =	rddreg [dreg:$0x1];
	p0 =	sne.s32 s2, $0x0  }
0xb5: {  	s3 =	rddreg [dreg:$0x2];
	[bflag:$0x3] =	sbarrier.arrive $0xFFFF;
	s2 =	simm.s32 @!p0 $0x1C02  }
0xb6: {  	[timem:s3], [sflag:s2] =	dma.local @!p0 [hbm:s0], s1  }
0xb7: {  	s0 =	simm.s32 @!p0 $0x2  }
0xb8: {  	_ =	swait.ge @!p0 [sflag:s0], s1  }
0xb9: {  	s1 =	ssub.s32 @!p0 $0x0, s1;
	[sflag:s0] =	ssyncset.done @!p0 $0x0  }
0xba: {  	[sflag:s0] =	ssyncadd.s32 @!p0 s1  }
0xbb: {  	[bflag:$0x3] =	sbarrier.arrive $0xFFFF  }
0xbc: {  	_ =	shalt  }

</sc_bundles>
